<compile_context>
chip_gen: v7x
topology: tpu7x:2x2x1
jax: 0.10.2.dev20260603
libtpu: 0.0.44.dev20260713+nightly
codegen_flags: <defaults>
</compile_context>

<pallas_src>
import functools

import jax
import jax.numpy as jnp
from jax import lax
from jax.experimental import pallas as pl
from jax.experimental.pallas import tpu as pltpu
from jax.experimental.pallas import tpu_sc as plsc

VOCAB = 1000000
N_EMBED = 64
BLOCK = 2048
B, T = 4, 2048

_INFO = plsc.get_sparse_core_info()
_L = _INFO.num_lanes
_NW = _INFO.num_cores * _INFO.num_subcores
_ROWS = B * T
_PER_W = _ROWS // _NW
_VECS = N_EMBED // _L
_TCOL = 128
_DEPTH = 6
_AHEAD = _DEPTH - 1


def _sc_embed(table_t, idx_flat, pos):
    mesh = plsc.VectorSubcoreMesh(core_axis_name="c", subcore_axis_name="s")

    @functools.partial(
        pl.kernel,
        mesh=mesh,
        out_type=jax.ShapeDtypeStruct((_ROWS, N_EMBED), jnp.float32),
        compiler_params=pltpu.CompilerParams(
            use_tc_tiling_on_sc=True, needs_layout_passes=False),
        scratch_types=[
            pltpu.VMEM((_PER_W,), jnp.int32),
            pltpu.VMEM((_DEPTH, N_EMBED, _TCOL), jnp.float32),
            pltpu.VMEM((_PER_W, N_EMBED), jnp.float32),
            pltpu.VMEM((_PER_W, N_EMBED), jnp.float32),
            pltpu.SemaphoreType.DMA,
        ],
    )
    def k(table_hbm, idx_hbm, pos_hbm, out_hbm,
          idx_v, chunk_v, rows_v, pos_v, sem):
        wid = lax.axis_index("s") * _INFO.num_cores + lax.axis_index("c")
        row0 = wid * _PER_W
        t0 = (wid % (T // _PER_W)) * _PER_W

        pltpu.sync_copy(idx_hbm.at[pl.ds(row0, _PER_W)], idx_v)
        pltpu.sync_copy(pos_hbm.at[pl.ds(t0, _PER_W)], pos_v)

        lane = lax.iota(jnp.int32, _L)
        nwaves = _PER_W // _L

        def fire(ti, slot):
            q0 = (ti // _TCOL) * _TCOL
            pltpu.async_copy(
                table_hbm.at[:, pl.ds(pl.multiple_of(q0, _TCOL), _TCOL)],
                chunk_v.at[slot], sem)

        def drain():
            pltpu.make_async_copy(
                table_hbm.at[:, pl.ds(0, _TCOL)], chunk_v.at[0], sem).wait()

        ivec0 = idx_v[pl.ds(0, _L)]
        for j in range(_AHEAD):
            fire(ivec0[j], j)

        def body(g, _):
            ivec = idx_v[pl.ds(g * _L, _L)]
            nvec = idx_v[pl.ds(lax.min(g + 1, nwaves - 1) * _L, _L)]
            for j in range(_L):
                jn = j + _AHEAD
                if jn < _L:
                    fire(ivec[jn], lax.rem(g * _L + jn, _DEPTH))
                else:
                    @pl.when(g + 1 < nwaves)
                    def _():
                        fire(nvec[jn - _L], lax.rem(g * _L + jn, _DEPTH))
                drain()
                r = g * _L + j
                m = lax.rem(ivec[j], _TCOL)
                buf = chunk_v.at[lax.rem(r, _DEPTH)]
                for v in range(_VECS):
                    cvec = plsc.load_gather(buf, [v * _L + lane, m + 0 * lane])
                    sl = pl.ds(v * _L, _L)
                    rows_v[r, sl] = cvec + pos_v[r, sl]
            return 0

        lax.fori_loop(0, nwaves, body, 0)

        pltpu.sync_copy(rows_v, out_hbm.at[pl.ds(row0, _PER_W)])

    return k(table_t, idx_flat, pos)


def kernel(idx, token_table, pos_table):
    idx_flat = idx.astype(jnp.int32).reshape(_ROWS)
    out = _sc_embed(token_table.T, idx_flat, pos_table)
    return out.reshape(B, T, N_EMBED)

# --- scband reference (transcript-rebuilt; emitter-appended) ---
"""Pipeline reference for scband-gpt-72069551226973 (READ-ONLY COPY).

The authoritative reference and input builder live on the scoring server;
editing this copy changes nothing except your own understanding.
"""

import jax, jax.numpy as jnp
import numpy as np

VOCAB = 1000000
N_EMBED = 64
BLOCK = 2048
B, T = 4, 2048

def setup_inputs(seed: int = 0) -> dict:
    key = jax.random.key(seed)
    k1, k2, k3 = jax.random.split(key, 3)
    idx = jax.random.randint(k1, (B, T), 0, VOCAB, dtype=jnp.int64 if jax.config.jax_enable_x64 else jnp.int32)
    token_table = jax.random.normal(k2, (VOCAB, N_EMBED), dtype=jnp.float32)
    pos_table = jax.random.normal(k3, (BLOCK, N_EMBED), dtype=jnp.float32)
    return {"idx": idx, "token_table": token_table, "pos_table": pos_table}

def reference(idx, token_table, pos_table):
    b, t = idx.shape
    token_embeddings = jnp.take(token_table, idx, axis=0)          # [b, t, n_embed]
    positional_embeddings = jnp.take(pos_table, jnp.arange(t), axis=0)  # [t, n_embed]
    return token_embeddings + positional_embeddings[None, :, :]

if __name__ == "__main__":
    import jax
    _d = setup_inputs()
    print(jax.jit(kernel)(*tuple(_d.values())))

</pallas_src>

<mosaic_0001>
#map = affine_map<(d0, d1) -> (0, 0)>
#map1 = affine_map<(d0, d1) -> (0)>
module attributes {stable_mosaic.version = 14 : i64} {
  func.func @k(%arg0: i32, %arg1: i32, %arg2: memref<64x1000000xf32, #tpu.memory_space<hbm>>, %arg3: memref<8192xi32, #tpu.memory_space<hbm>>, %arg4: memref<2048x64xf32, #tpu.memory_space<hbm>>, %arg5: memref<8192x64xf32, #tpu.memory_space<hbm>>, %arg6: memref<256xi32, #tpu.memory_space<vmem>>, %arg7: memref<6x64x128xf32, #tpu.memory_space<vmem>>, %arg8: memref<256x64xf32, #tpu.memory_space<vmem>>, %arg9: memref<256x64xf32, #tpu.memory_space<vmem>>, %arg10: memref<!tpu.dma_semaphore, #tpu.memory_space<semaphore_mem>>) attributes {dimension_semantics = [#tpu.dimension_semantics<core_parallel>, #tpu.dimension_semantics<subcore_parallel>], iteration_bounds = array<i64: 2, 16>, scalar_prefetch = 0 : i64, scratch_operands = 5 : i64, tpu.core_type = #tpu.core_type<sc_vector_subcore>, window_params = [{transform_indices = #map}, {transform_indices = #map1}, {transform_indices = #map}, {transform_indices = #map}]} {
    %mul3A = arith.constant 2 : i32
    %mul3A_0 = arith.muli %arg1, %mul3A : i32
    %add3A = arith.addi %mul3A_0, %arg0 : i32
    %mul3A_1 = arith.constant 256 : i32
    %mul3A_2 = arith.muli %add3A, %mul3A_1 : i32
    %jit3A = arith.constant 8 : i32
    %eq3A = arith.constant 0 : i32
    %eq3A_3 = arith.cmpi eq, %jit3A, %eq3A : i32
    %jit3A_4 = arith.constant 1 : i32
    %select_n3A = arith.select %eq3A_3, %jit3A_4, %jit3A : i32
    %rem3A = arith.remsi %add3A, %select_n3A : i32
    %ne3A = arith.constant 0 : i32
    %ne3A_5 = arith.cmpi ne, %rem3A, %ne3A : i32
    %lt3A = arith.constant 0 : i32
    %lt3A_6 = arith.cmpi slt, %rem3A, %lt3A : i32
    %lt3A_7 = arith.constant 0 : i32
    %lt3A_8 = arith.cmpi slt, %select_n3A, %lt3A_7 : i32
    %ne3A_9 = arith.xori %lt3A_6, %lt3A_8 : i1
    %and3A = arith.andi %ne3A_9, %ne3A_5 : i1
    %add3A_10 = arith.addi %rem3A, %select_n3A : i32
    %select_n3A_11 = arith.select %and3A, %add3A_10, %rem3A : i32
    %mul3A_12 = arith.constant 256 : i32
    %mul3A_13 = arith.muli %select_n3A_11, %mul3A_12 : i32
    "tpu.region"() ({
      %run_scoped3A = tpu.sem_alloc : memref<!tpu.dma_semaphore, #tpu.memory_space<semaphore_mem>>
      %dma_start3A_224 = tpu.memref_slice %arg3[%mul3A_2] : memref<8192xi32, #tpu.memory_space<hbm>> -> memref<256xi32, #tpu.memory_space<hbm>>
      %dma_start3A_225 = tpu.memref_slice %arg3[%mul3A_2] : memref<8192xi32, #tpu.memory_space<hbm>> -> memref<256xi32, #tpu.memory_space<hbm>>
      tpu.enqueue_dma source(%dma_start3A_225 : memref<256xi32, #tpu.memory_space<hbm>>) target(%arg6 : memref<256xi32, #tpu.memory_space<vmem>>) target_semaphore(%run_scoped3A : memref<!tpu.dma_semaphore, #tpu.memory_space<semaphore_mem>>)
      %dma_wait3A = tpu.memref_slice %arg3[%mul3A_2] : memref<8192xi32, #tpu.memory_space<hbm>> -> memref<256xi32, #tpu.memory_space<hbm>>
      %dma_wait3A_226 = tpu.memref_slice %arg3[%mul3A_2] : memref<8192xi32, #tpu.memory_space<hbm>> -> memref<256xi32, #tpu.memory_space<hbm>>
      tpu.wait_dma2 semaphore(%run_scoped3A : memref<!tpu.dma_semaphore, #tpu.memory_space<semaphore_mem>>) src(%dma_wait3A_226 : memref<256xi32, #tpu.memory_space<hbm>>) dst(%arg6 : memref<256xi32, #tpu.memory_space<vmem>>)
      tpu.yield
    }) : () -> ()
    "tpu.region"() ({
      %run_scoped3A = tpu.sem_alloc : memref<!tpu.dma_semaphore, #tpu.memory_space<semaphore_mem>>
      %dma_start3A_224 = arith.constant 0 : i32
      %dma_start3A_225 = tpu.memref_slice %arg4[%mul3A_13, %dma_start3A_224] : memref<2048x64xf32, #tpu.memory_space<hbm>> -> memref<256x64xf32, #tpu.memory_space<hbm>>
      %dma_start3A_226 = arith.constant 0 : i32
      %dma_start3A_227 = tpu.memref_slice %arg4[%mul3A_13, %dma_start3A_226] : memref<2048x64xf32, #tpu.memory_space<hbm>> -> memref<256x64xf32, #tpu.memory_space<hbm>>
      tpu.enqueue_dma source(%dma_start3A_227 : memref<256x64xf32, #tpu.memory_space<hbm>>) target(%arg9 : memref<256x64xf32, #tpu.memory_space<vmem>>) target_semaphore(%run_scoped3A : memref<!tpu.dma_semaphore, #tpu.memory_space<semaphore_mem>>)
      %dma_wait3A = arith.constant 0 : i32
      %dma_wait3A_228 = tpu.memref_slice %arg4[%mul3A_13, %dma_wait3A] : memref<2048x64xf32, #tpu.memory_space<hbm>> -> memref<256x64xf32, #tpu.memory_space<hbm>>
      %dma_wait3A_229 = arith.constant 0 : i32
      %dma_wait3A_230 = tpu.memref_slice %arg4[%mul3A_13, %dma_wait3A_229] : memref<2048x64xf32, #tpu.memory_space<hbm>> -> memref<256x64xf32, #tpu.memory_space<hbm>>
      tpu.wait_dma2 semaphore(%run_scoped3A : memref<!tpu.dma_semaphore, #tpu.memory_space<semaphore_mem>>) src(%dma_wait3A_230 : memref<256x64xf32, #tpu.memory_space<hbm>>) dst(%arg9 : memref<256x64xf32, #tpu.memory_space<vmem>>)
      tpu.yield
    }) : () -> ()
    %iota3A = tpu.iota {dimensions = array<i32: 0>} : vector<16xi32>
    %get3A = arith.constant 0 : index
    %get3A_14 = tpu.vector_load %arg6[%get3A] {strides = array<i32>} : memref<256xi32, #tpu.memory_space<vmem>>, vector<16xi32>,
    %slice3A = vector.extract_strided_slice %get3A_14 {offsets = [0], sizes = [1], strides = [1]} : vector<16xi32> to vector<1xi32>
    %squeeze3A = vector.extract %slice3A[0] : i32 from vector<1xi32>
    %jit3A_15 = arith.constant 128 : i32
    %div3A = arith.divsi %squeeze3A, %jit3A_15 : i32
    %sign3A = arith.constant 0 : i32
    %sign3A_16 = arith.cmpi sgt, %squeeze3A, %sign3A : i32
    %sign3A_17 = arith.extui %sign3A_16 : i1 to i32
    %sign3A_18 = arith.constant 0 : i32
    %sign3A_19 = arith.cmpi slt, %squeeze3A, %sign3A_18 : i32
    %sign3A_20 = arith.extui %sign3A_19 : i1 to i32
    %sign3A_21 = arith.subi %sign3A_17, %sign3A_20 : i32
    %sign3A_22 = arith.constant 0 : i32
    %sign3A_23 = arith.cmpi sgt, %jit3A_15, %sign3A_22 : i32
    %sign3A_24 = arith.extui %sign3A_23 : i1 to i32
    %sign3A_25 = arith.constant 0 : i32
    %sign3A_26 = arith.cmpi slt, %jit3A_15, %sign3A_25 : i32
    %sign3A_27 = arith.extui %sign3A_26 : i1 to i32
    %sign3A_28 = arith.subi %sign3A_24, %sign3A_27 : i32
    %ne3A_29 = arith.cmpi ne, %sign3A_21, %sign3A_28 : i32
    %rem3A_30 = arith.remsi %squeeze3A, %jit3A_15 : i32
    %ne3A_31 = arith.constant 0 : i32
    %ne3A_32 = arith.cmpi ne, %rem3A_30, %ne3A_31 : i32
    %and3A_33 = arith.andi %ne3A_29, %ne3A_32 : i1
    %sub3A = arith.constant 1 : i32
    %sub3A_34 = arith.subi %div3A, %sub3A : i32
    %select_n3A_35 = arith.select %and3A_33, %sub3A_34, %div3A : i32
    %mul3A_36 = arith.constant 128 : i32
    %mul3A_37 = arith.muli %select_n3A_35, %mul3A_36 : i32
    %multiple_of3A = tpu.assume_multiple %mul3A_37, 128 : i32
    %dma_start3A = arith.constant 0 : i32
    %dma_start3A_38 = arith.constant 0 : i32
    %dma_start3A_39 = arith.constant 0 : i32
    %dma_start3A_40 = tpu.memref_slice %arg7[%dma_start3A, %dma_start3A_38, %dma_start3A_39] : memref<6x64x128xf32, #tpu.memory_space<vmem>> -> memref<1x64x128xf32, #tpu.memory_space<vmem>>
    %dma_start3A_41 = tpu.memref_squeeze %dma_start3A_40 : memref<1x64x128xf32, #tpu.memory_space<vmem>> -> memref<64x128xf32, #tpu.memory_space<vmem>>
    %dma_start3A_42 = arith.constant 0 : i32
    %dma_start3A_43 = tpu.memref_slice %arg2[%dma_start3A_42, %multiple_of3A] : memref<64x1000000xf32, #tpu.memory_space<hbm>> -> memref<64x128xf32, #tpu.memory_space<hbm>>
    %dma_start3A_44 = arith.constant 0 : i32
    %dma_start3A_45 = arith.constant 0 : i32
    %dma_start3A_46 = tpu.memref_slice %arg7[%dma_start3A, %dma_start3A_44, %dma_start3A_45] : memref<6x64x128xf32, #tpu.memory_space<vmem>> -> memref<1x64x128xf32, #tpu.memory_space<vmem>>
    %dma_start3A_47 = tpu.memref_squeeze %dma_start3A_46 : memref<1x64x128xf32, #tpu.memory_space<vmem>> -> memref<64x128xf32, #tpu.memory_space<vmem>>
    %dma_start3A_48 = arith.constant 0 : i32
    %dma_start3A_49 = tpu.memref_slice %arg2[%dma_start3A_48, %multiple_of3A] : memref<64x1000000xf32, #tpu.memory_space<hbm>> -> memref<64x128xf32, #tpu.memory_space<hbm>>
    tpu.enqueue_dma source(%dma_start3A_49 : memref<64x128xf32, #tpu.memory_space<hbm>>) target(%dma_start3A_47 : memref<64x128xf32, #tpu.memory_space<vmem>>) target_semaphore(%arg10 : memref<!tpu.dma_semaphore, #tpu.memory_space<semaphore_mem>>)
    %slice3A_50 = vector.extract_strided_slice %get3A_14 {offsets = [1], sizes = [1], strides = [1]} : vector<16xi32> to vector<1xi32>
    %squeeze3A_51 = vector.extract %slice3A_50[0] : i32 from vector<1xi32>
    %jit3A_52 = arith.constant 128 : i32
    %div3A_53 = arith.divsi %squeeze3A_51, %jit3A_52 : i32
    %sign3A_54 = arith.constant 0 : i32
    %sign3A_55 = arith.cmpi sgt, %squeeze3A_51, %sign3A_54 : i32
    %sign3A_56 = arith.extui %sign3A_55 : i1 to i32
    %sign3A_57 = arith.constant 0 : i32
    %sign3A_58 = arith.cmpi slt, %squeeze3A_51, %sign3A_57 : i32
    %sign3A_59 = arith.extui %sign3A_58 : i1 to i32
    %sign3A_60 = arith.subi %sign3A_56, %sign3A_59 : i32
    %sign3A_61 = arith.constant 0 : i32
    %sign3A_62 = arith.cmpi sgt, %jit3A_52, %sign3A_61 : i32
    %sign3A_63 = arith.extui %sign3A_62 : i1 to i32
    %sign3A_64 = arith.constant 0 : i32
    %sign3A_65 = arith.cmpi slt, %jit3A_52, %sign3A_64 : i32
    %sign3A_66 = arith.extui %sign3A_65 : i1 to i32
    %sign3A_67 = arith.subi %sign3A_63, %sign3A_66 : i32
    %ne3A_68 = arith.cmpi ne, %sign3A_60, %sign3A_67 : i32
    %rem3A_69 = arith.remsi %squeeze3A_51, %jit3A_52 : i32
    %ne3A_70 = arith.constant 0 : i32
    %ne3A_71 = arith.cmpi ne, %rem3A_69, %ne3A_70 : i32
    %and3A_72 = arith.andi %ne3A_68, %ne3A_71 : i1
    %sub3A_73 = arith.constant 1 : i32
    %sub3A_74 = arith.subi %div3A_53, %sub3A_73 : i32
    %select_n3A_75 = arith.select %and3A_72, %sub3A_74, %div3A_53 : i32
    %mul3A_76 = arith.constant 128 : i32
    %mul3A_77 = arith.muli %select_n3A_75, %mul3A_76 : i32
    %multiple_of3A_78 = tpu.assume_multiple %mul3A_77, 128 : i32
    %dma_start3A_79 = arith.constant 1 : i32
    %dma_start3A_80 = arith.constant 0 : i32
    %dma_start3A_81 = arith.constant 0 : i32
    %dma_start3A_82 = tpu.memref_slice %arg7[%dma_start3A_79, %dma_start3A_80, %dma_start3A_81] : memref<6x64x128xf32, #tpu.memory_space<vmem>> -> memref<1x64x128xf32, #tpu.memory_space<vmem>>
    %dma_start3A_83 = tpu.memref_squeeze %dma_start3A_82 : memref<1x64x128xf32, #tpu.memory_space<vmem>> -> memref<64x128xf32, #tpu.memory_space<vmem>>
    %dma_start3A_84 = arith.constant 0 : i32
    %dma_start3A_85 = tpu.memref_slice %arg2[%dma_start3A_84, %multiple_of3A_78] : memref<64x1000000xf32, #tpu.memory_space<hbm>> -> memref<64x128xf32, #tpu.memory_space<hbm>>
    %dma_start3A_86 = arith.constant 0 : i32
    %dma_start3A_87 = arith.constant 0 : i32
    %dma_start3A_88 = tpu.memref_slice %arg7[%dma_start3A_79, %dma_start3A_86, %dma_start3A_87] : memref<6x64x128xf32, #tpu.memory_space<vmem>> -> memref<1x64x128xf32, #tpu.memory_space<vmem>>
    %dma_start3A_89 = tpu.memref_squeeze %dma_start3A_88 : memref<1x64x128xf32, #tpu.memory_space<vmem>> -> memref<64x128xf32, #tpu.memory_space<vmem>>
    %dma_start3A_90 = arith.constant 0 : i32
    %dma_start3A_91 = tpu.memref_slice %arg2[%dma_start3A_90, %multiple_of3A_78] : memref<64x1000000xf32, #tpu.memory_space<hbm>> -> memref<64x128xf32, #tpu.memory_space<hbm>>
    tpu.enqueue_dma source(%dma_start3A_91 : memref<64x128xf32, #tpu.memory_space<hbm>>) target(%dma_start3A_89 : memref<64x128xf32, #tpu.memory_space<vmem>>) target_semaphore(%arg10 : memref<!tpu.dma_semaphore, #tpu.memory_space<semaphore_mem>>)
    %slice3A_92 = vector.extract_strided_slice %get3A_14 {offsets = [2], sizes = [1], strides = [1]} : vector<16xi32> to vector<1xi32>
    %squeeze3A_93 = vector.extract %slice3A_92[0] : i32 from vector<1xi32>
    %jit3A_94 = arith.constant 128 : i32
    %div3A_95 = arith.divsi %squeeze3A_93, %jit3A_94 : i32
    %sign3A_96 = arith.constant 0 : i32
    %sign3A_97 = arith.cmpi sgt, %squeeze3A_93, %sign3A_96 : i32
    %sign3A_98 = arith.extui %sign3A_97 : i1 to i32
    %sign3A_99 = arith.constant 0 : i32
    %sign3A_100 = arith.cmpi slt, %squeeze3A_93, %sign3A_99 : i32
    %sign3A_101 = arith.extui %sign3A_100 : i1 to i32
    %sign3A_102 = arith.subi %sign3A_98, %sign3A_101 : i32
    %sign3A_103 = arith.constant 0 : i32
    %sign3A_104 = arith.cmpi sgt, %jit3A_94, %sign3A_103 : i32
    %sign3A_105 = arith.extui %sign3A_104 : i1 to i32
    %sign3A_106 = arith.constant 0 : i32
    %sign3A_107 = arith.cmpi slt, %jit3A_94, %sign3A_106 : i32
    %sign3A_108 = arith.extui %sign3A_107 : i1 to i32
    %sign3A_109 = arith.subi %sign3A_105, %sign3A_108 : i32
    %ne3A_110 = arith.cmpi ne, %sign3A_102, %sign3A_109 : i32
    %rem3A_111 = arith.remsi %squeeze3A_93, %jit3A_94 : i32
    %ne3A_112 = arith.constant 0 : i32
    %ne3A_113 = arith.cmpi ne, %rem3A_111, %ne3A_112 : i32
    %and3A_114 = arith.andi %ne3A_110, %ne3A_113 : i1
    %sub3A_115 = arith.constant 1 : i32
    %sub3A_116 = arith.subi %div3A_95, %sub3A_115 : i32
    %select_n3A_117 = arith.select %and3A_114, %sub3A_116, %div3A_95 : i32
    %mul3A_118 = arith.constant 128 : i32
    %mul3A_119 = arith.muli %select_n3A_117, %mul3A_118 : i32
    %multiple_of3A_120 = tpu.assume_multiple %mul3A_119, 128 : i32
    %dma_start3A_121 = arith.constant 2 : i32
    %dma_start3A_122 = arith.constant 0 : i32
    %dma_start3A_123 = arith.constant 0 : i32
    %dma_start3A_124 = tpu.memref_slice %arg7[%dma_start3A_121, %dma_start3A_122, %dma_start3A_123] : memref<6x64x128xf32, #tpu.memory_space<vmem>> -> memref<1x64x128xf32, #tpu.memory_space<vmem>>
    %dma_start3A_125 = tpu.memref_squeeze %dma_start3A_124 : memref<1x64x128xf32, #tpu.memory_space<vmem>> -> memref<64x128xf32, #tpu.memory_space<vmem>>
    %dma_start3A_126 = arith.constant 0 : i32
    %dma_start3A_127 = tpu.memref_slice %arg2[%dma_start3A_126, %multiple_of3A_120] : memref<64x1000000xf32, #tpu.memory_space<hbm>> -> memref<64x128xf32, #tpu.memory_space<hbm>>
    %dma_start3A_128 = arith.constant 0 : i32
    %dma_start3A_129 = arith.constant 0 : i32
    %dma_start3A_130 = tpu.memref_slice %arg7[%dma_start3A_121, %dma_start3A_128, %dma_start3A_129] : memref<6x64x128xf32, #tpu.memory_space<vmem>> -> memref<1x64x128xf32, #tpu.memory_space<vmem>>
    %dma_start3A_131 = tpu.memref_squeeze %dma_start3A_130 : memref<1x64x128xf32, #tpu.memory_space<vmem>> -> memref<64x128xf32, #tpu.memory_space<vmem>>
    %dma_start3A_132 = arith.constant 0 : i32
    %dma_start3A_133 = tpu.memref_slice %arg2[%dma_start3A_132, %multiple_of3A_120] : memref<64x1000000xf32, #tpu.memory_space<hbm>> -> memref<64x128xf32, #tpu.memory_space<hbm>>
    tpu.enqueue_dma source(%dma_start3A_133 : memref<64x128xf32, #tpu.memory_space<hbm>>) target(%dma_start3A_131 : memref<64x128xf32, #tpu.memory_space<vmem>>) target_semaphore(%arg10 : memref<!tpu.dma_semaphore, #tpu.memory_space<semaphore_mem>>)
    %slice3A_134 = vector.extract_strided_slice %get3A_14 {offsets = [3], sizes = [1], strides = [1]} : vector<16xi32> to vector<1xi32>
    %squeeze3A_135 = vector.extract %slice3A_134[0] : i32 from vector<1xi32>
    %jit3A_136 = arith.constant 128 : i32
    %div3A_137 = arith.divsi %squeeze3A_135, %jit3A_136 : i32
    %sign3A_138 = arith.constant 0 : i32
    %sign3A_139 = arith.cmpi sgt, %squeeze3A_135, %sign3A_138 : i32
    %sign3A_140 = arith.extui %sign3A_139 : i1 to i32
    %sign3A_141 = arith.constant 0 : i32
    %sign3A_142 = arith.cmpi slt, %squeeze3A_135, %sign3A_141 : i32
    %sign3A_143 = arith.extui %sign3A_142 : i1 to i32
    %sign3A_144 = arith.subi %sign3A_140, %sign3A_143 : i32
    %sign3A_145 = arith.constant 0 : i32
    %sign3A_146 = arith.cmpi sgt, %jit3A_136, %sign3A_145 : i32
    %sign3A_147 = arith.extui %sign3A_146 : i1 to i32
    %sign3A_148 = arith.constant 0 : i32
    %sign3A_149 = arith.cmpi slt, %jit3A_136, %sign3A_148 : i32
    %sign3A_150 = arith.extui %sign3A_149 : i1 to i32
    %sign3A_151 = arith.subi %sign3A_147, %sign3A_150 : i32
    %ne3A_152 = arith.cmpi ne, %sign3A_144, %sign3A_151 : i32
    %rem3A_153 = arith.remsi %squeeze3A_135, %jit3A_136 : i32
    %ne3A_154 = arith.constant 0 : i32
    %ne3A_155 = arith.cmpi ne, %rem3A_153, %ne3A_154 : i32
    %and3A_156 = arith.andi %ne3A_152, %ne3A_155 : i1
    %sub3A_157 = arith.constant 1 : i32
    %sub3A_158 = arith.subi %div3A_137, %sub3A_157 : i32
    %select_n3A_159 = arith.select %and3A_156, %sub3A_158, %div3A_137 : i32
    %mul3A_160 = arith.constant 128 : i32
    %mul3A_161 = arith.muli %select_n3A_159, %mul3A_160 : i32
    %multiple_of3A_162 = tpu.assume_multiple %mul3A_161, 128 : i32
    %dma_start3A_163 = arith.constant 3 : i32
    %dma_start3A_164 = arith.constant 0 : i32
    %dma_start3A_165 = arith.constant 0 : i32
    %dma_start3A_166 = tpu.memref_slice %arg7[%dma_start3A_163, %dma_start3A_164, %dma_start3A_165] : memref<6x64x128xf32, #tpu.memory_space<vmem>> -> memref<1x64x128xf32, #tpu.memory_space<vmem>>
    %dma_start3A_167 = tpu.memref_squeeze %dma_start3A_166 : memref<1x64x128xf32, #tpu.memory_space<vmem>> -> memref<64x128xf32, #tpu.memory_space<vmem>>
    %dma_start3A_168 = arith.constant 0 : i32
    %dma_start3A_169 = tpu.memref_slice %arg2[%dma_start3A_168, %multiple_of3A_162] : memref<64x1000000xf32, #tpu.memory_space<hbm>> -> memref<64x128xf32, #tpu.memory_space<hbm>>
    %dma_start3A_170 = arith.constant 0 : i32
    %dma_start3A_171 = arith.constant 0 : i32
    %dma_start3A_172 = tpu.memref_slice %arg7[%dma_start3A_163, %dma_start3A_170, %dma_start3A_171] : memref<6x64x128xf32, #tpu.memory_space<vmem>> -> memref<1x64x128xf32, #tpu.memory_space<vmem>>
    %dma_start3A_173 = tpu.memref_squeeze %dma_start3A_172 : memref<1x64x128xf32, #tpu.memory_space<vmem>> -> memref<64x128xf32, #tpu.memory_space<vmem>>
    %dma_start3A_174 = arith.constant 0 : i32
    %dma_start3A_175 = tpu.memref_slice %arg2[%dma_start3A_174, %multiple_of3A_162] : memref<64x1000000xf32, #tpu.memory_space<hbm>> -> memref<64x128xf32, #tpu.memory_space<hbm>>
    tpu.enqueue_dma source(%dma_start3A_175 : memref<64x128xf32, #tpu.memory_space<hbm>>) target(%dma_start3A_173 : memref<64x128xf32, #tpu.memory_space<vmem>>) target_semaphore(%arg10 : memref<!tpu.dma_semaphore, #tpu.memory_space<semaphore_mem>>)
    %slice3A_176 = vector.extract_strided_slice %get3A_14 {offsets = [4], sizes = [1], strides = [1]} : vector<16xi32> to vector<1xi32>
    %squeeze3A_177 = vector.extract %slice3A_176[0] : i32 from vector<1xi32>
    %jit3A_178 = arith.constant 128 : i32
    %div3A_179 = arith.divsi %squeeze3A_177, %jit3A_178 : i32
    %sign3A_180 = arith.constant 0 : i32
    %sign3A_181 = arith.cmpi sgt, %squeeze3A_177, %sign3A_180 : i32
    %sign3A_182 = arith.extui %sign3A_181 : i1 to i32
    %sign3A_183 = arith.constant 0 : i32
    %sign3A_184 = arith.cmpi slt, %squeeze3A_177, %sign3A_183 : i32
    %sign3A_185 = arith.extui %sign3A_184 : i1 to i32
    %sign3A_186 = arith.subi %sign3A_182, %sign3A_185 : i32
    %sign3A_187 = arith.constant 0 : i32
    %sign3A_188 = arith.cmpi sgt, %jit3A_178, %sign3A_187 : i32
    %sign3A_189 = arith.extui %sign3A_188 : i1 to i32
    %sign3A_190 = arith.constant 0 : i32
    %sign3A_191 = arith.cmpi slt, %jit3A_178, %sign3A_190 : i32
    %sign3A_192 = arith.extui %sign3A_191 : i1 to i32
    %sign3A_193 = arith.subi %sign3A_189, %sign3A_192 : i32
    %ne3A_194 = arith.cmpi ne, %sign3A_186, %sign3A_193 : i32
    %rem3A_195 = arith.remsi %squeeze3A_177, %jit3A_178 : i32
    %ne3A_196 = arith.constant 0 : i32
    %ne3A_197 = arith.cmpi ne, %rem3A_195, %ne3A_196 : i32
    %and3A_198 = arith.andi %ne3A_194, %ne3A_197 : i1
    %sub3A_199 = arith.constant 1 : i32
    %sub3A_200 = arith.subi %div3A_179, %sub3A_199 : i32
    %select_n3A_201 = arith.select %and3A_198, %sub3A_200, %div3A_179 : i32
    %mul3A_202 = arith.constant 128 : i32
    %mul3A_203 = arith.muli %select_n3A_201, %mul3A_202 : i32
    %multiple_of3A_204 = tpu.assume_multiple %mul3A_203, 128 : i32
    %dma_start3A_205 = arith.constant 4 : i32
    %dma_start3A_206 = arith.constant 0 : i32
    %dma_start3A_207 = arith.constant 0 : i32
    %dma_start3A_208 = tpu.memref_slice %arg7[%dma_start3A_205, %dma_start3A_206, %dma_start3A_207] : memref<6x64x128xf32, #tpu.memory_space<vmem>> -> memref<1x64x128xf32, #tpu.memory_space<vmem>>
    %dma_start3A_209 = tpu.memref_squeeze %dma_start3A_208 : memref<1x64x128xf32, #tpu.memory_space<vmem>> -> memref<64x128xf32, #tpu.memory_space<vmem>>
    %dma_start3A_210 = arith.constant 0 : i32
    %dma_start3A_211 = tpu.memref_slice %arg2[%dma_start3A_210, %multiple_of3A_204] : memref<64x1000000xf32, #tpu.memory_space<hbm>> -> memref<64x128xf32, #tpu.memory_space<hbm>>
    %dma_start3A_212 = arith.constant 0 : i32
    %dma_start3A_213 = arith.constant 0 : i32
    %dma_start3A_214 = tpu.memref_slice %arg7[%dma_start3A_205, %dma_start3A_212, %dma_start3A_213] : memref<6x64x128xf32, #tpu.memory_space<vmem>> -> memref<1x64x128xf32, #tpu.memory_space<vmem>>
    %dma_start3A_215 = tpu.memref_squeeze %dma_start3A_214 : memref<1x64x128xf32, #tpu.memory_space<vmem>> -> memref<64x128xf32, #tpu.memory_space<vmem>>
    %dma_start3A_216 = arith.constant 0 : i32
    %dma_start3A_217 = tpu.memref_slice %arg2[%dma_start3A_216, %multiple_of3A_204] : memref<64x1000000xf32, #tpu.memory_space<hbm>> -> memref<64x128xf32, #tpu.memory_space<hbm>>
    tpu.enqueue_dma source(%dma_start3A_217 : memref<64x128xf32, #tpu.memory_space<hbm>>) target(%dma_start3A_215 : memref<64x128xf32, #tpu.memory_space<vmem>>) target_semaphore(%arg10 : memref<!tpu.dma_semaphore, #tpu.memory_space<semaphore_mem>>)
    %scan3A = arith.constant 0 : i32
    %scan3A_218 = arith.constant 0 : i32
    %scan3A_219 = arith.constant 16 : i32
    %scan3A_220 = arith.addi %scan3A_218, %scan3A_219 : i32
    %scan3A_221 = arith.constant 1 : i32
    %scan3A_222 = scf.for %scan3A_224 = %scan3A_218 to %scan3A_220 step %scan3A_221 iter_args(%scan3A_225 = %scan3A) -> (i32)  : i32 {
      %mul3A_226 = arith.constant 16 : i32
      %mul3A_227 = arith.muli %scan3A_224, %mul3A_226 : i32
      %get3A_228 = arith.index_cast %mul3A_227 : i32 to index
      %get3A_229 = tpu.vector_load %arg6[%get3A_228] {strides = array<i32>} : memref<256xi32, #tpu.memory_space<vmem>>, vector<16xi32>,
      %add3A_230 = arith.constant 1 : i32
      %add3A_231 = arith.addi %scan3A_224, %add3A_230 : i32
      %min3A = arith.constant 15 : i32
      %min3A_232 = arith.minsi %add3A_231, %min3A : i32
      %mul3A_233 = arith.constant 16 : i32
      %mul3A_234 = arith.muli %min3A_232, %mul3A_233 : i32
      %get3A_235 = arith.index_cast %mul3A_234 : i32 to index
      %get3A_236 = tpu.vector_load %arg6[%get3A_235] {strides = array<i32>} : memref<256xi32, #tpu.memory_space<vmem>>, vector<16xi32>,
      %slice3A_237 = vector.extract_strided_slice %get3A_229 {offsets = [5], sizes = [1], strides = [1]} : vector<16xi32> to vector<1xi32>
      %squeeze3A_238 = vector.extract %slice3A_237[0] : i32 from vector<1xi32>
      %mul3A_239 = arith.constant 16 : i32
      %mul3A_240 = arith.muli %scan3A_224, %mul3A_239 : i32
      %add3A_241 = arith.constant 5 : i32
      %add3A_242 = arith.addi %mul3A_240, %add3A_241 : i32
      %rem3A_243 = arith.constant 6 : i32
      %rem3A_244 = arith.remsi %add3A_242, %rem3A_243 : i32
      %jit3A_245 = arith.constant 128 : i32
      %div3A_246 = arith.divsi %squeeze3A_238, %jit3A_245 : i32
      %sign3A_247 = arith.constant 0 : i32
      %sign3A_248 = arith.cmpi sgt, %squeeze3A_238, %sign3A_247 : i32
      %sign3A_249 = arith.extui %sign3A_248 : i1 to i32
      %sign3A_250 = arith.constant 0 : i32
      %sign3A_251 = arith.cmpi slt, %squeeze3A_238, %sign3A_250 : i32
      %sign3A_252 = arith.extui %sign3A_251 : i1 to i32
      %sign3A_253 = arith.subi %sign3A_249, %sign3A_252 : i32
      %sign3A_254 = arith.constant 0 : i32
      %sign3A_255 = arith.cmpi sgt, %jit3A_245, %sign3A_254 : i32
      %sign3A_256 = arith.extui %sign3A_255 : i1 to i32
      %sign3A_257 = arith.constant 0 : i32
      %sign3A_258 = arith.cmpi slt, %jit3A_245, %sign3A_257 : i32
      %sign3A_259 = arith.extui %sign3A_258 : i1 to i32
      %sign3A_260 = arith.subi %sign3A_256, %sign3A_259 : i32
      %ne3A_261 = arith.cmpi ne, %sign3A_253, %sign3A_260 : i32
      %rem3A_262 = arith.remsi %squeeze3A_238, %jit3A_245 : i32
      %ne3A_263 = arith.constant 0 : i32
      %ne3A_264 = arith.cmpi ne, %rem3A_262, %ne3A_263 : i32
      %and3A_265 = arith.andi %ne3A_261, %ne3A_264 : i1
      %sub3A_266 = arith.constant 1 : i32
      %sub3A_267 = arith.subi %div3A_246, %sub3A_266 : i32
      %select_n3A_268 = arith.select %and3A_265, %sub3A_267, %div3A_246 : i32
      %mul3A_269 = arith.constant 128 : i32
      %mul3A_270 = arith.muli %select_n3A_268, %mul3A_269 : i32
      %multiple_of3A_271 = tpu.assume_multiple %mul3A_270, 128 : i32
      %dma_start3A_272 = arith.constant 0 : i32
      %dma_start3A_273 = arith.constant 0 : i32
      %dma_start3A_274 = tpu.memref_slice %arg7[%rem3A_244, %dma_start3A_272, %dma_start3A_273] : memref<6x64x128xf32, #tpu.memory_space<vmem>> -> memref<1x64x128xf32, #tpu.memory_space<vmem>>
      %dma_start3A_275 = tpu.memref_squeeze %dma_start3A_274 : memref<1x64x128xf32, #tpu.memory_space<vmem>> -> memref<64x128xf32, #tpu.memory_space<vmem>>
      %dma_start3A_276 = arith.constant 0 : i32
      %dma_start3A_277 = tpu.memref_slice %arg2[%dma_start3A_276, %multiple_of3A_271] : memref<64x1000000xf32, #tpu.memory_space<hbm>> -> memref<64x128xf32, #tpu.memory_space<hbm>>
      %dma_start3A_278 = arith.constant 0 : i32
      %dma_start3A_279 = arith.constant 0 : i32
      %dma_start3A_280 = tpu.memref_slice %arg7[%rem3A_244, %dma_start3A_278, %dma_start3A_279] : memref<6x64x128xf32, #tpu.memory_space<vmem>> -> memref<1x64x128xf32, #tpu.memory_space<vmem>>
      %dma_start3A_281 = tpu.memref_squeeze %dma_start3A_280 : memref<1x64x128xf32, #tpu.memory_space<vmem>> -> memref<64x128xf32, #tpu.memory_space<vmem>>
      %dma_start3A_282 = arith.constant 0 : i32
      %dma_start3A_283 = tpu.memref_slice %arg2[%dma_start3A_282, %multiple_of3A_271] : memref<64x1000000xf32, #tpu.memory_space<hbm>> -> memref<64x128xf32, #tpu.memory_space<hbm>>
      tpu.enqueue_dma source(%dma_start3A_283 : memref<64x128xf32, #tpu.memory_space<hbm>>) target(%dma_start3A_281 : memref<64x128xf32, #tpu.memory_space<vmem>>) target_semaphore(%arg10 : memref<!tpu.dma_semaphore, #tpu.memory_space<semaphore_mem>>)
      %dma_wait3A = arith.constant 0 : i32
      %dma_wait3A_284 = arith.constant 0 : i32
      %dma_wait3A_285 = arith.constant 0 : i32
      %dma_wait3A_286 = tpu.memref_slice %arg7[%dma_wait3A, %dma_wait3A_284, %dma_wait3A_285] : memref<6x64x128xf32, #tpu.memory_space<vmem>> -> memref<1x64x128xf32, #tpu.memory_space<vmem>>
      %dma_wait3A_287 = tpu.memref_squeeze %dma_wait3A_286 : memref<1x64x128xf32, #tpu.memory_space<vmem>> -> memref<64x128xf32, #tpu.memory_space<vmem>>
      %dma_wait3A_288 = arith.constant 0 : i32
      %dma_wait3A_289 = arith.constant 0 : i32
      %dma_wait3A_290 = tpu.memref_slice %arg2[%dma_wait3A_288, %dma_wait3A_289] : memref<64x1000000xf32, #tpu.memory_space<hbm>> -> memref<64x128xf32, #tpu.memory_space<hbm>>
      %dma_wait3A_291 = arith.constant 0 : i32
      %dma_wait3A_292 = arith.constant 0 : i32
      %dma_wait3A_293 = tpu.memref_slice %arg7[%dma_wait3A, %dma_wait3A_291, %dma_wait3A_292] : memref<6x64x128xf32, #tpu.memory_space<vmem>> -> memref<1x64x128xf32, #tpu.memory_space<vmem>>
      %dma_wait3A_294 = tpu.memref_squeeze %dma_wait3A_293 : memref<1x64x128xf32, #tpu.memory_space<vmem>> -> memref<64x128xf32, #tpu.memory_space<vmem>>
      %dma_wait3A_295 = arith.constant 0 : i32
      %dma_wait3A_296 = arith.constant 0 : i32
      %dma_wait3A_297 = tpu.memref_slice %arg2[%dma_wait3A_295, %dma_wait3A_296] : memref<64x1000000xf32, #tpu.memory_space<hbm>> -> memref<64x128xf32, #tpu.memory_space<hbm>>
      tpu.wait_dma2 semaphore(%arg10 : memref<!tpu.dma_semaphore, #tpu.memory_space<semaphore_mem>>) src(%dma_wait3A_297 : memref<64x128xf32, #tpu.memory_space<hbm>>) dst(%dma_wait3A_294 : memref<64x128xf32, #tpu.memory_space<vmem>>)
      %mul3A_298 = arith.constant 16 : i32
      %mul3A_299 = arith.muli %scan3A_224, %mul3A_298 : i32
      %add3A_300 = arith.constant 0 : i32
      %add3A_301 = arith.addi %mul3A_299, %add3A_300 : i32
      %slice3A_302 = vector.extract_strided_slice %get3A_229 {offsets = [0], sizes = [1], strides = [1]} : vector<16xi32> to vector<1xi32>
      %squeeze3A_303 = vector.extract %slice3A_302[0] : i32 from vector<1xi32>
      %rem3A_304 = arith.constant 128 : i32
      %rem3A_305 = arith.remsi %squeeze3A_303, %rem3A_304 : i32
      %rem3A_306 = arith.constant 6 : i32
      %rem3A_307 = arith.remsi %add3A_301, %rem3A_306 : i32
      %add3A_308 = arith.constant 0 : i32
      %add3A_309 = vector.broadcast %add3A_308 : i32 to vector<16xi32>
      %add3A_310 = arith.addi %add3A_309, %iota3A : vector<16xi32>
      %mul3A_311 = arith.constant 0 : i32
      %mul3A_312 = vector.broadcast %mul3A_311 : i32 to vector<16xi32>
      %mul3A_313 = arith.muli %mul3A_312, %iota3A : vector<16xi32>
      %add3A_314 = vector.broadcast %rem3A_305 : i32 to vector<16xi32>
      %add3A_315 = arith.addi %add3A_314, %mul3A_313 : vector<16xi32>
      %gather3A = arith.constant 0 : i32
      %gather3A_316 = arith.constant 0 : i32
      %gather3A_317 = tpu.memref_slice %arg7[%rem3A_307, %gather3A, %gather3A_316] : memref<6x64x128xf32, #tpu.memory_space<vmem>> -> memref<1x64x128xf32, #tpu.memory_space<vmem>>
      %gather3A_318 = tpu.memref_squeeze %gather3A_317 : memref<1x64x128xf32, #tpu.memory_space<vmem>> -> memref<64x128xf32, #tpu.memory_space<vmem>>
      %gather3A_319 = tpu.vector_load_idx %gather3A_318[%add3A_310, %add3A_315] : memref<64x128xf32, #tpu.memory_space<vmem>>[vector<16xi32>, vector<16xi32>], vector<16xf32>,
      %get3A_320 = arith.index_cast %add3A_301 : i32 to index
      %get3A_321 = arith.constant 0 : index
      %get3A_322 = tpu.vector_load %arg9[%get3A_320, %get3A_321] {strides = array<i32>} : memref<256x64xf32, #tpu.memory_space<vmem>>, vector<16xf32>,
      %add3A_323 = arith.addf %gather3A_319, %get3A_322 : vector<16xf32>
      %swap3A = arith.index_cast %add3A_301 : i32 to index
      %swap3A_324 = arith.constant 0 : index
      %swap3A_325 = tpu.vector_load %arg8[%swap3A, %swap3A_324] {strides = array<i32>} : memref<256x64xf32, #tpu.memory_space<vmem>>, vector<16xf32>,
      tpu.vector_store %arg8[%swap3A, %swap3A_324], %add3A_323 {strides = array<i32>} : memref<256x64xf32, #tpu.memory_space<vmem>>, vector<16xf32>,
      %add3A_326 = arith.constant 16 : i32
      %add3A_327 = vector.broadcast %add3A_326 : i32 to vector<16xi32>
      %add3A_328 = arith.addi %add3A_327, %iota3A : vector<16xi32>
      %mul3A_329 = arith.constant 0 : i32
      %mul3A_330 = vector.broadcast %mul3A_329 : i32 to vector<16xi32>
      %mul3A_331 = arith.muli %mul3A_330, %iota3A : vector<16xi32>
      %add3A_332 = vector.broadcast %rem3A_305 : i32 to vector<16xi32>
      %add3A_333 = arith.addi %add3A_332, %mul3A_331 : vector<16xi32>
      %gather3A_334 = arith.constant 0 : i32
      %gather3A_335 = arith.constant 0 : i32
      %gather3A_336 = tpu.memref_slice %arg7[%rem3A_307, %gather3A_334, %gather3A_335] : memref<6x64x128xf32, #tpu.memory_space<vmem>> -> memref<1x64x128xf32, #tpu.memory_space<vmem>>
      %gather3A_337 = tpu.memref_squeeze %gather3A_336 : memref<1x64x128xf32, #tpu.memory_space<vmem>> -> memref<64x128xf32, #tpu.memory_space<vmem>>
      %gather3A_338 = tpu.vector_load_idx %gather3A_337[%add3A_328, %add3A_333] : memref<64x128xf32, #tpu.memory_space<vmem>>[vector<16xi32>, vector<16xi32>], vector<16xf32>,
      %get3A_339 = arith.index_cast %add3A_301 : i32 to index
      %get3A_340 = arith.constant 16 : index
      %get3A_341 = tpu.vector_load %arg9[%get3A_339, %get3A_340] {strides = array<i32>} : memref<256x64xf32, #tpu.memory_space<vmem>>, vector<16xf32>,
      %add3A_342 = arith.addf %gather3A_338, %get3A_341 : vector<16xf32>
      %swap3A_343 = arith.index_cast %add3A_301 : i32 to index
      %swap3A_344 = arith.constant 16 : index
      %swap3A_345 = tpu.vector_load %arg8[%swap3A_343, %swap3A_344] {strides = array<i32>} : memref<256x64xf32, #tpu.memory_space<vmem>>, vector<16xf32>,
      tpu.vector_store %arg8[%swap3A_343, %swap3A_344], %add3A_342 {strides = array<i32>} : memref<256x64xf32, #tpu.memory_space<vmem>>, vector<16xf32>,
      %add3A_346 = arith.constant 32 : i32
      %add3A_347 = vector.broadcast %add3A_346 : i32 to vector<16xi32>
      %add3A_348 = arith.addi %add3A_347, %iota3A : vector<16xi32>
      %mul3A_349 = arith.constant 0 : i32
      %mul3A_350 = vector.broadcast %mul3A_349 : i32 to vector<16xi32>
      %mul3A_351 = arith.muli %mul3A_350, %iota3A : vector<16xi32>
      %add3A_352 = vector.broadcast %rem3A_305 : i32 to vector<16xi32>
      %add3A_353 = arith.addi %add3A_352, %mul3A_351 : vector<16xi32>
      %gather3A_354 = arith.constant 0 : i32
      %gather3A_355 = arith.constant 0 : i32
      %gather3A_356 = tpu.memref_slice %arg7[%rem3A_307, %gather3A_354, %gather3A_355] : memref<6x64x128xf32, #tpu.memory_space<vmem>> -> memref<1x64x128xf32, #tpu.memory_space<vmem>>
      %gather3A_357 = tpu.memref_squeeze %gather3A_356 : memref<1x64x128xf32, #tpu.memory_space<vmem>> -> memref<64x128xf32, #tpu.memory_space<vmem>>
      %gather3A_358 = tpu.vector_load_idx %gather3A_357[%add3A_348, %add3A_353] : memref<64x128xf32, #tpu.memory_space<vmem>>[vector<16xi32>, vector<16xi32>], vector<16xf32>,
      %get3A_359 = arith.index_cast %add3A_301 : i32 to index
      %get3A_360 = arith.constant 32 : index
      %get3A_361 = tpu.vector_load %arg9[%get3A_359, %get3A_360] {strides = array<i32>} : memref<256x64xf32, #tpu.memory_space<vmem>>, vector<16xf32>,
      %add3A_362 = arith.addf %gather3A_358, %get3A_361 : vector<16xf32>
      %swap3A_363 = arith.index_cast %add3A_301 : i32 to index
      %swap3A_364 = arith.constant 32 : index
      %swap3A_365 = tpu.vector_load %arg8[%swap3A_363, %swap3A_364] {strides = array<i32>} : memref<256x64xf32, #tpu.memory_space<vmem>>, vector<16xf32>,
      tpu.vector_store %arg8[%swap3A_363, %swap3A_364], %add3A_362 {strides = array<i32>} : memref<256x64xf32, #tpu.memory_space<vmem>>, vector<16xf32>,
      %add3A_366 = arith.constant 48 : i32
      %add3A_367 = vector.broadcast %add3A_366 : i32 to vector<16xi32>
      %add3A_368 = arith.addi %add3A_367, %iota3A : vector<16xi32>
      %mul3A_369 = arith.constant 0 : i32
      %mul3A_370 = vector.broadcast %mul3A_369 : i32 to vector<16xi32>
      %mul3A_371 = arith.muli %mul3A_370, %iota3A : vector<16xi32>
      %add3A_372 = vector.broadcast %rem3A_305 : i32 to vector<16xi32>
      %add3A_373 = arith.addi %add3A_372, %mul3A_371 : vector<16xi32>
      %gather3A_374 = arith.constant 0 : i32
      %gather3A_375 = arith.constant 0 : i32
      %gather3A_376 = tpu.memref_slice %arg7[%rem3A_307, %gather3A_374, %gather3A_375] : memref<6x64x128xf32, #tpu.memory_space<vmem>> -> memref<1x64x128xf32, #tpu.memory_space<vmem>>
      %gather3A_377 = tpu.memref_squeeze %gather3A_376 : memref<1x64x128xf32, #tpu.memory_space<vmem>> -> memref<64x128xf32, #tpu.memory_space<vmem>>
      %gather3A_378 = tpu.vector_load_idx %gather3A_377[%add3A_368, %add3A_373] : memref<64x128xf32, #tpu.memory_space<vmem>>[vector<16xi32>, vector<16xi32>], vector<16xf32>,
      %get3A_379 = arith.index_cast %add3A_301 : i32 to index
      %get3A_380 = arith.constant 48 : index
      %get3A_381 = tpu.vector_load %arg9[%get3A_379, %get3A_380] {strides = array<i32>} : memref<256x64xf32, #tpu.memory_space<vmem>>, vector<16xf32>,
      %add3A_382 = arith.addf %gather3A_378, %get3A_381 : vector<16xf32>
      %swap3A_383 = arith.index_cast %add3A_301 : i32 to index
      %swap3A_384 = arith.constant 48 : index
      %swap3A_385 = tpu.vector_load %arg8[%swap3A_383, %swap3A_384] {strides = array<i32>} : memref<256x64xf32, #tpu.memory_space<vmem>>, vector<16xf32>,
      tpu.vector_store %arg8[%swap3A_383, %swap3A_384], %add3A_382 {strides = array<i32>} : memref<256x64xf32, #tpu.memory_space<vmem>>, vector<16xf32>,
      %slice3A_386 = vector.extract_strided_slice %get3A_229 {offsets = [6], sizes = [1], strides = [1]} : vector<16xi32> to vector<1xi32>
      %squeeze3A_387 = vector.extract %slice3A_386[0] : i32 from vector<1xi32>
      %mul3A_388 = arith.constant 16 : i32
      %mul3A_389 = arith.muli %scan3A_224, %mul3A_388 : i32
      %add3A_390 = arith.constant 6 : i32
      %add3A_391 = arith.addi %mul3A_389, %add3A_390 : i32
      %rem3A_392 = arith.constant 6 : i32
      %rem3A_393 = arith.remsi %add3A_391, %rem3A_392 : i32
      %jit3A_394 = arith.constant 128 : i32
      %div3A_395 = arith.divsi %squeeze3A_387, %jit3A_394 : i32
      %sign3A_396 = arith.constant 0 : i32
      %sign3A_397 = arith.cmpi sgt, %squeeze3A_387, %sign3A_396 : i32
      %sign3A_398 = arith.extui %sign3A_397 : i1 to i32
      %sign3A_399 = arith.constant 0 : i32
      %sign3A_400 = arith.cmpi slt, %squeeze3A_387, %sign3A_399 : i32
      %sign3A_401 = arith.extui %sign3A_400 : i1 to i32
      %sign3A_402 = arith.subi %sign3A_398, %sign3A_401 : i32
      %sign3A_403 = arith.constant 0 : i32
      %sign3A_404 = arith.cmpi sgt, %jit3A_394, %sign3A_403 : i32
      %sign3A_405 = arith.extui %sign3A_404 : i1 to i32
      %sign3A_406 = arith.constant 0 : i32
      %sign3A_407 = arith.cmpi slt, %jit3A_394, %sign3A_406 : i32
      %sign3A_408 = arith.extui %sign3A_407 : i1 to i32
      %sign3A_409 = arith.subi %sign3A_405, %sign3A_408 : i32
      %ne3A_410 = arith.cmpi ne, %sign3A_402, %sign3A_409 : i32
      %rem3A_411 = arith.remsi %squeeze3A_387, %jit3A_394 : i32
      %ne3A_412 = arith.constant 0 : i32
      %ne3A_413 = arith.cmpi ne, %rem3A_411, %ne3A_412 : i32
      %and3A_414 = arith.andi %ne3A_410, %ne3A_413 : i1
      %sub3A_415 = arith.constant 1 : i32
      %sub3A_416 = arith.subi %div3A_395, %sub3A_415 : i32
      %select_n3A_417 = arith.select %and3A_414, %sub3A_416, %div3A_395 : i32
      %mul3A_418 = arith.constant 128 : i32
      %mul3A_419 = arith.muli %select_n3A_417, %mul3A_418 : i32
      %multiple_of3A_420 = tpu.assume_multiple %mul3A_419, 128 : i32
      %dma_start3A_421 = arith.constant 0 : i32
      %dma_start3A_422 = arith.constant 0 : i32
      %dma_start3A_423 = tpu.memref_slice %arg7[%rem3A_393, %dma_start3A_421, %dma_start3A_422] : memref<6x64x128xf32, #tpu.memory_space<vmem>> -> memref<1x64x128xf32, #tpu.memory_space<vmem>>
      %dma_start3A_424 = tpu.memref_squeeze %dma_start3A_423 : memref<1x64x128xf32, #tpu.memory_space<vmem>> -> memref<64x128xf32, #tpu.memory_space<vmem>>
      %dma_start3A_425 = arith.constant 0 : i32
      %dma_start3A_426 = tpu.memref_slice %arg2[%dma_start3A_425, %multiple_of3A_420] : memref<64x1000000xf32, #tpu.memory_space<hbm>> -> memref<64x128xf32, #tpu.memory_space<hbm>>
      %dma_start3A_427 = arith.constant 0 : i32
      %dma_start3A_428 = arith.constant 0 : i32
      %dma_start3A_429 = tpu.memref_slice %arg7[%rem3A_393, %dma_start3A_427, %dma_start3A_428] : memref<6x64x128xf32, #tpu.memory_space<vmem>> -> memref<1x64x128xf32, #tpu.memory_space<vmem>>
      %dma_start3A_430 = tpu.memref_squeeze %dma_start3A_429 : memref<1x64x128xf32, #tpu.memory_space<vmem>> -> memref<64x128xf32, #tpu.memory_space<vmem>>
      %dma_start3A_431 = arith.constant 0 : i32
      %dma_start3A_432 = tpu.memref_slice %arg2[%dma_start3A_431, %multiple_of3A_420] : memref<64x1000000xf32, #tpu.memory_space<hbm>> -> memref<64x128xf32, #tpu.memory_space<hbm>>
      tpu.enqueue_dma source(%dma_start3A_432 : memref<64x128xf32, #tpu.memory_space<hbm>>) target(%dma_start3A_430 : memref<64x128xf32, #tpu.memory_space<vmem>>) target_semaphore(%arg10 : memref<!tpu.dma_semaphore, #tpu.memory_space<semaphore_mem>>)
      %dma_wait3A_433 = arith.constant 0 : i32
      %dma_wait3A_434 = arith.constant 0 : i32
      %dma_wait3A_435 = arith.constant 0 : i32
      %dma_wait3A_436 = tpu.memref_slice %arg7[%dma_wait3A_433, %dma_wait3A_434, %dma_wait3A_435] : memref<6x64x128xf32, #tpu.memory_space<vmem>> -> memref<1x64x128xf32, #tpu.memory_space<vmem>>
      %dma_wait3A_437 = tpu.memref_squeeze %dma_wait3A_436 : memref<1x64x128xf32, #tpu.memory_space<vmem>> -> memref<64x128xf32, #tpu.memory_space<vmem>>
      %dma_wait3A_438 = arith.constant 0 : i32
      %dma_wait3A_439 = arith.constant 0 : i32
      %dma_wait3A_440 = tpu.memref_slice %arg2[%dma_wait3A_438, %dma_wait3A_439] : memref<64x1000000xf32, #tpu.memory_space<hbm>> -> memref<64x128xf32, #tpu.memory_space<hbm>>
      %dma_wait3A_441 = arith.constant 0 : i32
      %dma_wait3A_442 = arith.constant 0 : i32
      %dma_wait3A_443 = tpu.memref_slice %arg7[%dma_wait3A_433, %dma_wait3A_441, %dma_wait3A_442] : memref<6x64x128xf32, #tpu.memory_space<vmem>> -> memref<1x64x128xf32, #tpu.memory_space<vmem>>
      %dma_wait3A_444 = tpu.memref_squeeze %dma_wait3A_443 : memref<1x64x128xf32, #tpu.memory_space<vmem>> -> memref<64x128xf32, #tpu.memory_space<vmem>>
      %dma_wait3A_445 = arith.constant 0 : i32
      %dma_wait3A_446 = arith.constant 0 : i32
      %dma_wait3A_447 = tpu.memref_slice %arg2[%dma_wait3A_445, %dma_wait3A_446] : memref<64x1000000xf32, #tpu.memory_space<hbm>> -> memref<64x128xf32, #tpu.memory_space<hbm>>
      tpu.wait_dma2 semaphore(%arg10 : memref<!tpu.dma_semaphore, #tpu.memory_space<semaphore_mem>>) src(%dma_wait3A_447 : memref<64x128xf32, #tpu.memory_space<hbm>>) dst(%dma_wait3A_444 : memref<64x128xf32, #tpu.memory_space<vmem>>)
      %mul3A_448 = arith.constant 16 : i32
      %mul3A_449 = arith.muli %scan3A_224, %mul3A_448 : i32
      %add3A_450 = arith.constant 1 : i32
      %add3A_451 = arith.addi %mul3A_449, %add3A_450 : i32
      %slice3A_452 = vector.extract_strided_slice %get3A_229 {offsets = [1], sizes = [1], strides = [1]} : vector<16xi32> to vector<1xi32>
      %squeeze3A_453 = vector.extract %slice3A_452[0] : i32 from vector<1xi32>
      %rem3A_454 = arith.constant 128 : i32
      %rem3A_455 = arith.remsi %squeeze3A_453, %rem3A_454 : i32
      %rem3A_456 = arith.constant 6 : i32
      %rem3A_457 = arith.remsi %add3A_451, %rem3A_456 : i32
      %add3A_458 = arith.constant 0 : i32
      %add3A_459 = vector.broadcast %add3A_458 : i32 to vector<16xi32>
      %add3A_460 = arith.addi %add3A_459, %iota3A : vector<16xi32>
      %mul3A_461 = arith.constant 0 : i32
      %mul3A_462 = vector.broadcast %mul3A_461 : i32 to vector<16xi32>
      %mul3A_463 = arith.muli %mul3A_462, %iota3A : vector<16xi32>
      %add3A_464 = vector.broadcast %rem3A_455 : i32 to vector<16xi32>
      %add3A_465 = arith.addi %add3A_464, %mul3A_463 : vector<16xi32>
      %gather3A_466 = arith.constant 0 : i32
      %gather3A_467 = arith.constant 0 : i32
      %gather3A_468 = tpu.memref_slice %arg7[%rem3A_457, %gather3A_466, %gather3A_467] : memref<6x64x128xf32, #tpu.memory_space<vmem>> -> memref<1x64x128xf32, #tpu.memory_space<vmem>>
      %gather3A_469 = tpu.memref_squeeze %gather3A_468 : memref<1x64x128xf32, #tpu.memory_space<vmem>> -> memref<64x128xf32, #tpu.memory_space<vmem>>
      %gather3A_470 = tpu.vector_load_idx %gather3A_469[%add3A_460, %add3A_465] : memref<64x128xf32, #tpu.memory_space<vmem>>[vector<16xi32>, vector<16xi32>], vector<16xf32>,
      %get3A_471 = arith.index_cast %add3A_451 : i32 to index
      %get3A_472 = arith.constant 0 : index
      %get3A_473 = tpu.vector_load %arg9[%get3A_471, %get3A_472] {strides = array<i32>} : memref<256x64xf32, #tpu.memory_space<vmem>>, vector<16xf32>,
      %add3A_474 = arith.addf %gather3A_470, %get3A_473 : vector<16xf32>
      %swap3A_475 = arith.index_cast %add3A_451 : i32 to index
      %swap3A_476 = arith.constant 0 : index
      %swap3A_477 = tpu.vector_load %arg8[%swap3A_475, %swap3A_476] {strides = array<i32>} : memref<256x64xf32, #tpu.memory_space<vmem>>, vector<16xf32>,
      tpu.vector_store %arg8[%swap3A_475, %swap3A_476], %add3A_474 {strides = array<i32>} : memref<256x64xf32, #tpu.memory_space<vmem>>, vector<16xf32>,
      %add3A_478 = arith.constant 16 : i32
      %add3A_479 = vector.broadcast %add3A_478 : i32 to vector<16xi32>
      %add3A_480 = arith.addi %add3A_479, %iota3A : vector<16xi32>
      %mul3A_481 = arith.constant 0 : i32
      %mul3A_482 = vector.broadcast %mul3A_481 : i32 to vector<16xi32>
      %mul3A_483 = arith.muli %mul3A_482, %iota3A : vector<16xi32>
      %add3A_484 = vector.broadcast %rem3A_455 : i32 to vector<16xi32>
      %add3A_485 = arith.addi %add3A_484, %mul3A_483 : vector<16xi32>
      %gather3A_486 = arith.constant 0 : i32
      %gather3A_487 = arith.constant 0 : i32
      %gather3A_488 = tpu.memref_slice %arg7[%rem3A_457, %gather3A_486, %gather3A_487] : memref<6x64x128xf32, #tpu.memory_space<vmem>> -> memref<1x64x128xf32, #tpu.memory_space<vmem>>
      %gather3A_489 = tpu.memref_squeeze %gather3A_488 : memref<1x64x128xf32, #tpu.memory_space<vmem>> -> memref<64x128xf32, #tpu.memory_space<vmem>>
      %gather3A_490 = tpu.vector_load_idx %gather3A_489[%add3A_480, %add3A_485] : memref<64x128xf32, #tpu.memory_space<vmem>>[vector<16xi32>, vector<16xi32>], vector<16xf32>,
      %get3A_491 = arith.index_cast %add3A_451 : i32 to index
      %get3A_492 = arith.constant 16 : index
      %get3A_493 = tpu.vector_load %arg9[%get3A_491, %get3A_492] {strides = array<i32>} : memref<256x64xf32, #tpu.memory_space<vmem>>, vector<16xf32>,
      %add3A_494 = arith.addf %gather3A_490, %get3A_493 : vector<16xf32>
      %swap3A_495 = arith.index_cast %add3A_451 : i32 to index
      %swap3A_496 = arith.constant 16 : index
      %swap3A_497 = tpu.vector_load %arg8[%swap3A_495, %swap3A_496] {strides = array<i32>} : memref<256x64xf32, #tpu.memory_space<vmem>>, vector<16xf32>,
      tpu.vector_store %arg8[%swap3A_495, %swap3A_496], %add3A_494 {strides = array<i32>} : memref<256x64xf32, #tpu.memory_space<vmem>>, vector<16xf32>,
      %add3A_498 = arith.constant 32 : i32
      %add3A_499 = vector.broadcast %add3A_498 : i32 to vector<16xi32>
      %add3A_500 = arith.addi %add3A_499, %iota3A : vector<16xi32>
      %mul3A_501 = arith.constant 0 : i32
      %mul3A_502 = vector.broadcast %mul3A_501 : i32 to vector<16xi32>
      %mul3A_503 = arith.muli %mul3A_502, %iota3A : vector<16xi32>
      %add3A_504 = vector.broadcast %rem3A_455 : i32 to vector<16xi32>
      %add3A_505 = arith.addi %add3A_504, %mul3A_503 : vector<16xi32>
      %gather3A_506 = arith.constant 0 : i32
      %gather3A_507 = arith.constant 0 : i32
      %gather3A_508 = tpu.memref_slice %arg7[%rem3A_457, %gather3A_506, %gather3A_507] : memref<6x64x128xf32, #tpu.memory_space<vmem>> -> memref<1x64x128xf32, #tpu.memory_space<vmem>>
      %gather3A_509 = tpu.memref_squeeze %gather3A_508 : memref<1x64x128xf32, #tpu.memory_space<vmem>> -> memref<64x128xf32, #tpu.memory_space<vmem>>
      %gather3A_510 = tpu.vector_load_idx %gather3A_509[%add3A_500, %add3A_505] : memref<64x128xf32, #tpu.memory_space<vmem>>[vector<16xi32>, vector<16xi32>], vector<16xf32>,
      %get3A_511 = arith.index_cast %add3A_451 : i32 to index
      %get3A_512 = arith.constant 32 : index
      %get3A_513 = tpu.vector_load %arg9[%get3A_511, %get3A_512] {strides = array<i32>} : memref<256x64xf32, #tpu.memory_space<vmem>>, vector<16xf32>,
      %add3A_514 = arith.addf %gather3A_510, %get3A_513 : vector<16xf32>
      %swap3A_515 = arith.index_cast %add3A_451 : i32 to index
      %swap3A_516 = arith.constant 32 : index
      %swap3A_517 = tpu.vector_load %arg8[%swap3A_515, %swap3A_516] {strides = array<i32>} : memref<256x64xf32, #tpu.memory_space<vmem>>, vector<16xf32>,
      tpu.vector_store %arg8[%swap3A_515, %swap3A_516], %add3A_514 {strides = array<i32>} : memref<256x64xf32, #tpu.memory_space<vmem>>, vector<16xf32>,
      %add3A_518 = arith.constant 48 : i32
      %add3A_519 = vector.broadcast %add3A_518 : i32 to vector<16xi32>
      %add3A_520 = arith.addi %add3A_519, %iota3A : vector<16xi32>
      %mul3A_521 = arith.constant 0 : i32
      %mul3A_522 = vector.broadcast %mul3A_521 : i32 to vector<16xi32>
      %mul3A_523 = arith.muli %mul3A_522, %iota3A : vector<16xi32>
      %add3A_524 = vector.broadcast %rem3A_455 : i32 to vector<16xi32>
      %add3A_525 = arith.addi %add3A_524, %mul3A_523 : vector<16xi32>
      %gather3A_526 = arith.constant 0 : i32
      %gather3A_527 = arith.constant 0 : i32
      %gather3A_528 = tpu.memref_slice %arg7[%rem3A_457, %gather3A_526, %gather3A_527] : memref<6x64x128xf32, #tpu.memory_space<vmem>> -> memref<1x64x128xf32, #tpu.memory_space<vmem>>
      %gather3A_529 = tpu.memref_squeeze %gather3A_528 : memref<1x64x128xf32, #tpu.memory_space<vmem>> -> memref<64x128xf32, #tpu.memory_space<vmem>>
      %gather3A_530 = tpu.vector_load_idx %gather3A_529[%add3A_520, %add3A_525] : memref<64x128xf32, #tpu.memory_space<vmem>>[vector<16xi32>, vector<16xi32>], vector<16xf32>,
      %get3A_531 = arith.index_cast %add3A_451 : i32 to index
      %get3A_532 = arith.constant 48 : index
      %get3A_533 = tpu.vector_load %arg9[%get3A_531, %get3A_532] {strides = array<i32>} : memref<256x64xf32, #tpu.memory_space<vmem>>, vector<16xf32>,
      %add3A_534 = arith.addf %gather3A_530, %get3A_533 : vector<16xf32>
      %swap3A_535 = arith.index_cast %add3A_451 : i32 to index
      %swap3A_536 = arith.constant 48 : index
      %swap3A_537 = tpu.vector_load %arg8[%swap3A_535, %swap3A_536] {strides = array<i32>} : memref<256x64xf32, #tpu.memory_space<vmem>>, vector<16xf32>,
      tpu.vector_store %arg8[%swap3A_535, %swap3A_536], %add3A_534 {strides = array<i32>} : memref<256x64xf32, #tpu.memory_space<vmem>>, vector<16xf32>,
      %slice3A_538 = vector.extract_strided_slice %get3A_229 {offsets = [7], sizes = [1], strides = [1]} : vector<16xi32> to vector<1xi32>
      %squeeze3A_539 = vector.extract %slice3A_538[0] : i32 from vector<1xi32>
      %mul3A_540 = arith.constant 16 : i32
      %mul3A_541 = arith.muli %scan3A_224, %mul3A_540 : i32
      %add3A_542 = arith.constant 7 : i32
      %add3A_543 = arith.addi %mul3A_541, %add3A_542 : i32
      %rem3A_544 = arith.constant 6 : i32
      %rem3A_545 = arith.remsi %add3A_543, %rem3A_544 : i32
      %jit3A_546 = arith.constant 128 : i32
      %div3A_547 = arith.divsi %squeeze3A_539, %jit3A_546 : i32
      %sign3A_548 = arith.constant 0 : i32
      %sign3A_549 = arith.cmpi sgt, %squeeze3A_539, %sign3A_548 : i32
      %sign3A_550 = arith.extui %sign3A_549 : i1 to i32
      %sign3A_551 = arith.constant 0 : i32
      %sign3A_552 = arith.cmpi slt, %squeeze3A_539, %sign3A_551 : i32
      %sign3A_553 = arith.extui %sign3A_552 : i1 to i32
      %sign3A_554 = arith.subi %sign3A_550, %sign3A_553 : i32
      %sign3A_555 = arith.constant 0 : i32
      %sign3A_556 = arith.cmpi sgt, %jit3A_546, %sign3A_555 : i32
      %sign3A_557 = arith.extui %sign3A_556 : i1 to i32
      %sign3A_558 = arith.constant 0 : i32
      %sign3A_559 = arith.cmpi slt, %jit3A_546, %sign3A_558 : i32
      %sign3A_560 = arith.extui %sign3A_559 : i1 to i32
      %sign3A_561 = arith.subi %sign3A_557, %sign3A_560 : i32
      %ne3A_562 = arith.cmpi ne, %sign3A_554, %sign3A_561 : i32
      %rem3A_563 = arith.remsi %squeeze3A_539, %jit3A_546 : i32
      %ne3A_564 = arith.constant 0 : i32
      %ne3A_565 = arith.cmpi ne, %rem3A_563, %ne3A_564 : i32
      %and3A_566 = arith.andi %ne3A_562, %ne3A_565 : i1
      %sub3A_567 = arith.constant 1 : i32
      %sub3A_568 = arith.subi %div3A_547, %sub3A_567 : i32
      %select_n3A_569 = arith.select %and3A_566, %sub3A_568, %div3A_547 : i32
      %mul3A_570 = arith.constant 128 : i32
      %mul3A_571 = arith.muli %select_n3A_569, %mul3A_570 : i32
      %multiple_of3A_572 = tpu.assume_multiple %mul3A_571, 128 : i32
      %dma_start3A_573 = arith.constant 0 : i32
      %dma_start3A_574 = arith.constant 0 : i32
      %dma_start3A_575 = tpu.memref_slice %arg7[%rem3A_545, %dma_start3A_573, %dma_start3A_574] : memref<6x64x128xf32, #tpu.memory_space<vmem>> -> memref<1x64x128xf32, #tpu.memory_space<vmem>>
      %dma_start3A_576 = tpu.memref_squeeze %dma_start3A_575 : memref<1x64x128xf32, #tpu.memory_space<vmem>> -> memref<64x128xf32, #tpu.memory_space<vmem>>
      %dma_start3A_577 = arith.constant 0 : i32
      %dma_start3A_578 = tpu.memref_slice %arg2[%dma_start3A_577, %multiple_of3A_572] : memref<64x1000000xf32, #tpu.memory_space<hbm>> -> memref<64x128xf32, #tpu.memory_space<hbm>>
      %dma_start3A_579 = arith.constant 0 : i32
      %dma_start3A_580 = arith.constant 0 : i32
      %dma_start3A_581 = tpu.memref_slice %arg7[%rem3A_545, %dma_start3A_579, %dma_start3A_580] : memref<6x64x128xf32, #tpu.memory_space<vmem>> -> memref<1x64x128xf32, #tpu.memory_space<vmem>>
      %dma_start3A_582 = tpu.memref_squeeze %dma_start3A_581 : memref<1x64x128xf32, #tpu.memory_space<vmem>> -> memref<64x128xf32, #tpu.memory_space<vmem>>
      %dma_start3A_583 = arith.constant 0 : i32
      %dma_start3A_584 = tpu.memref_slice %arg2[%dma_start3A_583, %multiple_of3A_572] : memref<64x1000000xf32, #tpu.memory_space<hbm>> -> memref<64x128xf32, #tpu.memory_space<hbm>>
      tpu.enqueue_dma source(%dma_start3A_584 : memref<64x128xf32, #tpu.memory_space<hbm>>) target(%dma_start3A_582 : memref<64x128xf32, #tpu.memory_space<vmem>>) target_semaphore(%arg10 : memref<!tpu.dma_semaphore, #tpu.memory_space<semaphore_mem>>)
      %dma_wait3A_585 = arith.constant 0 : i32
      %dma_wait3A_586 = arith.constant 0 : i32
      %dma_wait3A_587 = arith.constant 0 : i32
      %dma_wait3A_588 = tpu.memref_slice %arg7[%dma_wait3A_585, %dma_wait3A_586, %dma_wait3A_587] : memref<6x64x128xf32, #tpu.memory_space<vmem>> -> memref<1x64x128xf32, #tpu.memory_space<vmem>>
      %dma_wait3A_589 = tpu.memref_squeeze %dma_wait3A_588 : memref<1x64x128xf32, #tpu.memory_space<vmem>> -> memref<64x128xf32, #tpu.memory_space<vmem>>
      %dma_wait3A_590 = arith.constant 0 : i32
      %dma_wait3A_591 = arith.constant 0 : i32
      %dma_wait3A_592 = tpu.memref_slice %arg2[%dma_wait3A_590, %dma_wait3A_591] : memref<64x1000000xf32, #tpu.memory_space<hbm>> -> memref<64x128xf32, #tpu.memory_space<hbm>>
      %dma_wait3A_593 = arith.constant 0 : i32
      %dma_wait3A_594 = arith.constant 0 : i32
      %dma_wait3A_595 = tpu.memref_slice %arg7[%dma_wait3A_585, %dma_wait3A_593, %dma_wait3A_594] : memref<6x64x128xf32, #tpu.memory_space<vmem>> -> memref<1x64x128xf32, #tpu.memory_space<vmem>>
      %dma_wait3A_596 = tpu.memref_squeeze %dma_wait3A_595 : memref<1x64x128xf32, #tpu.memory_space<vmem>> -> memref<64x128xf32, #tpu.memory_space<vmem>>
      %dma_wait3A_597 = arith.constant 0 : i32
      %dma_wait3A_598 = arith.constant 0 : i32
      %dma_wait3A_599 = tpu.memref_slice %arg2[%dma_wait3A_597, %dma_wait3A_598] : memref<64x1000000xf32, #tpu.memory_space<hbm>> -> memref<64x128xf32, #tpu.memory_space<hbm>>
      tpu.wait_dma2 semaphore(%arg10 : memref<!tpu.dma_semaphore, #tpu.memory_space<semaphore_mem>>) src(%dma_wait3A_599 : memref<64x128xf32, #tpu.memory_space<hbm>>) dst(%dma_wait3A_596 : memref<64x128xf32, #tpu.memory_space<vmem>>)
      %mul3A_600 = arith.constant 16 : i32
      %mul3A_601 = arith.muli %scan3A_224, %mul3A_600 : i32
      %add3A_602 = arith.constant 2 : i32
      %add3A_603 = arith.addi %mul3A_601, %add3A_602 : i32
      %slice3A_604 = vector.extract_strided_slice %get3A_229 {offsets = [2], sizes = [1], strides = [1]} : vector<16xi32> to vector<1xi32>
      %squeeze3A_605 = vector.extract %slice3A_604[0] : i32 from vector<1xi32>
      %rem3A_606 = arith.constant 128 : i32
      %rem3A_607 = arith.remsi %squeeze3A_605, %rem3A_606 : i32
      %rem3A_608 = arith.constant 6 : i32
      %rem3A_609 = arith.remsi %add3A_603, %rem3A_608 : i32
      %add3A_610 = arith.constant 0 : i32
      %add3A_611 = vector.broadcast %add3A_610 : i32 to vector<16xi32>
      %add3A_612 = arith.addi %add3A_611, %iota3A : vector<16xi32>
      %mul3A_613 = arith.constant 0 : i32
      %mul3A_614 = vector.broadcast %mul3A_613 : i32 to vector<16xi32>
      %mul3A_615 = arith.muli %mul3A_614, %iota3A : vector<16xi32>
      %add3A_616 = vector.broadcast %rem3A_607 : i32 to vector<16xi32>
      %add3A_617 = arith.addi %add3A_616, %mul3A_615 : vector<16xi32>
      %gather3A_618 = arith.constant 0 : i32
      %gather3A_619 = arith.constant 0 : i32
      %gather3A_620 = tpu.memref_slice %arg7[%rem3A_609, %gather3A_618, %gather3A_619] : memref<6x64x128xf32, #tpu.memory_space<vmem>> -> memref<1x64x128xf32, #tpu.memory_space<vmem>>
      %gather3A_621 = tpu.memref_squeeze %gather3A_620 : memref<1x64x128xf32, #tpu.memory_space<vmem>> -> memref<64x128xf32, #tpu.memory_space<vmem>>
      %gather3A_622 = tpu.vector_load_idx %gather3A_621[%add3A_612, %add3A_617] : memref<64x128xf32, #tpu.memory_space<vmem>>[vector<16xi32>, vector<16xi32>], vector<16xf32>,
      %get3A_623 = arith.index_cast %add3A_603 : i32 to index
      %get3A_624 = arith.constant 0 : index
      %get3A_625 = tpu.vector_load %arg9[%get3A_623, %get3A_624] {strides = array<i32>} : memref<256x64xf32, #tpu.memory_space<vmem>>, vector<16xf32>,
      %add3A_626 = arith.addf %gather3A_622, %get3A_625 : vector<16xf32>
      %swap3A_627 = arith.index_cast %add3A_603 : i32 to index
      %swap3A_628 = arith.constant 0 : index
      %swap3A_629 = tpu.vector_load %arg8[%swap3A_627, %swap3A_628] {strides = array<i32>} : memref<256x64xf32, #tpu.memory_space<vmem>>, vector<16xf32>,
      tpu.vector_store %arg8[%swap3A_627, %swap3A_628], %add3A_626 {strides = array<i32>} : memref<256x64xf32, #tpu.memory_space<vmem>>, vector<16xf32>,
      %add3A_630 = arith.constant 16 : i32
      %add3A_631 = vector.broadcast %add3A_630 : i32 to vector<16xi32>
      %add3A_632 = arith.addi %add3A_631, %iota3A : vector<16xi32>
      %mul3A_633 = arith.constant 0 : i32
      %mul3A_634 = vector.broadcast %mul3A_633 : i32 to vector<16xi32>
      %mul3A_635 = arith.muli %mul3A_634, %iota3A : vector<16xi32>
      %add3A_636 = vector.broadcast %rem3A_607 : i32 to vector<16xi32>
      %add3A_637 = arith.addi %add3A_636, %mul3A_635 : vector<16xi32>
      %gather3A_638 = arith.constant 0 : i32
      %gather3A_639 = arith.constant 0 : i32
      %gather3A_640 = tpu.memref_slice %arg7[%rem3A_609, %gather3A_638, %gather3A_639] : memref<6x64x128xf32, #tpu.memory_space<vmem>> -> memref<1x64x128xf32, #tpu.memory_space<vmem>>
      %gather3A_641 = tpu.memref_squeeze %gather3A_640 : memref<1x64x128xf32, #tpu.memory_space<vmem>> -> memref<64x128xf32, #tpu.memory_space<vmem>>
      %gather3A_642 = tpu.vector_load_idx %gather3A_641[%add3A_632, %add3A_637] : memref<64x128xf32, #tpu.memory_space<vmem>>[vector<16xi32>, vector<16xi32>], vector<16xf32>,
      %get3A_643 = arith.index_cast %add3A_603 : i32 to index
      %get3A_644 = arith.constant 16 : index
      %get3A_645 = tpu.vector_load %arg9[%get3A_643, %get3A_644] {strides = array<i32>} : memref<256x64xf32, #tpu.memory_space<vmem>>, vector<16xf32>,
      %add3A_646 = arith.addf %gather3A_642, %get3A_645 : vector<16xf32>
      %swap3A_647 = arith.index_cast %add3A_603 : i32 to index
      %swap3A_648 = arith.constant 16 : index
      %swap3A_649 = tpu.vector_load %arg8[%swap3A_647, %swap3A_648] {strides = array<i32>} : memref<256x64xf32, #tpu.memory_space<vmem>>, vector<16xf32>,
      tpu.vector_store %arg8[%swap3A_647, %swap3A_648], %add3A_646 {strides = array<i32>} : memref<256x64xf32, #tpu.memory_space<vmem>>, vector<16xf32>,
      %add3A_650 = arith.constant 32 : i32
      %add3A_651 = vector.broadcast %add3A_650 : i32 to vector<16xi32>
      %add3A_652 = arith.addi %add3A_651, %iota3A : vector<16xi32>
      %mul3A_653 = arith.constant 0 : i32
      %mul3A_654 = vector.broadcast %mul3A_653 : i32 to vector<16xi32>
      %mul3A_655 = arith.muli %mul3A_654, %iota3A : vector<16xi32>
      %add3A_656 = vector.broadcast %rem3A_607 : i32 to vector<16xi32>
      %add3A_657 = arith.addi %add3A_656, %mul3A_655 : vector<16xi32>
      %gather3A_658 = arith.constant 0 : i32
      %gather3A_659 = arith.constant 0 : i32
      %gather3A_660 = tpu.memref_slice %arg7[%rem3A_609, %gather3A_658, %gather3A_659] : memref<6x64x128xf32, #tpu.memory_space<vmem>> -> memref<1x64x128xf32, #tpu.memory_space<vmem>>
      %gather3A_661 = tpu.memref_squeeze %gather3A_660 : memref<1x64x128xf32, #tpu.memory_space<vmem>> -> memref<64x128xf32, #tpu.memory_space<vmem>>
      %gather3A_662 = tpu.vector_load_idx %gather3A_661[%add3A_652, %add3A_657] : memref<64x128xf32, #tpu.memory_space<vmem>>[vector<16xi32>, vector<16xi32>], vector<16xf32>,
      %get3A_663 = arith.index_cast %add3A_603 : i32 to index
      %get3A_664 = arith.constant 32 : index
      %get3A_665 = tpu.vector_load %arg9[%get3A_663, %get3A_664] {strides = array<i32>} : memref<256x64xf32, #tpu.memory_space<vmem>>, vector<16xf32>,
      %add3A_666 = arith.addf %gather3A_662, %get3A_665 : vector<16xf32>
      %swap3A_667 = arith.index_cast %add3A_603 : i32 to index
      %swap3A_668 = arith.constant 32 : index
      %swap3A_669 = tpu.vector_load %arg8[%swap3A_667, %swap3A_668] {strides = array<i32>} : memref<256x64xf32, #tpu.memory_space<vmem>>, vector<16xf32>,
      tpu.vector_store %arg8[%swap3A_667, %swap3A_668], %add3A_666 {strides = array<i32>} : memref<256x64xf32, #tpu.memory_space<vmem>>, vector<16xf32>,
      %add3A_670 = arith.constant 48 : i32
      %add3A_671 = vector.broadcast %add3A_670 : i32 to vector<16xi32>
      %add3A_672 = arith.addi %add3A_671, %iota3A : vector<16xi32>
      %mul3A_673 = arith.constant 0 : i32
      %mul3A_674 = vector.broadcast %mul3A_673 : i32 to vector<16xi32>
      %mul3A_675 = arith.muli %mul3A_674, %iota3A : vector<16xi32>
      %add3A_676 = vector.broadcast %rem3A_607 : i32 to vector<16xi32>
      %add3A_677 = arith.addi %add3A_676, %mul3A_675 : vector<16xi32>
      %gather3A_678 = arith.constant 0 : i32
      %gather3A_679 = arith.constant 0 : i32
      %gather3A_680 = tpu.memref_slice %arg7[%rem3A_609, %gather3A_678, %gather3A_679] : memref<6x64x128xf32, #tpu.memory_space<vmem>> -> memref<1x64x128xf32, #tpu.memory_space<vmem>>
      %gather3A_681 = tpu.memref_squeeze %gather3A_680 : memref<1x64x128xf32, #tpu.memory_space<vmem>> -> memref<64x128xf32, #tpu.memory_space<vmem>>
      %gather3A_682 = tpu.vector_load_idx %gather3A_681[%add3A_672, %add3A_677] : memref<64x128xf32, #tpu.memory_space<vmem>>[vector<16xi32>, vector<16xi32>], vector<16xf32>,
      %get3A_683 = arith.index_cast %add3A_603 : i32 to index
      %get3A_684 = arith.constant 48 : index
      %get3A_685 = tpu.vector_load %arg9[%get3A_683, %get3A_684] {strides = array<i32>} : memref<256x64xf32, #tpu.memory_space<vmem>>, vector<16xf32>,
      %add3A_686 = arith.addf %gather3A_682, %get3A_685 : vector<16xf32>
      %swap3A_687 = arith.index_cast %add3A_603 : i32 to index
      %swap3A_688 = arith.constant 48 : index
      %swap3A_689 = tpu.vector_load %arg8[%swap3A_687, %swap3A_688] {strides = array<i32>} : memref<256x64xf32, #tpu.memory_space<vmem>>, vector<16xf32>,
      tpu.vector_store %arg8[%swap3A_687, %swap3A_688], %add3A_686 {strides = array<i32>} : memref<256x64xf32, #tpu.memory_space<vmem>>, vector<16xf32>,
      %slice3A_690 = vector.extract_strided_slice %get3A_229 {offsets = [8], sizes = [1], strides = [1]} : vector<16xi32> to vector<1xi32>
      %squeeze3A_691 = vector.extract %slice3A_690[0] : i32 from vector<1xi32>
      %mul3A_692 = arith.constant 16 : i32
      %mul3A_693 = arith.muli %scan3A_224, %mul3A_692 : i32
      %add3A_694 = arith.constant 8 : i32
      %add3A_695 = arith.addi %mul3A_693, %add3A_694 : i32
      %rem3A_696 = arith.constant 6 : i32
      %rem3A_697 = arith.remsi %add3A_695, %rem3A_696 : i32
      %jit3A_698 = arith.constant 128 : i32
      %div3A_699 = arith.divsi %squeeze3A_691, %jit3A_698 : i32
      %sign3A_700 = arith.constant 0 : i32
      %sign3A_701 = arith.cmpi sgt, %squeeze3A_691, %sign3A_700 : i32
      %sign3A_702 = arith.extui %sign3A_701 : i1 to i32
      %sign3A_703 = arith.constant 0 : i32
      %sign3A_704 = arith.cmpi slt, %squeeze3A_691, %sign3A_703 : i32
      %sign3A_705 = arith.extui %sign3A_704 : i1 to i32
      %sign3A_706 = arith.subi %sign3A_702, %sign3A_705 : i32
      %sign3A_707 = arith.constant 0 : i32
      %sign3A_708 = arith.cmpi sgt, %jit3A_698, %sign3A_707 : i32
      %sign3A_709 = arith.extui %sign3A_708 : i1 to i32
      %sign3A_710 = arith.constant 0 : i32
      %sign3A_711 = arith.cmpi slt, %jit3A_698, %sign3A_710 : i32
      %sign3A_712 = arith.extui %sign3A_711 : i1 to i32
      %sign3A_713 = arith.subi %sign3A_709, %sign3A_712 : i32
      %ne3A_714 = arith.cmpi ne, %sign3A_706, %sign3A_713 : i32
      %rem3A_715 = arith.remsi %squeeze3A_691, %jit3A_698 : i32
      %ne3A_716 = arith.constant 0 : i32
      %ne3A_717 = arith.cmpi ne, %rem3A_715, %ne3A_716 : i32
      %and3A_718 = arith.andi %ne3A_714, %ne3A_717 : i1
      %sub3A_719 = arith.constant 1 : i32
      %sub3A_720 = arith.subi %div3A_699, %sub3A_719 : i32
      %select_n3A_721 = arith.select %and3A_718, %sub3A_720, %div3A_699 : i32
      %mul3A_722 = arith.constant 128 : i32
      %mul3A_723 = arith.muli %select_n3A_721, %mul3A_722 : i32
      %multiple_of3A_724 = tpu.assume_multiple %mul3A_723, 128 : i32
      %dma_start3A_725 = arith.constant 0 : i32
      %dma_start3A_726 = arith.constant 0 : i32
      %dma_start3A_727 = tpu.memref_slice %arg7[%rem3A_697, %dma_start3A_725, %dma_start3A_726] : memref<6x64x128xf32, #tpu.memory_space<vmem>> -> memref<1x64x128xf32, #tpu.memory_space<vmem>>
      %dma_start3A_728 = tpu.memref_squeeze %dma_start3A_727 : memref<1x64x128xf32, #tpu.memory_space<vmem>> -> memref<64x128xf32, #tpu.memory_space<vmem>>
      %dma_start3A_729 = arith.constant 0 : i32
      %dma_start3A_730 = tpu.memref_slice %arg2[%dma_start3A_729, %multiple_of3A_724] : memref<64x1000000xf32, #tpu.memory_space<hbm>> -> memref<64x128xf32, #tpu.memory_space<hbm>>
      %dma_start3A_731 = arith.constant 0 : i32
      %dma_start3A_732 = arith.constant 0 : i32
      %dma_start3A_733 = tpu.memref_slice %arg7[%rem3A_697, %dma_start3A_731, %dma_start3A_732] : memref<6x64x128xf32, #tpu.memory_space<vmem>> -> memref<1x64x128xf32, #tpu.memory_space<vmem>>
      %dma_start3A_734 = tpu.memref_squeeze %dma_start3A_733 : memref<1x64x128xf32, #tpu.memory_space<vmem>> -> memref<64x128xf32, #tpu.memory_space<vmem>>
      %dma_start3A_735 = arith.constant 0 : i32
      %dma_start3A_736 = tpu.memref_slice %arg2[%dma_start3A_735, %multiple_of3A_724] : memref<64x1000000xf32, #tpu.memory_space<hbm>> -> memref<64x128xf32, #tpu.memory_space<hbm>>
      tpu.enqueue_dma source(%dma_start3A_736 : memref<64x128xf32, #tpu.memory_space<hbm>>) target(%dma_start3A_734 : memref<64x128xf32, #tpu.memory_space<vmem>>) target_semaphore(%arg10 : memref<!tpu.dma_semaphore, #tpu.memory_space<semaphore_mem>>)
      %dma_wait3A_737 = arith.constant 0 : i32
      %dma_wait3A_738 = arith.constant 0 : i32
      %dma_wait3A_739 = arith.constant 0 : i32
      %dma_wait3A_740 = tpu.memref_slice %arg7[%dma_wait3A_737, %dma_wait3A_738, %dma_wait3A_739] : memref<6x64x128xf32, #tpu.memory_space<vmem>> -> memref<1x64x128xf32, #tpu.memory_space<vmem>>
      %dma_wait3A_741 = tpu.memref_squeeze %dma_wait3A_740 : memref<1x64x128xf32, #tpu.memory_space<vmem>> -> memref<64x128xf32, #tpu.memory_space<vmem>>
      %dma_wait3A_742 = arith.constant 0 : i32
      %dma_wait3A_743 = arith.constant 0 : i32
      %dma_wait3A_744 = tpu.memref_slice %arg2[%dma_wait3A_742, %dma_wait3A_743] : memref<64x1000000xf32, #tpu.memory_space<hbm>> -> memref<64x128xf32, #tpu.memory_space<hbm>>
      %dma_wait3A_745 = arith.constant 0 : i32
      %dma_wait3A_746 = arith.constant 0 : i32
      %dma_wait3A_747 = tpu.memref_slice %arg7[%dma_wait3A_737, %dma_wait3A_745, %dma_wait3A_746] : memref<6x64x128xf32, #tpu.memory_space<vmem>> -> memref<1x64x128xf32, #tpu.memory_space<vmem>>
      %dma_wait3A_748 = tpu.memref_squeeze %dma_wait3A_747 : memref<1x64x128xf32, #tpu.memory_space<vmem>> -> memref<64x128xf32, #tpu.memory_space<vmem>>
      %dma_wait3A_749 = arith.constant 0 : i32
      %dma_wait3A_750 = arith.constant 0 : i32
      %dma_wait3A_751 = tpu.memref_slice %arg2[%dma_wait3A_749, %dma_wait3A_750] : memref<64x1000000xf32, #tpu.memory_space<hbm>> -> memref<64x128xf32, #tpu.memory_space<hbm>>
      tpu.wait_dma2 semaphore(%arg10 : memref<!tpu.dma_semaphore, #tpu.memory_space<semaphore_mem>>) src(%dma_wait3A_751 : memref<64x128xf32, #tpu.memory_space<hbm>>) dst(%dma_wait3A_748 : memref<64x128xf32, #tpu.memory_space<vmem>>)
      %mul3A_752 = arith.constant 16 : i32
      %mul3A_753 = arith.muli %scan3A_224, %mul3A_752 : i32
      %add3A_754 = arith.constant 3 : i32
      %add3A_755 = arith.addi %mul3A_753, %add3A_754 : i32
      %slice3A_756 = vector.extract_strided_slice %get3A_229 {offsets = [3], sizes = [1], strides = [1]} : vector<16xi32> to vector<1xi32>
      %squeeze3A_757 = vector.extract %slice3A_756[0] : i32 from vector<1xi32>
      %rem3A_758 = arith.constant 128 : i32
      %rem3A_759 = arith.remsi %squeeze3A_757, %rem3A_758 : i32
      %rem3A_760 = arith.constant 6 : i32
      %rem3A_761 = arith.remsi %add3A_755, %rem3A_760 : i32
      %add3A_762 = arith.constant 0 : i32
      %add3A_763 = vector.broadcast %add3A_762 : i32 to vector<16xi32>
      %add3A_764 = arith.addi %add3A_763, %iota3A : vector<16xi32>
      %mul3A_765 = arith.constant 0 : i32
      %mul3A_766 = vector.broadcast %mul3A_765 : i32 to vector<16xi32>
      %mul3A_767 = arith.muli %mul3A_766, %iota3A : vector<16xi32>
      %add3A_768 = vector.broadcast %rem3A_759 : i32 to vector<16xi32>
      %add3A_769 = arith.addi %add3A_768, %mul3A_767 : vector<16xi32>
      %gather3A_770 = arith.constant 0 : i32
      %gather3A_771 = arith.constant 0 : i32
      %gather3A_772 = tpu.memref_slice %arg7[%rem3A_761, %gather3A_770, %gather3A_771] : memref<6x64x128xf32, #tpu.memory_space<vmem>> -> memref<1x64x128xf32, #tpu.memory_space<vmem>>
      %gather3A_773 = tpu.memref_squeeze %gather3A_772 : memref<1x64x128xf32, #tpu.memory_space<vmem>> -> memref<64x128xf32, #tpu.memory_space<vmem>>
      %gather3A_774 = tpu.vector_load_idx %gather3A_773[%add3A_764, %add3A_769] : memref<64x128xf32, #tpu.memory_space<vmem>>[vector<16xi32>, vector<16xi32>], vector<16xf32>,
      %get3A_775 = arith.index_cast %add3A_755 : i32 to index
      %get3A_776 = arith.constant 0 : index
      %get3A_777 = tpu.vector_load %arg9[%get3A_775, %get3A_776] {strides = array<i32>} : memref<256x64xf32, #tpu.memory_space<vmem>>, vector<16xf32>,
      %add3A_778 = arith.addf %gather3A_774, %get3A_777 : vector<16xf32>
      %swap3A_779 = arith.index_cast %add3A_755 : i32 to index
      %swap3A_780 = arith.constant 0 : index
      %swap3A_781 = tpu.vector_load %arg8[%swap3A_779, %swap3A_780] {strides = array<i32>} : memref<256x64xf32, #tpu.memory_space<vmem>>, vector<16xf32>,
      tpu.vector_store %arg8[%swap3A_779, %swap3A_780], %add3A_778 {strides = array<i32>} : memref<256x64xf32, #tpu.memory_space<vmem>>, vector<16xf32>,
      %add3A_782 = arith.constant 16 : i32
      %add3A_783 = vector.broadcast %add3A_782 : i32 to vector<16xi32>
      %add3A_784 = arith.addi %add3A_783, %iota3A : vector<16xi32>
      %mul3A_785 = arith.constant 0 : i32
      %mul3A_786 = vector.broadcast %mul3A_785 : i32 to vector<16xi32>
      %mul3A_787 = arith.muli %mul3A_786, %iota3A : vector<16xi32>
      %add3A_788 = vector.broadcast %rem3A_759 : i32 to vector<16xi32>
      %add3A_789 = arith.addi %add3A_788, %mul3A_787 : vector<16xi32>
      %gather3A_790 = arith.constant 0 : i32
      %gather3A_791 = arith.constant 0 : i32
      %gather3A_792 = tpu.memref_slice %arg7[%rem3A_761, %gather3A_790, %gather3A_791] : memref<6x64x128xf32, #tpu.memory_space<vmem>> -> memref<1x64x128xf32, #tpu.memory_space<vmem>>
      %gather3A_793 = tpu.memref_squeeze %gather3A_792 : memref<1x64x128xf32, #tpu.memory_space<vmem>> -> memref<64x128xf32, #tpu.memory_space<vmem>>
      %gather3A_794 = tpu.vector_load_idx %gather3A_793[%add3A_784, %add3A_789] : memref<64x128xf32, #tpu.memory_space<vmem>>[vector<16xi32>, vector<16xi32>], vector<16xf32>,
      %get3A_795 = arith.index_cast %add3A_755 : i32 to index
      %get3A_796 = arith.constant 16 : index
      %get3A_797 = tpu.vector_load %arg9[%get3A_795, %get3A_796] {strides = array<i32>} : memref<256x64xf32, #tpu.memory_space<vmem>>, vector<16xf32>,
      %add3A_798 = arith.addf %gather3A_794, %get3A_797 : vector<16xf32>
      %swap3A_799 = arith.index_cast %add3A_755 : i32 to index
      %swap3A_800 = arith.constant 16 : index
      %swap3A_801 = tpu.vector_load %arg8[%swap3A_799, %swap3A_800] {strides = array<i32>} : memref<256x64xf32, #tpu.memory_space<vmem>>, vector<16xf32>,
      tpu.vector_store %arg8[%swap3A_799, %swap3A_800], %add3A_798 {strides = array<i32>} : memref<256x64xf32, #tpu.memory_space<vmem>>, vector<16xf32>,
      %add3A_802 = arith.constant 32 : i32
      %add3A_803 = vector.broadcast %add3A_802 : i32 to vector<16xi32>
      %add3A_804 = arith.addi %add3A_803, %iota3A : vector<16xi32>
      %mul3A_805 = arith.constant 0 : i32
      %mul3A_806 = vector.broadcast %mul3A_805 : i32 to vector<16xi32>
      %mul3A_807 = arith.muli %mul3A_806, %iota3A : vector<16xi32>
      %add3A_808 = vector.broadcast %rem3A_759 : i32 to vector<16xi32>
      %add3A_809 = arith.addi %add3A_808, %mul3A_807 : vector<16xi32>
      %gather3A_810 = arith.constant 0 : i32
      %gather3A_811 = arith.constant 0 : i32
      %gather3A_812 = tpu.memref_slice %arg7[%rem3A_761, %gather3A_810, %gather3A_811] : memref<6x64x128xf32, #tpu.memory_space<vmem>> -> memref<1x64x128xf32, #tpu.memory_space<vmem>>
      %gather3A_813 = tpu.memref_squeeze %gather3A_812 : memref<1x64x128xf32, #tpu.memory_space<vmem>> -> memref<64x128xf32, #tpu.memory_space<vmem>>
      %gather3A_814 = tpu.vector_load_idx %gather3A_813[%add3A_804, %add3A_809] : memref<64x128xf32, #tpu.memory_space<vmem>>[vector<16xi32>, vector<16xi32>], vector<16xf32>,
      %get3A_815 = arith.index_cast %add3A_755 : i32 to index
      %get3A_816 = arith.constant 32 : index
      %get3A_817 = tpu.vector_load %arg9[%get3A_815, %get3A_816] {strides = array<i32>} : memref<256x64xf32, #tpu.memory_space<vmem>>, vector<16xf32>,
      %add3A_818 = arith.addf %gather3A_814, %get3A_817 : vector<16xf32>
      %swap3A_819 = arith.index_cast %add3A_755 : i32 to index
      %swap3A_820 = arith.constant 32 : index
      %swap3A_821 = tpu.vector_load %arg8[%swap3A_819, %swap3A_820] {strides = array<i32>} : memref<256x64xf32, #tpu.memory_space<vmem>>, vector<16xf32>,
      tpu.vector_store %arg8[%swap3A_819, %swap3A_820], %add3A_818 {strides = array<i32>} : memref<256x64xf32, #tpu.memory_space<vmem>>, vector<16xf32>,
      %add3A_822 = arith.constant 48 : i32
      %add3A_823 = vector.broadcast %add3A_822 : i32 to vector<16xi32>
      %add3A_824 = arith.addi %add3A_823, %iota3A : vector<16xi32>
      %mul3A_825 = arith.constant 0 : i32
      %mul3A_826 = vector.broadcast %mul3A_825 : i32 to vector<16xi32>
      %mul3A_827 = arith.muli %mul3A_826, %iota3A : vector<16xi32>
      %add3A_828 = vector.broadcast %rem3A_759 : i32 to vector<16xi32>
      %add3A_829 = arith.addi %add3A_828, %mul3A_827 : vector<16xi32>
      %gather3A_830 = arith.constant 0 : i32
      %gather3A_831 = arith.constant 0 : i32
      %gather3A_832 = tpu.memref_slice %arg7[%rem3A_761, %gather3A_830, %gather3A_831] : memref<6x64x128xf32, #tpu.memory_space<vmem>> -> memref<1x64x128xf32, #tpu.memory_space<vmem>>
      %gather3A_833 = tpu.memref_squeeze %gather3A_832 : memref<1x64x128xf32, #tpu.memory_space<vmem>> -> memref<64x128xf32, #tpu.memory_space<vmem>>
      %gather3A_834 = tpu.vector_load_idx %gather3A_833[%add3A_824, %add3A_829] : memref<64x128xf32, #tpu.memory_space<vmem>>[vector<16xi32>, vector<16xi32>], vector<16xf32>,
      %get3A_835 = arith.index_cast %add3A_755 : i32 to index
      %get3A_836 = arith.constant 48 : index
      %get3A_837 = tpu.vector_load %arg9[%get3A_835, %get3A_836] {strides = array<i32>} : memref<256x64xf32, #tpu.memory_space<vmem>>, vector<16xf32>,
      %add3A_838 = arith.addf %gather3A_834, %get3A_837 : vector<16xf32>
      %swap3A_839 = arith.index_cast %add3A_755 : i32 to index
      %swap3A_840 = arith.constant 48 : index
      %swap3A_841 = tpu.vector_load %arg8[%swap3A_839, %swap3A_840] {strides = array<i32>} : memref<256x64xf32, #tpu.memory_space<vmem>>, vector<16xf32>,
      tpu.vector_store %arg8[%swap3A_839, %swap3A_840], %add3A_838 {strides = array<i32>} : memref<256x64xf32, #tpu.memory_space<vmem>>, vector<16xf32>,
      %slice3A_842 = vector.extract_strided_slice %get3A_229 {offsets = [9], sizes = [1], strides = [1]} : vector<16xi32> to vector<1xi32>
      %squeeze3A_843 = vector.extract %slice3A_842[0] : i32 from vector<1xi32>
      %mul3A_844 = arith.constant 16 : i32
      %mul3A_845 = arith.muli %scan3A_224, %mul3A_844 : i32
      %add3A_846 = arith.constant 9 : i32
      %add3A_847 = arith.addi %mul3A_845, %add3A_846 : i32
      %rem3A_848 = arith.constant 6 : i32
      %rem3A_849 = arith.remsi %add3A_847, %rem3A_848 : i32
      %jit3A_850 = arith.constant 128 : i32
      %div3A_851 = arith.divsi %squeeze3A_843, %jit3A_850 : i32
      %sign3A_852 = arith.constant 0 : i32
      %sign3A_853 = arith.cmpi sgt, %squeeze3A_843, %sign3A_852 : i32
      %sign3A_854 = arith.extui %sign3A_853 : i1 to i32
      %sign3A_855 = arith.constant 0 : i32
      %sign3A_856 = arith.cmpi slt, %squeeze3A_843, %sign3A_855 : i32
      %sign3A_857 = arith.extui %sign3A_856 : i1 to i32
      %sign3A_858 = arith.subi %sign3A_854, %sign3A_857 : i32
      %sign3A_859 = arith.constant 0 : i32
      %sign3A_860 = arith.cmpi sgt, %jit3A_850, %sign3A_859 : i32
      %sign3A_861 = arith.extui %sign3A_860 : i1 to i32
      %sign3A_862 = arith.constant 0 : i32
      %sign3A_863 = arith.cmpi slt, %jit3A_850, %sign3A_862 : i32
      %sign3A_864 = arith.extui %sign3A_863 : i1 to i32
      %sign3A_865 = arith.subi %sign3A_861, %sign3A_864 : i32
      %ne3A_866 = arith.cmpi ne, %sign3A_858, %sign3A_865 : i32
      %rem3A_867 = arith.remsi %squeeze3A_843, %jit3A_850 : i32
      %ne3A_868 = arith.constant 0 : i32
      %ne3A_869 = arith.cmpi ne, %rem3A_867, %ne3A_868 : i32
      %and3A_870 = arith.andi %ne3A_866, %ne3A_869 : i1
      %sub3A_871 = arith.constant 1 : i32
      %sub3A_872 = arith.subi %div3A_851, %sub3A_871 : i32
      %select_n3A_873 = arith.select %and3A_870, %sub3A_872, %div3A_851 : i32
      %mul3A_874 = arith.constant 128 : i32
      %mul3A_875 = arith.muli %select_n3A_873, %mul3A_874 : i32
      %multiple_of3A_876 = tpu.assume_multiple %mul3A_875, 128 : i32
      %dma_start3A_877 = arith.constant 0 : i32
      %dma_start3A_878 = arith.constant 0 : i32
      %dma_start3A_879 = tpu.memref_slice %arg7[%rem3A_849, %dma_start3A_877, %dma_start3A_878] : memref<6x64x128xf32, #tpu.memory_space<vmem>> -> memref<1x64x128xf32, #tpu.memory_space<vmem>>
      %dma_start3A_880 = tpu.memref_squeeze %dma_start3A_879 : memref<1x64x128xf32, #tpu.memory_space<vmem>> -> memref<64x128xf32, #tpu.memory_space<vmem>>
      %dma_start3A_881 = arith.constant 0 : i32
      %dma_start3A_882 = tpu.memref_slice %arg2[%dma_start3A_881, %multiple_of3A_876] : memref<64x1000000xf32, #tpu.memory_space<hbm>> -> memref<64x128xf32, #tpu.memory_space<hbm>>
      %dma_start3A_883 = arith.constant 0 : i32
      %dma_start3A_884 = arith.constant 0 : i32
      %dma_start3A_885 = tpu.memref_slice %arg7[%rem3A_849, %dma_start3A_883, %dma_start3A_884] : memref<6x64x128xf32, #tpu.memory_space<vmem>> -> memref<1x64x128xf32, #tpu.memory_space<vmem>>
      %dma_start3A_886 = tpu.memref_squeeze %dma_start3A_885 : memref<1x64x128xf32, #tpu.memory_space<vmem>> -> memref<64x128xf32, #tpu.memory_space<vmem>>
      %dma_start3A_887 = arith.constant 0 : i32
      %dma_start3A_888 = tpu.memref_slice %arg2[%dma_start3A_887, %multiple_of3A_876] : memref<64x1000000xf32, #tpu.memory_space<hbm>> -> memref<64x128xf32, #tpu.memory_space<hbm>>
      tpu.enqueue_dma source(%dma_start3A_888 : memref<64x128xf32, #tpu.memory_space<hbm>>) target(%dma_start3A_886 : memref<64x128xf32, #tpu.memory_space<vmem>>) target_semaphore(%arg10 : memref<!tpu.dma_semaphore, #tpu.memory_space<semaphore_mem>>)
      %dma_wait3A_889 = arith.constant 0 : i32
      %dma_wait3A_890 = arith.constant 0 : i32
      %dma_wait3A_891 = arith.constant 0 : i32
      %dma_wait3A_892 = tpu.memref_slice %arg7[%dma_wait3A_889, %dma_wait3A_890, %dma_wait3A_891] : memref<6x64x128xf32, #tpu.memory_space<vmem>> -> memref<1x64x128xf32, #tpu.memory_space<vmem>>
      %dma_wait3A_893 = tpu.memref_squeeze %dma_wait3A_892 : memref<1x64x128xf32, #tpu.memory_space<vmem>> -> memref<64x128xf32, #tpu.memory_space<vmem>>
      %dma_wait3A_894 = arith.constant 0 : i32
      %dma_wait3A_895 = arith.constant 0 : i32
      %dma_wait3A_896 = tpu.memref_slice %arg2[%dma_wait3A_894, %dma_wait3A_895] : memref<64x1000000xf32, #tpu.memory_space<hbm>> -> memref<64x128xf32, #tpu.memory_space<hbm>>
      %dma_wait3A_897 = arith.constant 0 : i32
      %dma_wait3A_898 = arith.constant 0 : i32
      %dma_wait3A_899 = tpu.memref_slice %arg7[%dma_wait3A_889, %dma_wait3A_897, %dma_wait3A_898] : memref<6x64x128xf32, #tpu.memory_space<vmem>> -> memref<1x64x128xf32, #tpu.memory_space<vmem>>
      %dma_wait3A_900 = tpu.memref_squeeze %dma_wait3A_899 : memref<1x64x128xf32, #tpu.memory_space<vmem>> -> memref<64x128xf32, #tpu.memory_space<vmem>>
      %dma_wait3A_901 = arith.constant 0 : i32
      %dma_wait3A_902 = arith.constant 0 : i32
      %dma_wait3A_903 = tpu.memref_slice %arg2[%dma_wait3A_901, %dma_wait3A_902] : memref<64x1000000xf32, #tpu.memory_space<hbm>> -> memref<64x128xf32, #tpu.memory_space<hbm>>
      tpu.wait_dma2 semaphore(%arg10 : memref<!tpu.dma_semaphore, #tpu.memory_space<semaphore_mem>>) src(%dma_wait3A_903 : memref<64x128xf32, #tpu.memory_space<hbm>>) dst(%dma_wait3A_900 : memref<64x128xf32, #tpu.memory_space<vmem>>)
      %mul3A_904 = arith.constant 16 : i32
      %mul3A_905 = arith.muli %scan3A_224, %mul3A_904 : i32
      %add3A_906 = arith.constant 4 : i32
      %add3A_907 = arith.addi %mul3A_905, %add3A_906 : i32
      %slice3A_908 = vector.extract_strided_slice %get3A_229 {offsets = [4], sizes = [1], strides = [1]} : vector<16xi32> to vector<1xi32>
      %squeeze3A_909 = vector.extract %slice3A_908[0] : i32 from vector<1xi32>
      %rem3A_910 = arith.constant 128 : i32
      %rem3A_911 = arith.remsi %squeeze3A_909, %rem3A_910 : i32
      %rem3A_912 = arith.constant 6 : i32
      %rem3A_913 = arith.remsi %add3A_907, %rem3A_912 : i32
      %add3A_914 = arith.constant 0 : i32
      %add3A_915 = vector.broadcast %add3A_914 : i32 to vector<16xi32>
      %add3A_916 = arith.addi %add3A_915, %iota3A : vector<16xi32>
      %mul3A_917 = arith.constant 0 : i32
      %mul3A_918 = vector.broadcast %mul3A_917 : i32 to vector<16xi32>
      %mul3A_919 = arith.muli %mul3A_918, %iota3A : vector<16xi32>
      %add3A_920 = vector.broadcast %rem3A_911 : i32 to vector<16xi32>
      %add3A_921 = arith.addi %add3A_920, %mul3A_919 : vector<16xi32>
      %gather3A_922 = arith.constant 0 : i32
      %gather3A_923 = arith.constant 0 : i32
      %gather3A_924 = tpu.memref_slice %arg7[%rem3A_913, %gather3A_922, %gather3A_923] : memref<6x64x128xf32, #tpu.memory_space<vmem>> -> memref<1x64x128xf32, #tpu.memory_space<vmem>>
      %gather3A_925 = tpu.memref_squeeze %gather3A_924 : memref<1x64x128xf32, #tpu.memory_space<vmem>> -> memref<64x128xf32, #tpu.memory_space<vmem>>
      %gather3A_926 = tpu.vector_load_idx %gather3A_925[%add3A_916, %add3A_921] : memref<64x128xf32, #tpu.memory_space<vmem>>[vector<16xi32>, vector<16xi32>], vector<16xf32>,
      %get3A_927 = arith.index_cast %add3A_907 : i32 to index
      %get3A_928 = arith.constant 0 : index
      %get3A_929 = tpu.vector_load %arg9[%get3A_927, %get3A_928] {strides = array<i32>} : memref<256x64xf32, #tpu.memory_space<vmem>>, vector<16xf32>,
      %add3A_930 = arith.addf %gather3A_926, %get3A_929 : vector<16xf32>
      %swap3A_931 = arith.index_cast %add3A_907 : i32 to index
      %swap3A_932 = arith.constant 0 : index
      %swap3A_933 = tpu.vector_load %arg8[%swap3A_931, %swap3A_932] {strides = array<i32>} : memref<256x64xf32, #tpu.memory_space<vmem>>, vector<16xf32>,
      tpu.vector_store %arg8[%swap3A_931, %swap3A_932], %add3A_930 {strides = array<i32>} : memref<256x64xf32, #tpu.memory_space<vmem>>, vector<16xf32>,
      %add3A_934 = arith.constant 16 : i32
      %add3A_935 = vector.broadcast %add3A_934 : i32 to vector<16xi32>
      %add3A_936 = arith.addi %add3A_935, %iota3A : vector<16xi32>
      %mul3A_937 = arith.constant 0 : i32
      %mul3A_938 = vector.broadcast %mul3A_937 : i32 to vector<16xi32>
      %mul3A_939 = arith.muli %mul3A_938, %iota3A : vector<16xi32>
      %add3A_940 = vector.broadcast %rem3A_911 : i32 to vector<16xi32>
      %add3A_941 = arith.addi %add3A_940, %mul3A_939 : vector<16xi32>
      %gather3A_942 = arith.constant 0 : i32
      %gather3A_943 = arith.constant 0 : i32
      %gather3A_944 = tpu.memref_slice %arg7[%rem3A_913, %gather3A_942, %gather3A_943] : memref<6x64x128xf32, #tpu.memory_space<vmem>> -> memref<1x64x128xf32, #tpu.memory_space<vmem>>
      %gather3A_945 = tpu.memref_squeeze %gather3A_944 : memref<1x64x128xf32, #tpu.memory_space<vmem>> -> memref<64x128xf32, #tpu.memory_space<vmem>>
      %gather3A_946 = tpu.vector_load_idx %gather3A_945[%add3A_936, %add3A_941] : memref<64x128xf32, #tpu.memory_space<vmem>>[vector<16xi32>, vector<16xi32>], vector<16xf32>,
      %get3A_947 = arith.index_cast %add3A_907 : i32 to index
      %get3A_948 = arith.constant 16 : index
      %get3A_949 = tpu.vector_load %arg9[%get3A_947, %get3A_948] {strides = array<i32>} : memref<256x64xf32, #tpu.memory_space<vmem>>, vector<16xf32>,
      %add3A_950 = arith.addf %gather3A_946, %get3A_949 : vector<16xf32>
      %swap3A_951 = arith.index_cast %add3A_907 : i32 to index
      %swap3A_952 = arith.constant 16 : index
      %swap3A_953 = tpu.vector_load %arg8[%swap3A_951, %swap3A_952] {strides = array<i32>} : memref<256x64xf32, #tpu.memory_space<vmem>>, vector<16xf32>,
      tpu.vector_store %arg8[%swap3A_951, %swap3A_952], %add3A_950 {strides = array<i32>} : memref<256x64xf32, #tpu.memory_space<vmem>>, vector<16xf32>,
      %add3A_954 = arith.constant 32 : i32
      %add3A_955 = vector.broadcast %add3A_954 : i32 to vector<16xi32>
      %add3A_956 = arith.addi %add3A_955, %iota3A : vector<16xi32>
      %mul3A_957 = arith.constant 0 : i32
      %mul3A_958 = vector.broadcast %mul3A_957 : i32 to vector<16xi32>
      %mul3A_959 = arith.muli %mul3A_958, %iota3A : vector<16xi32>
      %add3A_960 = vector.broadcast %rem3A_911 : i32 to vector<16xi32>
      %add3A_961 = arith.addi %add3A_960, %mul3A_959 : vector<16xi32>
      %gather3A_962 = arith.constant 0 : i32
      %gather3A_963 = arith.constant 0 : i32
      %gather3A_964 = tpu.memref_slice %arg7[%rem3A_913, %gather3A_962, %gather3A_963] : memref<6x64x128xf32, #tpu.memory_space<vmem>> -> memref<1x64x128xf32, #tpu.memory_space<vmem>>
      %gather3A_965 = tpu.memref_squeeze %gather3A_964 : memref<1x64x128xf32, #tpu.memory_space<vmem>> -> memref<64x128xf32, #tpu.memory_space<vmem>>
      %gather3A_966 = tpu.vector_load_idx %gather3A_965[%add3A_956, %add3A_961] : memref<64x128xf32, #tpu.memory_space<vmem>>[vector<16xi32>, vector<16xi32>], vector<16xf32>,
      %get3A_967 = arith.index_cast %add3A_907 : i32 to index
      %get3A_968 = arith.constant 32 : index
      %get3A_969 = tpu.vector_load %arg9[%get3A_967, %get3A_968] {strides = array<i32>} : memref<256x64xf32, #tpu.memory_space<vmem>>, vector<16xf32>,
      %add3A_970 = arith.addf %gather3A_966, %get3A_969 : vector<16xf32>
      %swap3A_971 = arith.index_cast %add3A_907 : i32 to index
      %swap3A_972 = arith.constant 32 : index
      %swap3A_973 = tpu.vector_load %arg8[%swap3A_971, %swap3A_972] {strides = array<i32>} : memref<256x64xf32, #tpu.memory_space<vmem>>, vector<16xf32>,
      tpu.vector_store %arg8[%swap3A_971, %swap3A_972], %add3A_970 {strides = array<i32>} : memref<256x64xf32, #tpu.memory_space<vmem>>, vector<16xf32>,
      %add3A_974 = arith.constant 48 : i32
      %add3A_975 = vector.broadcast %add3A_974 : i32 to vector<16xi32>
      %add3A_976 = arith.addi %add3A_975, %iota3A : vector<16xi32>
      %mul3A_977 = arith.constant 0 : i32
      %mul3A_978 = vector.broadcast %mul3A_977 : i32 to vector<16xi32>
      %mul3A_979 = arith.muli %mul3A_978, %iota3A : vector<16xi32>
      %add3A_980 = vector.broadcast %rem3A_911 : i32 to vector<16xi32>
      %add3A_981 = arith.addi %add3A_980, %mul3A_979 : vector<16xi32>
      %gather3A_982 = arith.constant 0 : i32
      %gather3A_983 = arith.constant 0 : i32
      %gather3A_984 = tpu.memref_slice %arg7[%rem3A_913, %gather3A_982, %gather3A_983] : memref<6x64x128xf32, #tpu.memory_space<vmem>> -> memref<1x64x128xf32, #tpu.memory_space<vmem>>
      %gather3A_985 = tpu.memref_squeeze %gather3A_984 : memref<1x64x128xf32, #tpu.memory_space<vmem>> -> memref<64x128xf32, #tpu.memory_space<vmem>>
      %gather3A_986 = tpu.vector_load_idx %gather3A_985[%add3A_976, %add3A_981] : memref<64x128xf32, #tpu.memory_space<vmem>>[vector<16xi32>, vector<16xi32>], vector<16xf32>,
      %get3A_987 = arith.index_cast %add3A_907 : i32 to index
      %get3A_988 = arith.constant 48 : index
      %get3A_989 = tpu.vector_load %arg9[%get3A_987, %get3A_988] {strides = array<i32>} : memref<256x64xf32, #tpu.memory_space<vmem>>, vector<16xf32>,
      %add3A_990 = arith.addf %gather3A_986, %get3A_989 : vector<16xf32>
      %swap3A_991 = arith.index_cast %add3A_907 : i32 to index
      %swap3A_992 = arith.constant 48 : index
      %swap3A_993 = tpu.vector_load %arg8[%swap3A_991, %swap3A_992] {strides = array<i32>} : memref<256x64xf32, #tpu.memory_space<vmem>>, vector<16xf32>,
      tpu.vector_store %arg8[%swap3A_991, %swap3A_992], %add3A_990 {strides = array<i32>} : memref<256x64xf32, #tpu.memory_space<vmem>>, vector<16xf32>,
      %slice3A_994 = vector.extract_strided_slice %get3A_229 {offsets = [10], sizes = [1], strides = [1]} : vector<16xi32> to vector<1xi32>
      %squeeze3A_995 = vector.extract %slice3A_994[0] : i32 from vector<1xi32>
      %mul3A_996 = arith.constant 16 : i32
      %mul3A_997 = arith.muli %scan3A_224, %mul3A_996 : i32
      %add3A_998 = arith.constant 10 : i32
      %add3A_999 = arith.addi %mul3A_997, %add3A_998 : i32
      %rem3A_1000 = arith.constant 6 : i32
      %rem3A_1001 = arith.remsi %add3A_999, %rem3A_1000 : i32
      %jit3A_1002 = arith.constant 128 : i32
      %div3A_1003 = arith.divsi %squeeze3A_995, %jit3A_1002 : i32
      %sign3A_1004 = arith.constant 0 : i32
      %sign3A_1005 = arith.cmpi sgt, %squeeze3A_995, %sign3A_1004 : i32
      %sign3A_1006 = arith.extui %sign3A_1005 : i1 to i32
      %sign3A_1007 = arith.constant 0 : i32
      %sign3A_1008 = arith.cmpi slt, %squeeze3A_995, %sign3A_1007 : i32
      %sign3A_1009 = arith.extui %sign3A_1008 : i1 to i32
      %sign3A_1010 = arith.subi %sign3A_1006, %sign3A_1009 : i32
      %sign3A_1011 = arith.constant 0 : i32
      %sign3A_1012 = arith.cmpi sgt, %jit3A_1002, %sign3A_1011 : i32
      %sign3A_1013 = arith.extui %sign3A_1012 : i1 to i32
      %sign3A_1014 = arith.constant 0 : i32
      %sign3A_1015 = arith.cmpi slt, %jit3A_1002, %sign3A_1014 : i32
      %sign3A_1016 = arith.extui %sign3A_1015 : i1 to i32
      %sign3A_1017 = arith.subi %sign3A_1013, %sign3A_1016 : i32
      %ne3A_1018 = arith.cmpi ne, %sign3A_1010, %sign3A_1017 : i32
      %rem3A_1019 = arith.remsi %squeeze3A_995, %jit3A_1002 : i32
      %ne3A_1020 = arith.constant 0 : i32
      %ne3A_1021 = arith.cmpi ne, %rem3A_1019, %ne3A_1020 : i32
      %and3A_1022 = arith.andi %ne3A_1018, %ne3A_1021 : i1
      %sub3A_1023 = arith.constant 1 : i32
      %sub3A_1024 = arith.subi %div3A_1003, %sub3A_1023 : i32
      %select_n3A_1025 = arith.select %and3A_1022, %sub3A_1024, %div3A_1003 : i32
      %mul3A_1026 = arith.constant 128 : i32
      %mul3A_1027 = arith.muli %select_n3A_1025, %mul3A_1026 : i32
      %multiple_of3A_1028 = tpu.assume_multiple %mul3A_1027, 128 : i32
      %dma_start3A_1029 = arith.constant 0 : i32
      %dma_start3A_1030 = arith.constant 0 : i32
      %dma_start3A_1031 = tpu.memref_slice %arg7[%rem3A_1001, %dma_start3A_1029, %dma_start3A_1030] : memref<6x64x128xf32, #tpu.memory_space<vmem>> -> memref<1x64x128xf32, #tpu.memory_space<vmem>>
      %dma_start3A_1032 = tpu.memref_squeeze %dma_start3A_1031 : memref<1x64x128xf32, #tpu.memory_space<vmem>> -> memref<64x128xf32, #tpu.memory_space<vmem>>
      %dma_start3A_1033 = arith.constant 0 : i32
      %dma_start3A_1034 = tpu.memref_slice %arg2[%dma_start3A_1033, %multiple_of3A_1028] : memref<64x1000000xf32, #tpu.memory_space<hbm>> -> memref<64x128xf32, #tpu.memory_space<hbm>>
      %dma_start3A_1035 = arith.constant 0 : i32
      %dma_start3A_1036 = arith.constant 0 : i32
      %dma_start3A_1037 = tpu.memref_slice %arg7[%rem3A_1001, %dma_start3A_1035, %dma_start3A_1036] : memref<6x64x128xf32, #tpu.memory_space<vmem>> -> memref<1x64x128xf32, #tpu.memory_space<vmem>>
      %dma_start3A_1038 = tpu.memref_squeeze %dma_start3A_1037 : memref<1x64x128xf32, #tpu.memory_space<vmem>> -> memref<64x128xf32, #tpu.memory_space<vmem>>
      %dma_start3A_1039 = arith.constant 0 : i32
      %dma_start3A_1040 = tpu.memref_slice %arg2[%dma_start3A_1039, %multiple_of3A_1028] : memref<64x1000000xf32, #tpu.memory_space<hbm>> -> memref<64x128xf32, #tpu.memory_space<hbm>>
      tpu.enqueue_dma source(%dma_start3A_1040 : memref<64x128xf32, #tpu.memory_space<hbm>>) target(%dma_start3A_1038 : memref<64x128xf32, #tpu.memory_space<vmem>>) target_semaphore(%arg10 : memref<!tpu.dma_semaphore, #tpu.memory_space<semaphore_mem>>)
      %dma_wait3A_1041 = arith.constant 0 : i32
      %dma_wait3A_1042 = arith.constant 0 : i32
      %dma_wait3A_1043 = arith.constant 0 : i32
      %dma_wait3A_1044 = tpu.memref_slice %arg7[%dma_wait3A_1041, %dma_wait3A_1042, %dma_wait3A_1043] : memref<6x64x128xf32, #tpu.memory_space<vmem>> -> memref<1x64x128xf32, #tpu.memory_space<vmem>>
      %dma_wait3A_1045 = tpu.memref_squeeze %dma_wait3A_1044 : memref<1x64x128xf32, #tpu.memory_space<vmem>> -> memref<64x128xf32, #tpu.memory_space<vmem>>
      %dma_wait3A_1046 = arith.constant 0 : i32
      %dma_wait3A_1047 = arith.constant 0 : i32
      %dma_wait3A_1048 = tpu.memref_slice %arg2[%dma_wait3A_1046, %dma_wait3A_1047] : memref<64x1000000xf32, #tpu.memory_space<hbm>> -> memref<64x128xf32, #tpu.memory_space<hbm>>
      %dma_wait3A_1049 = arith.constant 0 : i32
      %dma_wait3A_1050 = arith.constant 0 : i32
      %dma_wait3A_1051 = tpu.memref_slice %arg7[%dma_wait3A_1041, %dma_wait3A_1049, %dma_wait3A_1050] : memref<6x64x128xf32, #tpu.memory_space<vmem>> -> memref<1x64x128xf32, #tpu.memory_space<vmem>>
      %dma_wait3A_1052 = tpu.memref_squeeze %dma_wait3A_1051 : memref<1x64x128xf32, #tpu.memory_space<vmem>> -> memref<64x128xf32, #tpu.memory_space<vmem>>
      %dma_wait3A_1053 = arith.constant 0 : i32
      %dma_wait3A_1054 = arith.constant 0 : i32
      %dma_wait3A_1055 = tpu.memref_slice %arg2[%dma_wait3A_1053, %dma_wait3A_1054] : memref<64x1000000xf32, #tpu.memory_space<hbm>> -> memref<64x128xf32, #tpu.memory_space<hbm>>
      tpu.wait_dma2 semaphore(%arg10 : memref<!tpu.dma_semaphore, #tpu.memory_space<semaphore_mem>>) src(%dma_wait3A_1055 : memref<64x128xf32, #tpu.memory_space<hbm>>) dst(%dma_wait3A_1052 : memref<64x128xf32, #tpu.memory_space<vmem>>)
      %mul3A_1056 = arith.constant 16 : i32
      %mul3A_1057 = arith.muli %scan3A_224, %mul3A_1056 : i32
      %add3A_1058 = arith.constant 5 : i32
      %add3A_1059 = arith.addi %mul3A_1057, %add3A_1058 : i32
      %slice3A_1060 = vector.extract_strided_slice %get3A_229 {offsets = [5], sizes = [1], strides = [1]} : vector<16xi32> to vector<1xi32>
      %squeeze3A_1061 = vector.extract %slice3A_1060[0] : i32 from vector<1xi32>
      %rem3A_1062 = arith.constant 128 : i32
      %rem3A_1063 = arith.remsi %squeeze3A_1061, %rem3A_1062 : i32
      %rem3A_1064 = arith.constant 6 : i32
      %rem3A_1065 = arith.remsi %add3A_1059, %rem3A_1064 : i32
      %add3A_1066 = arith.constant 0 : i32
      %add3A_1067 = vector.broadcast %add3A_1066 : i32 to vector<16xi32>
      %add3A_1068 = arith.addi %add3A_1067, %iota3A : vector<16xi32>
      %mul3A_1069 = arith.constant 0 : i32
      %mul3A_1070 = vector.broadcast %mul3A_1069 : i32 to vector<16xi32>
      %mul3A_1071 = arith.muli %mul3A_1070, %iota3A : vector<16xi32>
      %add3A_1072 = vector.broadcast %rem3A_1063 : i32 to vector<16xi32>
      %add3A_1073 = arith.addi %add3A_1072, %mul3A_1071 : vector<16xi32>
      %gather3A_1074 = arith.constant 0 : i32
      %gather3A_1075 = arith.constant 0 : i32
      %gather3A_1076 = tpu.memref_slice %arg7[%rem3A_1065, %gather3A_1074, %gather3A_1075] : memref<6x64x128xf32, #tpu.memory_space<vmem>> -> memref<1x64x128xf32, #tpu.memory_space<vmem>>
      %gather3A_1077 = tpu.memref_squeeze %gather3A_1076 : memref<1x64x128xf32, #tpu.memory_space<vmem>> -> memref<64x128xf32, #tpu.memory_space<vmem>>
      %gather3A_1078 = tpu.vector_load_idx %gather3A_1077[%add3A_1068, %add3A_1073] : memref<64x128xf32, #tpu.memory_space<vmem>>[vector<16xi32>, vector<16xi32>], vector<16xf32>,
      %get3A_1079 = arith.index_cast %add3A_1059 : i32 to index
      %get3A_1080 = arith.constant 0 : index
      %get3A_1081 = tpu.vector_load %arg9[%get3A_1079, %get3A_1080] {strides = array<i32>} : memref<256x64xf32, #tpu.memory_space<vmem>>, vector<16xf32>,
      %add3A_1082 = arith.addf %gather3A_1078, %get3A_1081 : vector<16xf32>
      %swap3A_1083 = arith.index_cast %add3A_1059 : i32 to index
      %swap3A_1084 = arith.constant 0 : index
      %swap3A_1085 = tpu.vector_load %arg8[%swap3A_1083, %swap3A_1084] {strides = array<i32>} : memref<256x64xf32, #tpu.memory_space<vmem>>, vector<16xf32>,
      tpu.vector_store %arg8[%swap3A_1083, %swap3A_1084], %add3A_1082 {strides = array<i32>} : memref<256x64xf32, #tpu.memory_space<vmem>>, vector<16xf32>,
      %add3A_1086 = arith.constant 16 : i32
      %add3A_1087 = vector.broadcast %add3A_1086 : i32 to vector<16xi32>
      %add3A_1088 = arith.addi %add3A_1087, %iota3A : vector<16xi32>
      %mul3A_1089 = arith.constant 0 : i32
      %mul3A_1090 = vector.broadcast %mul3A_1089 : i32 to vector<16xi32>
      %mul3A_1091 = arith.muli %mul3A_1090, %iota3A : vector<16xi32>
      %add3A_1092 = vector.broadcast %rem3A_1063 : i32 to vector<16xi32>
      %add3A_1093 = arith.addi %add3A_1092, %mul3A_1091 : vector<16xi32>
      %gather3A_1094 = arith.constant 0 : i32
      %gather3A_1095 = arith.constant 0 : i32
      %gather3A_1096 = tpu.memref_slice %arg7[%rem3A_1065, %gather3A_1094, %gather3A_1095] : memref<6x64x128xf32, #tpu.memory_space<vmem>> -> memref<1x64x128xf32, #tpu.memory_space<vmem>>
      %gather3A_1097 = tpu.memref_squeeze %gather3A_1096 : memref<1x64x128xf32, #tpu.memory_space<vmem>> -> memref<64x128xf32, #tpu.memory_space<vmem>>
      %gather3A_1098 = tpu.vector_load_idx %gather3A_1097[%add3A_1088, %add3A_1093] : memref<64x128xf32, #tpu.memory_space<vmem>>[vector<16xi32>, vector<16xi32>], vector<16xf32>,
      %get3A_1099 = arith.index_cast %add3A_1059 : i32 to index
      %get3A_1100 = arith.constant 16 : index
      %get3A_1101 = tpu.vector_load %arg9[%get3A_1099, %get3A_1100] {strides = array<i32>} : memref<256x64xf32, #tpu.memory_space<vmem>>, vector<16xf32>,
      %add3A_1102 = arith.addf %gather3A_1098, %get3A_1101 : vector<16xf32>
      %swap3A_1103 = arith.index_cast %add3A_1059 : i32 to index
      %swap3A_1104 = arith.constant 16 : index
      %swap3A_1105 = tpu.vector_load %arg8[%swap3A_1103, %swap3A_1104] {strides = array<i32>} : memref<256x64xf32, #tpu.memory_space<vmem>>, vector<16xf32>,
      tpu.vector_store %arg8[%swap3A_1103, %swap3A_1104], %add3A_1102 {strides = array<i32>} : memref<256x64xf32, #tpu.memory_space<vmem>>, vector<16xf32>,
      %add3A_1106 = arith.constant 32 : i32
      %add3A_1107 = vector.broadcast %add3A_1106 : i32 to vector<16xi32>
      %add3A_1108 = arith.addi %add3A_1107, %iota3A : vector<16xi32>
      %mul3A_1109 = arith.constant 0 : i32
      %mul3A_1110 = vector.broadcast %mul3A_1109 : i32 to vector<16xi32>
      %mul3A_1111 = arith.muli %mul3A_1110, %iota3A : vector<16xi32>
      %add3A_1112 = vector.broadcast %rem3A_1063 : i32 to vector<16xi32>
      %add3A_1113 = arith.addi %add3A_1112, %mul3A_1111 : vector<16xi32>
      %gather3A_1114 = arith.constant 0 : i32
      %gather3A_1115 = arith.constant 0 : i32
      %gather3A_1116 = tpu.memref_slice %arg7[%rem3A_1065, %gather3A_1114, %gather3A_1115] : memref<6x64x128xf32, #tpu.memory_space<vmem>> -> memref<1x64x128xf32, #tpu.memory_space<vmem>>
      %gather3A_1117 = tpu.memref_squeeze %gather3A_1116 : memref<1x64x128xf32, #tpu.memory_space<vmem>> -> memref<64x128xf32, #tpu.memory_space<vmem>>
      %gather3A_1118 = tpu.vector_load_idx %gather3A_1117[%add3A_1108, %add3A_1113] : memref<64x128xf32, #tpu.memory_space<vmem>>[vector<16xi32>, vector<16xi32>], vector<16xf32>,
      %get3A_1119 = arith.index_cast %add3A_1059 : i32 to index
      %get3A_1120 = arith.constant 32 : index
      %get3A_1121 = tpu.vector_load %arg9[%get3A_1119, %get3A_1120] {strides = array<i32>} : memref<256x64xf32, #tpu.memory_space<vmem>>, vector<16xf32>,
      %add3A_1122 = arith.addf %gather3A_1118, %get3A_1121 : vector<16xf32>
      %swap3A_1123 = arith.index_cast %add3A_1059 : i32 to index
      %swap3A_1124 = arith.constant 32 : index
      %swap3A_1125 = tpu.vector_load %arg8[%swap3A_1123, %swap3A_1124] {strides = array<i32>} : memref<256x64xf32, #tpu.memory_space<vmem>>, vector<16xf32>,
      tpu.vector_store %arg8[%swap3A_1123, %swap3A_1124], %add3A_1122 {strides = array<i32>} : memref<256x64xf32, #tpu.memory_space<vmem>>, vector<16xf32>,
      %add3A_1126 = arith.constant 48 : i32
      %add3A_1127 = vector.broadcast %add3A_1126 : i32 to vector<16xi32>
      %add3A_1128 = arith.addi %add3A_1127, %iota3A : vector<16xi32>
      %mul3A_1129 = arith.constant 0 : i32
      %mul3A_1130 = vector.broadcast %mul3A_1129 : i32 to vector<16xi32>
      %mul3A_1131 = arith.muli %mul3A_1130, %iota3A : vector<16xi32>
      %add3A_1132 = vector.broadcast %rem3A_1063 : i32 to vector<16xi32>
      %add3A_1133 = arith.addi %add3A_1132, %mul3A_1131 : vector<16xi32>
      %gather3A_1134 = arith.constant 0 : i32
      %gather3A_1135 = arith.constant 0 : i32
      %gather3A_1136 = tpu.memref_slice %arg7[%rem3A_1065, %gather3A_1134, %gather3A_1135] : memref<6x64x128xf32, #tpu.memory_space<vmem>> -> memref<1x64x128xf32, #tpu.memory_space<vmem>>
      %gather3A_1137 = tpu.memref_squeeze %gather3A_1136 : memref<1x64x128xf32, #tpu.memory_space<vmem>> -> memref<64x128xf32, #tpu.memory_space<vmem>>
      %gather3A_1138 = tpu.vector_load_idx %gather3A_1137[%add3A_1128, %add3A_1133] : memref<64x128xf32, #tpu.memory_space<vmem>>[vector<16xi32>, vector<16xi32>], vector<16xf32>,
      %get3A_1139 = arith.index_cast %add3A_1059 : i32 to index
      %get3A_1140 = arith.constant 48 : index
      %get3A_1141 = tpu.vector_load %arg9[%get3A_1139, %get3A_1140] {strides = array<i32>} : memref<256x64xf32, #tpu.memory_space<vmem>>, vector<16xf32>,
      %add3A_1142 = arith.addf %gather3A_1138, %get3A_1141 : vector<16xf32>
      %swap3A_1143 = arith.index_cast %add3A_1059 : i32 to index
      %swap3A_1144 = arith.constant 48 : index
      %swap3A_1145 = tpu.vector_load %arg8[%swap3A_1143, %swap3A_1144] {strides = array<i32>} : memref<256x64xf32, #tpu.memory_space<vmem>>, vector<16xf32>,
      tpu.vector_store %arg8[%swap3A_1143, %swap3A_1144], %add3A_1142 {strides = array<i32>} : memref<256x64xf32, #tpu.memory_space<vmem>>, vector<16xf32>,
      %slice3A_1146 = vector.extract_strided_slice %get3A_229 {offsets = [11], sizes = [1], strides = [1]} : vector<16xi32> to vector<1xi32>
      %squeeze3A_1147 = vector.extract %slice3A_1146[0] : i32 from vector<1xi32>
      %mul3A_1148 = arith.constant 16 : i32
      %mul3A_1149 = arith.muli %scan3A_224, %mul3A_1148 : i32
      %add3A_1150 = arith.constant 11 : i32
      %add3A_1151 = arith.addi %mul3A_1149, %add3A_1150 : i32
      %rem3A_1152 = arith.constant 6 : i32
      %rem3A_1153 = arith.remsi %add3A_1151, %rem3A_1152 : i32
      %jit3A_1154 = arith.constant 128 : i32
      %div3A_1155 = arith.divsi %squeeze3A_1147, %jit3A_1154 : i32
      %sign3A_1156 = arith.constant 0 : i32
      %sign3A_1157 = arith.cmpi sgt, %squeeze3A_1147, %sign3A_1156 : i32
      %sign3A_1158 = arith.extui %sign3A_1157 : i1 to i32
      %sign3A_1159 = arith.constant 0 : i32
      %sign3A_1160 = arith.cmpi slt, %squeeze3A_1147, %sign3A_1159 : i32
      %sign3A_1161 = arith.extui %sign3A_1160 : i1 to i32
      %sign3A_1162 = arith.subi %sign3A_1158, %sign3A_1161 : i32
      %sign3A_1163 = arith.constant 0 : i32
      %sign3A_1164 = arith.cmpi sgt, %jit3A_1154, %sign3A_1163 : i32
      %sign3A_1165 = arith.extui %sign3A_1164 : i1 to i32
      %sign3A_1166 = arith.constant 0 : i32
      %sign3A_1167 = arith.cmpi slt, %jit3A_1154, %sign3A_1166 : i32
      %sign3A_1168 = arith.extui %sign3A_1167 : i1 to i32
      %sign3A_1169 = arith.subi %sign3A_1165, %sign3A_1168 : i32
      %ne3A_1170 = arith.cmpi ne, %sign3A_1162, %sign3A_1169 : i32
      %rem3A_1171 = arith.remsi %squeeze3A_1147, %jit3A_1154 : i32
      %ne3A_1172 = arith.constant 0 : i32
      %ne3A_1173 = arith.cmpi ne, %rem3A_1171, %ne3A_1172 : i32
      %and3A_1174 = arith.andi %ne3A_1170, %ne3A_1173 : i1
      %sub3A_1175 = arith.constant 1 : i32
      %sub3A_1176 = arith.subi %div3A_1155, %sub3A_1175 : i32
      %select_n3A_1177 = arith.select %and3A_1174, %sub3A_1176, %div3A_1155 : i32
      %mul3A_1178 = arith.constant 128 : i32
      %mul3A_1179 = arith.muli %select_n3A_1177, %mul3A_1178 : i32
      %multiple_of3A_1180 = tpu.assume_multiple %mul3A_1179, 128 : i32
      %dma_start3A_1181 = arith.constant 0 : i32
      %dma_start3A_1182 = arith.constant 0 : i32
      %dma_start3A_1183 = tpu.memref_slice %arg7[%rem3A_1153, %dma_start3A_1181, %dma_start3A_1182] : memref<6x64x128xf32, #tpu.memory_space<vmem>> -> memref<1x64x128xf32, #tpu.memory_space<vmem>>
      %dma_start3A_1184 = tpu.memref_squeeze %dma_start3A_1183 : memref<1x64x128xf32, #tpu.memory_space<vmem>> -> memref<64x128xf32, #tpu.memory_space<vmem>>
      %dma_start3A_1185 = arith.constant 0 : i32
      %dma_start3A_1186 = tpu.memref_slice %arg2[%dma_start3A_1185, %multiple_of3A_1180] : memref<64x1000000xf32, #tpu.memory_space<hbm>> -> memref<64x128xf32, #tpu.memory_space<hbm>>
      %dma_start3A_1187 = arith.constant 0 : i32
      %dma_start3A_1188 = arith.constant 0 : i32
      %dma_start3A_1189 = tpu.memref_slice %arg7[%rem3A_1153, %dma_start3A_1187, %dma_start3A_1188] : memref<6x64x128xf32, #tpu.memory_space<vmem>> -> memref<1x64x128xf32, #tpu.memory_space<vmem>>
      %dma_start3A_1190 = tpu.memref_squeeze %dma_start3A_1189 : memref<1x64x128xf32, #tpu.memory_space<vmem>> -> memref<64x128xf32, #tpu.memory_space<vmem>>
      %dma_start3A_1191 = arith.constant 0 : i32
      %dma_start3A_1192 = tpu.memref_slice %arg2[%dma_start3A_1191, %multiple_of3A_1180] : memref<64x1000000xf32, #tpu.memory_space<hbm>> -> memref<64x128xf32, #tpu.memory_space<hbm>>
      tpu.enqueue_dma source(%dma_start3A_1192 : memref<64x128xf32, #tpu.memory_space<hbm>>) target(%dma_start3A_1190 : memref<64x128xf32, #tpu.memory_space<vmem>>) target_semaphore(%arg10 : memref<!tpu.dma_semaphore, #tpu.memory_space<semaphore_mem>>)
      %dma_wait3A_1193 = arith.constant 0 : i32
      %dma_wait3A_1194 = arith.constant 0 : i32
      %dma_wait3A_1195 = arith.constant 0 : i32
      %dma_wait3A_1196 = tpu.memref_slice %arg7[%dma_wait3A_1193, %dma_wait3A_1194, %dma_wait3A_1195] : memref<6x64x128xf32, #tpu.memory_space<vmem>> -> memref<1x64x128xf32, #tpu.memory_space<vmem>>
      %dma_wait3A_1197 = tpu.memref_squeeze %dma_wait3A_1196 : memref<1x64x128xf32, #tpu.memory_space<vmem>> -> memref<64x128xf32, #tpu.memory_space<vmem>>
      %dma_wait3A_1198 = arith.constant 0 : i32
      %dma_wait3A_1199 = arith.constant 0 : i32
      %dma_wait3A_1200 = tpu.memref_slice %arg2[%dma_wait3A_1198, %dma_wait3A_1199] : memref<64x1000000xf32, #tpu.memory_space<hbm>> -> memref<64x128xf32, #tpu.memory_space<hbm>>
      %dma_wait3A_1201 = arith.constant 0 : i32
      %dma_wait3A_1202 = arith.constant 0 : i32
      %dma_wait3A_1203 = tpu.memref_slice %arg7[%dma_wait3A_1193, %dma_wait3A_1201, %dma_wait3A_1202] : memref<6x64x128xf32, #tpu.memory_space<vmem>> -> memref<1x64x128xf32, #tpu.memory_space<vmem>>
      %dma_wait3A_1204 = tpu.memref_squeeze %dma_wait3A_1203 : memref<1x64x128xf32, #tpu.memory_space<vmem>> -> memref<64x128xf32, #tpu.memory_space<vmem>>
      %dma_wait3A_1205 = arith.constant 0 : i32
      %dma_wait3A_1206 = arith.constant 0 : i32
      %dma_wait3A_1207 = tpu.memref_slice %arg2[%dma_wait3A_1205, %dma_wait3A_1206] : memref<64x1000000xf32, #tpu.memory_space<hbm>> -> memref<64x128xf32, #tpu.memory_space<hbm>>
      tpu.wait_dma2 semaphore(%arg10 : memref<!tpu.dma_semaphore, #tpu.memory_space<semaphore_mem>>) src(%dma_wait3A_1207 : memref<64x128xf32, #tpu.memory_space<hbm>>) dst(%dma_wait3A_1204 : memref<64x128xf32, #tpu.memory_space<vmem>>)
      %mul3A_1208 = arith.constant 16 : i32
      %mul3A_1209 = arith.muli %scan3A_224, %mul3A_1208 : i32
      %add3A_1210 = arith.constant 6 : i32
      %add3A_1211 = arith.addi %mul3A_1209, %add3A_1210 : i32
      %slice3A_1212 = vector.extract_strided_slice %get3A_229 {offsets = [6], sizes = [1], strides = [1]} : vector<16xi32> to vector<1xi32>
      %squeeze3A_1213 = vector.extract %slice3A_1212[0] : i32 from vector<1xi32>
      %rem3A_1214 = arith.constant 128 : i32
      %rem3A_1215 = arith.remsi %squeeze3A_1213, %rem3A_1214 : i32
      %rem3A_1216 = arith.constant 6 : i32
      %rem3A_1217 = arith.remsi %add3A_1211, %rem3A_1216 : i32
      %add3A_1218 = arith.constant 0 : i32
      %add3A_1219 = vector.broadcast %add3A_1218 : i32 to vector<16xi32>
      %add3A_1220 = arith.addi %add3A_1219, %iota3A : vector<16xi32>
      %mul3A_1221 = arith.constant 0 : i32
      %mul3A_1222 = vector.broadcast %mul3A_1221 : i32 to vector<16xi32>
      %mul3A_1223 = arith.muli %mul3A_1222, %iota3A : vector<16xi32>
      %add3A_1224 = vector.broadcast %rem3A_1215 : i32 to vector<16xi32>
      %add3A_1225 = arith.addi %add3A_1224, %mul3A_1223 : vector<16xi32>
      %gather3A_1226 = arith.constant 0 : i32
      %gather3A_1227 = arith.constant 0 : i32
      %gather3A_1228 = tpu.memref_slice %arg7[%rem3A_1217, %gather3A_1226, %gather3A_1227] : memref<6x64x128xf32, #tpu.memory_space<vmem>> -> memref<1x64x128xf32, #tpu.memory_space<vmem>>
      %gather3A_1229 = tpu.memref_squeeze %gather3A_1228 : memref<1x64x128xf32, #tpu.memory_space<vmem>> -> memref<64x128xf32, #tpu.memory_space<vmem>>
      %gather3A_1230 = tpu.vector_load_idx %gather3A_1229[%add3A_1220, %add3A_1225] : memref<64x128xf32, #tpu.memory_space<vmem>>[vector<16xi32>, vector<16xi32>], vector<16xf32>,
      %get3A_1231 = arith.index_cast %add3A_1211 : i32 to index
      %get3A_1232 = arith.constant 0 : index
      %get3A_1233 = tpu.vector_load %arg9[%get3A_1231, %get3A_1232] {strides = array<i32>} : memref<256x64xf32, #tpu.memory_space<vmem>>, vector<16xf32>,
      %add3A_1234 = arith.addf %gather3A_1230, %get3A_1233 : vector<16xf32>
      %swap3A_1235 = arith.index_cast %add3A_1211 : i32 to index
      %swap3A_1236 = arith.constant 0 : index
      %swap3A_1237 = tpu.vector_load %arg8[%swap3A_1235, %swap3A_1236] {strides = array<i32>} : memref<256x64xf32, #tpu.memory_space<vmem>>, vector<16xf32>,
      tpu.vector_store %arg8[%swap3A_1235, %swap3A_1236], %add3A_1234 {strides = array<i32>} : memref<256x64xf32, #tpu.memory_space<vmem>>, vector<16xf32>,
      %add3A_1238 = arith.constant 16 : i32
      %add3A_1239 = vector.broadcast %add3A_1238 : i32 to vector<16xi32>
      %add3A_1240 = arith.addi %add3A_1239, %iota3A : vector<16xi32>
      %mul3A_1241 = arith.constant 0 : i32
      %mul3A_1242 = vector.broadcast %mul3A_1241 : i32 to vector<16xi32>
      %mul3A_1243 = arith.muli %mul3A_1242, %iota3A : vector<16xi32>
      %add3A_1244 = vector.broadcast %rem3A_1215 : i32 to vector<16xi32>
      %add3A_1245 = arith.addi %add3A_1244, %mul3A_1243 : vector<16xi32>
      %gather3A_1246 = arith.constant 0 : i32
      %gather3A_1247 = arith.constant 0 : i32
      %gather3A_1248 = tpu.memref_slice %arg7[%rem3A_1217, %gather3A_1246, %gather3A_1247] : memref<6x64x128xf32, #tpu.memory_space<vmem>> -> memref<1x64x128xf32, #tpu.memory_space<vmem>>
      %gather3A_1249 = tpu.memref_squeeze %gather3A_1248 : memref<1x64x128xf32, #tpu.memory_space<vmem>> -> memref<64x128xf32, #tpu.memory_space<vmem>>
      %gather3A_1250 = tpu.vector_load_idx %gather3A_1249[%add3A_1240, %add3A_1245] : memref<64x128xf32, #tpu.memory_space<vmem>>[vector<16xi32>, vector<16xi32>], vector<16xf32>,
      %get3A_1251 = arith.index_cast %add3A_1211 : i32 to index
      %get3A_1252 = arith.constant 16 : index
      %get3A_1253 = tpu.vector_load %arg9[%get3A_1251, %get3A_1252] {strides = array<i32>} : memref<256x64xf32, #tpu.memory_space<vmem>>, vector<16xf32>,
      %add3A_1254 = arith.addf %gather3A_1250, %get3A_1253 : vector<16xf32>
      %swap3A_1255 = arith.index_cast %add3A_1211 : i32 to index
      %swap3A_1256 = arith.constant 16 : index
      %swap3A_1257 = tpu.vector_load %arg8[%swap3A_1255, %swap3A_1256] {strides = array<i32>} : memref<256x64xf32, #tpu.memory_space<vmem>>, vector<16xf32>,
      tpu.vector_store %arg8[%swap3A_1255, %swap3A_1256], %add3A_1254 {strides = array<i32>} : memref<256x64xf32, #tpu.memory_space<vmem>>, vector<16xf32>,
      %add3A_1258 = arith.constant 32 : i32
      %add3A_1259 = vector.broadcast %add3A_1258 : i32 to vector<16xi32>
      %add3A_1260 = arith.addi %add3A_1259, %iota3A : vector<16xi32>
      %mul3A_1261 = arith.constant 0 : i32
      %mul3A_1262 = vector.broadcast %mul3A_1261 : i32 to vector<16xi32>
      %mul3A_1263 = arith.muli %mul3A_1262, %iota3A : vector<16xi32>
      %add3A_1264 = vector.broadcast %rem3A_1215 : i32 to vector<16xi32>
      %add3A_1265 = arith.addi %add3A_1264, %mul3A_1263 : vector<16xi32>
      %gather3A_1266 = arith.constant 0 : i32
      %gather3A_1267 = arith.constant 0 : i32
      %gather3A_1268 = tpu.memref_slice %arg7[%rem3A_1217, %gather3A_1266, %gather3A_1267] : memref<6x64x128xf32, #tpu.memory_space<vmem>> -> memref<1x64x128xf32, #tpu.memory_space<vmem>>
      %gather3A_1269 = tpu.memref_squeeze %gather3A_1268 : memref<1x64x128xf32, #tpu.memory_space<vmem>> -> memref<64x128xf32, #tpu.memory_space<vmem>>
      %gather3A_1270 = tpu.vector_load_idx %gather3A_1269[%add3A_1260, %add3A_1265] : memref<64x128xf32, #tpu.memory_space<vmem>>[vector<16xi32>, vector<16xi32>], vector<16xf32>,
      %get3A_1271 = arith.index_cast %add3A_1211 : i32 to index
      %get3A_1272 = arith.constant 32 : index
      %get3A_1273 = tpu.vector_load %arg9[%get3A_1271, %get3A_1272] {strides = array<i32>} : memref<256x64xf32, #tpu.memory_space<vmem>>, vector<16xf32>,
      %add3A_1274 = arith.addf %gather3A_1270, %get3A_1273 : vector<16xf32>
      %swap3A_1275 = arith.index_cast %add3A_1211 : i32 to index
      %swap3A_1276 = arith.constant 32 : index
      %swap3A_1277 = tpu.vector_load %arg8[%swap3A_1275, %swap3A_1276] {strides = array<i32>} : memref<256x64xf32, #tpu.memory_space<vmem>>, vector<16xf32>,
      tpu.vector_store %arg8[%swap3A_1275, %swap3A_1276], %add3A_1274 {strides = array<i32>} : memref<256x64xf32, #tpu.memory_space<vmem>>, vector<16xf32>,
      %add3A_1278 = arith.constant 48 : i32
      %add3A_1279 = vector.broadcast %add3A_1278 : i32 to vector<16xi32>
      %add3A_1280 = arith.addi %add3A_1279, %iota3A : vector<16xi32>
      %mul3A_1281 = arith.constant 0 : i32
      %mul3A_1282 = vector.broadcast %mul3A_1281 : i32 to vector<16xi32>
      %mul3A_1283 = arith.muli %mul3A_1282, %iota3A : vector<16xi32>
      %add3A_1284 = vector.broadcast %rem3A_1215 : i32 to vector<16xi32>
      %add3A_1285 = arith.addi %add3A_1284, %mul3A_1283 : vector<16xi32>
      %gather3A_1286 = arith.constant 0 : i32
      %gather3A_1287 = arith.constant 0 : i32
      %gather3A_1288 = tpu.memref_slice %arg7[%rem3A_1217, %gather3A_1286, %gather3A_1287] : memref<6x64x128xf32, #tpu.memory_space<vmem>> -> memref<1x64x128xf32, #tpu.memory_space<vmem>>
      %gather3A_1289 = tpu.memref_squeeze %gather3A_1288 : memref<1x64x128xf32, #tpu.memory_space<vmem>> -> memref<64x128xf32, #tpu.memory_space<vmem>>
      %gather3A_1290 = tpu.vector_load_idx %gather3A_1289[%add3A_1280, %add3A_1285] : memref<64x128xf32, #tpu.memory_space<vmem>>[vector<16xi32>, vector<16xi32>], vector<16xf32>,
      %get3A_1291 = arith.index_cast %add3A_1211 : i32 to index
      %get3A_1292 = arith.constant 48 : index
      %get3A_1293 = tpu.vector_load %arg9[%get3A_1291, %get3A_1292] {strides = array<i32>} : memref<256x64xf32, #tpu.memory_space<vmem>>, vector<16xf32>,
      %add3A_1294 = arith.addf %gather3A_1290, %get3A_1293 : vector<16xf32>
      %swap3A_1295 = arith.index_cast %add3A_1211 : i32 to index
      %swap3A_1296 = arith.constant 48 : index
      %swap3A_1297 = tpu.vector_load %arg8[%swap3A_1295, %swap3A_1296] {strides = array<i32>} : memref<256x64xf32, #tpu.memory_space<vmem>>, vector<16xf32>,
      tpu.vector_store %arg8[%swap3A_1295, %swap3A_1296], %add3A_1294 {strides = array<i32>} : memref<256x64xf32, #tpu.memory_space<vmem>>, vector<16xf32>,
      %slice3A_1298 = vector.extract_strided_slice %get3A_229 {offsets = [12], sizes = [1], strides = [1]} : vector<16xi32> to vector<1xi32>
      %squeeze3A_1299 = vector.extract %slice3A_1298[0] : i32 from vector<1xi32>
      %mul3A_1300 = arith.constant 16 : i32
      %mul3A_1301 = arith.muli %scan3A_224, %mul3A_1300 : i32
      %add3A_1302 = arith.constant 12 : i32
      %add3A_1303 = arith.addi %mul3A_1301, %add3A_1302 : i32
      %rem3A_1304 = arith.constant 6 : i32
      %rem3A_1305 = arith.remsi %add3A_1303, %rem3A_1304 : i32
      %jit3A_1306 = arith.constant 128 : i32
      %div3A_1307 = arith.divsi %squeeze3A_1299, %jit3A_1306 : i32
      %sign3A_1308 = arith.constant 0 : i32
      %sign3A_1309 = arith.cmpi sgt, %squeeze3A_1299, %sign3A_1308 : i32
      %sign3A_1310 = arith.extui %sign3A_1309 : i1 to i32
      %sign3A_1311 = arith.constant 0 : i32
      %sign3A_1312 = arith.cmpi slt, %squeeze3A_1299, %sign3A_1311 : i32
      %sign3A_1313 = arith.extui %sign3A_1312 : i1 to i32
      %sign3A_1314 = arith.subi %sign3A_1310, %sign3A_1313 : i32
      %sign3A_1315 = arith.constant 0 : i32
      %sign3A_1316 = arith.cmpi sgt, %jit3A_1306, %sign3A_1315 : i32
      %sign3A_1317 = arith.extui %sign3A_1316 : i1 to i32
      %sign3A_1318 = arith.constant 0 : i32
      %sign3A_1319 = arith.cmpi slt, %jit3A_1306, %sign3A_1318 : i32
      %sign3A_1320 = arith.extui %sign3A_1319 : i1 to i32
      %sign3A_1321 = arith.subi %sign3A_1317, %sign3A_1320 : i32
      %ne3A_1322 = arith.cmpi ne, %sign3A_1314, %sign3A_1321 : i32
      %rem3A_1323 = arith.remsi %squeeze3A_1299, %jit3A_1306 : i32
      %ne3A_1324 = arith.constant 0 : i32
      %ne3A_1325 = arith.cmpi ne, %rem3A_1323, %ne3A_1324 : i32
      %and3A_1326 = arith.andi %ne3A_1322, %ne3A_1325 : i1
      %sub3A_1327 = arith.constant 1 : i32
      %sub3A_1328 = arith.subi %div3A_1307, %sub3A_1327 : i32
      %select_n3A_1329 = arith.select %and3A_1326, %sub3A_1328, %div3A_1307 : i32
      %mul3A_1330 = arith.constant 128 : i32
      %mul3A_1331 = arith.muli %select_n3A_1329, %mul3A_1330 : i32
      %multiple_of3A_1332 = tpu.assume_multiple %mul3A_1331, 128 : i32
      %dma_start3A_1333 = arith.constant 0 : i32
      %dma_start3A_1334 = arith.constant 0 : i32
      %dma_start3A_1335 = tpu.memref_slice %arg7[%rem3A_1305, %dma_start3A_1333, %dma_start3A_1334] : memref<6x64x128xf32, #tpu.memory_space<vmem>> -> memref<1x64x128xf32, #tpu.memory_space<vmem>>
      %dma_start3A_1336 = tpu.memref_squeeze %dma_start3A_1335 : memref<1x64x128xf32, #tpu.memory_space<vmem>> -> memref<64x128xf32, #tpu.memory_space<vmem>>
      %dma_start3A_1337 = arith.constant 0 : i32
      %dma_start3A_1338 = tpu.memref_slice %arg2[%dma_start3A_1337, %multiple_of3A_1332] : memref<64x1000000xf32, #tpu.memory_space<hbm>> -> memref<64x128xf32, #tpu.memory_space<hbm>>
      %dma_start3A_1339 = arith.constant 0 : i32
      %dma_start3A_1340 = arith.constant 0 : i32
      %dma_start3A_1341 = tpu.memref_slice %arg7[%rem3A_1305, %dma_start3A_1339, %dma_start3A_1340] : memref<6x64x128xf32, #tpu.memory_space<vmem>> -> memref<1x64x128xf32, #tpu.memory_space<vmem>>
      %dma_start3A_1342 = tpu.memref_squeeze %dma_start3A_1341 : memref<1x64x128xf32, #tpu.memory_space<vmem>> -> memref<64x128xf32, #tpu.memory_space<vmem>>
      %dma_start3A_1343 = arith.constant 0 : i32
      %dma_start3A_1344 = tpu.memref_slice %arg2[%dma_start3A_1343, %multiple_of3A_1332] : memref<64x1000000xf32, #tpu.memory_space<hbm>> -> memref<64x128xf32, #tpu.memory_space<hbm>>
      tpu.enqueue_dma source(%dma_start3A_1344 : memref<64x128xf32, #tpu.memory_space<hbm>>) target(%dma_start3A_1342 : memref<64x128xf32, #tpu.memory_space<vmem>>) target_semaphore(%arg10 : memref<!tpu.dma_semaphore, #tpu.memory_space<semaphore_mem>>)
      %dma_wait3A_1345 = arith.constant 0 : i32
      %dma_wait3A_1346 = arith.constant 0 : i32
      %dma_wait3A_1347 = arith.constant 0 : i32
      %dma_wait3A_1348 = tpu.memref_slice %arg7[%dma_wait3A_1345, %dma_wait3A_1346, %dma_wait3A_1347] : memref<6x64x128xf32, #tpu.memory_space<vmem>> -> memref<1x64x128xf32, #tpu.memory_space<vmem>>
      %dma_wait3A_1349 = tpu.memref_squeeze %dma_wait3A_1348 : memref<1x64x128xf32, #tpu.memory_space<vmem>> -> memref<64x128xf32, #tpu.memory_space<vmem>>
      %dma_wait3A_1350 = arith.constant 0 : i32
      %dma_wait3A_1351 = arith.constant 0 : i32
      %dma_wait3A_1352 = tpu.memref_slice %arg2[%dma_wait3A_1350, %dma_wait3A_1351] : memref<64x1000000xf32, #tpu.memory_space<hbm>> -> memref<64x128xf32, #tpu.memory_space<hbm>>
      %dma_wait3A_1353 = arith.constant 0 : i32
      %dma_wait3A_1354 = arith.constant 0 : i32
      %dma_wait3A_1355 = tpu.memref_slice %arg7[%dma_wait3A_1345, %dma_wait3A_1353, %dma_wait3A_1354] : memref<6x64x128xf32, #tpu.memory_space<vmem>> -> memref<1x64x128xf32, #tpu.memory_space<vmem>>
      %dma_wait3A_1356 = tpu.memref_squeeze %dma_wait3A_1355 : memref<1x64x128xf32, #tpu.memory_space<vmem>> -> memref<64x128xf32, #tpu.memory_space<vmem>>
      %dma_wait3A_1357 = arith.constant 0 : i32
      %dma_wait3A_1358 = arith.constant 0 : i32
      %dma_wait3A_1359 = tpu.memref_slice %arg2[%dma_wait3A_1357, %dma_wait3A_1358] : memref<64x1000000xf32, #tpu.memory_space<hbm>> -> memref<64x128xf32, #tpu.memory_space<hbm>>
      tpu.wait_dma2 semaphore(%arg10 : memref<!tpu.dma_semaphore, #tpu.memory_space<semaphore_mem>>) src(%dma_wait3A_1359 : memref<64x128xf32, #tpu.memory_space<hbm>>) dst(%dma_wait3A_1356 : memref<64x128xf32, #tpu.memory_space<vmem>>)
      %mul3A_1360 = arith.constant 16 : i32
      %mul3A_1361 = arith.muli %scan3A_224, %mul3A_1360 : i32
      %add3A_1362 = arith.constant 7 : i32
      %add3A_1363 = arith.addi %mul3A_1361, %add3A_1362 : i32
      %slice3A_1364 = vector.extract_strided_slice %get3A_229 {offsets = [7], sizes = [1], strides = [1]} : vector<16xi32> to vector<1xi32>
      %squeeze3A_1365 = vector.extract %slice3A_1364[0] : i32 from vector<1xi32>
      %rem3A_1366 = arith.constant 128 : i32
      %rem3A_1367 = arith.remsi %squeeze3A_1365, %rem3A_1366 : i32
      %rem3A_1368 = arith.constant 6 : i32
      %rem3A_1369 = arith.remsi %add3A_1363, %rem3A_1368 : i32
      %add3A_1370 = arith.constant 0 : i32
      %add3A_1371 = vector.broadcast %add3A_1370 : i32 to vector<16xi32>
      %add3A_1372 = arith.addi %add3A_1371, %iota3A : vector<16xi32>
      %mul3A_1373 = arith.constant 0 : i32
      %mul3A_1374 = vector.broadcast %mul3A_1373 : i32 to vector<16xi32>
      %mul3A_1375 = arith.muli %mul3A_1374, %iota3A : vector<16xi32>
      %add3A_1376 = vector.broadcast %rem3A_1367 : i32 to vector<16xi32>
      %add3A_1377 = arith.addi %add3A_1376, %mul3A_1375 : vector<16xi32>
      %gather3A_1378 = arith.constant 0 : i32
      %gather3A_1379 = arith.constant 0 : i32
      %gather3A_1380 = tpu.memref_slice %arg7[%rem3A_1369, %gather3A_1378, %gather3A_1379] : memref<6x64x128xf32, #tpu.memory_space<vmem>> -> memref<1x64x128xf32, #tpu.memory_space<vmem>>
      %gather3A_1381 = tpu.memref_squeeze %gather3A_1380 : memref<1x64x128xf32, #tpu.memory_space<vmem>> -> memref<64x128xf32, #tpu.memory_space<vmem>>
      %gather3A_1382 = tpu.vector_load_idx %gather3A_1381[%add3A_1372, %add3A_1377] : memref<64x128xf32, #tpu.memory_space<vmem>>[vector<16xi32>, vector<16xi32>], vector<16xf32>,
      %get3A_1383 = arith.index_cast %add3A_1363 : i32 to index
      %get3A_1384 = arith.constant 0 : index
      %get3A_1385 = tpu.vector_load %arg9[%get3A_1383, %get3A_1384] {strides = array<i32>} : memref<256x64xf32, #tpu.memory_space<vmem>>, vector<16xf32>,
      %add3A_1386 = arith.addf %gather3A_1382, %get3A_1385 : vector<16xf32>
      %swap3A_1387 = arith.index_cast %add3A_1363 : i32 to index
      %swap3A_1388 = arith.constant 0 : index
      %swap3A_1389 = tpu.vector_load %arg8[%swap3A_1387, %swap3A_1388] {strides = array<i32>} : memref<256x64xf32, #tpu.memory_space<vmem>>, vector<16xf32>,
      tpu.vector_store %arg8[%swap3A_1387, %swap3A_1388], %add3A_1386 {strides = array<i32>} : memref<256x64xf32, #tpu.memory_space<vmem>>, vector<16xf32>,
      %add3A_1390 = arith.constant 16 : i32
      %add3A_1391 = vector.broadcast %add3A_1390 : i32 to vector<16xi32>
      %add3A_1392 = arith.addi %add3A_1391, %iota3A : vector<16xi32>
      %mul3A_1393 = arith.constant 0 : i32
      %mul3A_1394 = vector.broadcast %mul3A_1393 : i32 to vector<16xi32>
      %mul3A_1395 = arith.muli %mul3A_1394, %iota3A : vector<16xi32>
      %add3A_1396 = vector.broadcast %rem3A_1367 : i32 to vector<16xi32>
      %add3A_1397 = arith.addi %add3A_1396, %mul3A_1395 : vector<16xi32>
      %gather3A_1398 = arith.constant 0 : i32
      %gather3A_1399 = arith.constant 0 : i32
      %gather3A_1400 = tpu.memref_slice %arg7[%rem3A_1369, %gather3A_1398, %gather3A_1399] : memref<6x64x128xf32, #tpu.memory_space<vmem>> -> memref<1x64x128xf32, #tpu.memory_space<vmem>>
      %gather3A_1401 = tpu.memref_squeeze %gather3A_1400 : memref<1x64x128xf32, #tpu.memory_space<vmem>> -> memref<64x128xf32, #tpu.memory_space<vmem>>
      %gather3A_1402 = tpu.vector_load_idx %gather3A_1401[%add3A_1392, %add3A_1397] : memref<64x128xf32, #tpu.memory_space<vmem>>[vector<16xi32>, vector<16xi32>], vector<16xf32>,
      %get3A_1403 = arith.index_cast %add3A_1363 : i32 to index
      %get3A_1404 = arith.constant 16 : index
      %get3A_1405 = tpu.vector_load %arg9[%get3A_1403, %get3A_1404] {strides = array<i32>} : memref<256x64xf32, #tpu.memory_space<vmem>>, vector<16xf32>,
      %add3A_1406 = arith.addf %gather3A_1402, %get3A_1405 : vector<16xf32>
      %swap3A_1407 = arith.index_cast %add3A_1363 : i32 to index
      %swap3A_1408 = arith.constant 16 : index
      %swap3A_1409 = tpu.vector_load %arg8[%swap3A_1407, %swap3A_1408] {strides = array<i32>} : memref<256x64xf32, #tpu.memory_space<vmem>>, vector<16xf32>,
      tpu.vector_store %arg8[%swap3A_1407, %swap3A_1408], %add3A_1406 {strides = array<i32>} : memref<256x64xf32, #tpu.memory_space<vmem>>, vector<16xf32>,
      %add3A_1410 = arith.constant 32 : i32
      %add3A_1411 = vector.broadcast %add3A_1410 : i32 to vector<16xi32>
      %add3A_1412 = arith.addi %add3A_1411, %iota3A : vector<16xi32>
      %mul3A_1413 = arith.constant 0 : i32
      %mul3A_1414 = vector.broadcast %mul3A_1413 : i32 to vector<16xi32>
      %mul3A_1415 = arith.muli %mul3A_1414, %iota3A : vector<16xi32>
      %add3A_1416 = vector.broadcast %rem3A_1367 : i32 to vector<16xi32>
      %add3A_1417 = arith.addi %add3A_1416, %mul3A_1415 : vector<16xi32>
      %gather3A_1418 = arith.constant 0 : i32
      %gather3A_1419 = arith.constant 0 : i32
      %gather3A_1420 = tpu.memref_slice %arg7[%rem3A_1369, %gather3A_1418, %gather3A_1419] : memref<6x64x128xf32, #tpu.memory_space<vmem>> -> memref<1x64x128xf32, #tpu.memory_space<vmem>>
      %gather3A_1421 = tpu.memref_squeeze %gather3A_1420 : memref<1x64x128xf32, #tpu.memory_space<vmem>> -> memref<64x128xf32, #tpu.memory_space<vmem>>
      %gather3A_1422 = tpu.vector_load_idx %gather3A_1421[%add3A_1412, %add3A_1417] : memref<64x128xf32, #tpu.memory_space<vmem>>[vector<16xi32>, vector<16xi32>], vector<16xf32>,
      %get3A_1423 = arith.index_cast %add3A_1363 : i32 to index
      %get3A_1424 = arith.constant 32 : index
      %get3A_1425 = tpu.vector_load %arg9[%get3A_1423, %get3A_1424] {strides = array<i32>} : memref<256x64xf32, #tpu.memory_space<vmem>>, vector<16xf32>,
      %add3A_1426 = arith.addf %gather3A_1422, %get3A_1425 : vector<16xf32>
      %swap3A_1427 = arith.index_cast %add3A_1363 : i32 to index
      %swap3A_1428 = arith.constant 32 : index
      %swap3A_1429 = tpu.vector_load %arg8[%swap3A_1427, %swap3A_1428] {strides = array<i32>} : memref<256x64xf32, #tpu.memory_space<vmem>>, vector<16xf32>,
      tpu.vector_store %arg8[%swap3A_1427, %swap3A_1428], %add3A_1426 {strides = array<i32>} : memref<256x64xf32, #tpu.memory_space<vmem>>, vector<16xf32>,
      %add3A_1430 = arith.constant 48 : i32
      %add3A_1431 = vector.broadcast %add3A_1430 : i32 to vector<16xi32>
      %add3A_1432 = arith.addi %add3A_1431, %iota3A : vector<16xi32>
      %mul3A_1433 = arith.constant 0 : i32
      %mul3A_1434 = vector.broadcast %mul3A_1433 : i32 to vector<16xi32>
      %mul3A_1435 = arith.muli %mul3A_1434, %iota3A : vector<16xi32>
      %add3A_1436 = vector.broadcast %rem3A_1367 : i32 to vector<16xi32>
      %add3A_1437 = arith.addi %add3A_1436, %mul3A_1435 : vector<16xi32>
      %gather3A_1438 = arith.constant 0 : i32
      %gather3A_1439 = arith.constant 0 : i32
      %gather3A_1440 = tpu.memref_slice %arg7[%rem3A_1369, %gather3A_1438, %gather3A_1439] : memref<6x64x128xf32, #tpu.memory_space<vmem>> -> memref<1x64x128xf32, #tpu.memory_space<vmem>>
      %gather3A_1441 = tpu.memref_squeeze %gather3A_1440 : memref<1x64x128xf32, #tpu.memory_space<vmem>> -> memref<64x128xf32, #tpu.memory_space<vmem>>
      %gather3A_1442 = tpu.vector_load_idx %gather3A_1441[%add3A_1432, %add3A_1437] : memref<64x128xf32, #tpu.memory_space<vmem>>[vector<16xi32>, vector<16xi32>], vector<16xf32>,
      %get3A_1443 = arith.index_cast %add3A_1363 : i32 to index
      %get3A_1444 = arith.constant 48 : index
      %get3A_1445 = tpu.vector_load %arg9[%get3A_1443, %get3A_1444] {strides = array<i32>} : memref<256x64xf32, #tpu.memory_space<vmem>>, vector<16xf32>,
      %add3A_1446 = arith.addf %gather3A_1442, %get3A_1445 : vector<16xf32>
      %swap3A_1447 = arith.index_cast %add3A_1363 : i32 to index
      %swap3A_1448 = arith.constant 48 : index
      %swap3A_1449 = tpu.vector_load %arg8[%swap3A_1447, %swap3A_1448] {strides = array<i32>} : memref<256x64xf32, #tpu.memory_space<vmem>>, vector<16xf32>,
      tpu.vector_store %arg8[%swap3A_1447, %swap3A_1448], %add3A_1446 {strides = array<i32>} : memref<256x64xf32, #tpu.memory_space<vmem>>, vector<16xf32>,
      %slice3A_1450 = vector.extract_strided_slice %get3A_229 {offsets = [13], sizes = [1], strides = [1]} : vector<16xi32> to vector<1xi32>
      %squeeze3A_1451 = vector.extract %slice3A_1450[0] : i32 from vector<1xi32>
      %mul3A_1452 = arith.constant 16 : i32
      %mul3A_1453 = arith.muli %scan3A_224, %mul3A_1452 : i32
      %add3A_1454 = arith.constant 13 : i32
      %add3A_1455 = arith.addi %mul3A_1453, %add3A_1454 : i32
      %rem3A_1456 = arith.constant 6 : i32
      %rem3A_1457 = arith.remsi %add3A_1455, %rem3A_1456 : i32
      %jit3A_1458 = arith.constant 128 : i32
      %div3A_1459 = arith.divsi %squeeze3A_1451, %jit3A_1458 : i32
      %sign3A_1460 = arith.constant 0 : i32
      %sign3A_1461 = arith.cmpi sgt, %squeeze3A_1451, %sign3A_1460 : i32
      %sign3A_1462 = arith.extui %sign3A_1461 : i1 to i32
      %sign3A_1463 = arith.constant 0 : i32
      %sign3A_1464 = arith.cmpi slt, %squeeze3A_1451, %sign3A_1463 : i32
      %sign3A_1465 = arith.extui %sign3A_1464 : i1 to i32
      %sign3A_1466 = arith.subi %sign3A_1462, %sign3A_1465 : i32
      %sign3A_1467 = arith.constant 0 : i32
      %sign3A_1468 = arith.cmpi sgt, %jit3A_1458, %sign3A_1467 : i32
      %sign3A_1469 = arith.extui %sign3A_1468 : i1 to i32
      %sign3A_1470 = arith.constant 0 : i32
      %sign3A_1471 = arith.cmpi slt, %jit3A_1458, %sign3A_1470 : i32
      %sign3A_1472 = arith.extui %sign3A_1471 : i1 to i32
      %sign3A_1473 = arith.subi %sign3A_1469, %sign3A_1472 : i32
      %ne3A_1474 = arith.cmpi ne, %sign3A_1466, %sign3A_1473 : i32
      %rem3A_1475 = arith.remsi %squeeze3A_1451, %jit3A_1458 : i32
      %ne3A_1476 = arith.constant 0 : i32
      %ne3A_1477 = arith.cmpi ne, %rem3A_1475, %ne3A_1476 : i32
      %and3A_1478 = arith.andi %ne3A_1474, %ne3A_1477 : i1
      %sub3A_1479 = arith.constant 1 : i32
      %sub3A_1480 = arith.subi %div3A_1459, %sub3A_1479 : i32
      %select_n3A_1481 = arith.select %and3A_1478, %sub3A_1480, %div3A_1459 : i32
      %mul3A_1482 = arith.constant 128 : i32
      %mul3A_1483 = arith.muli %select_n3A_1481, %mul3A_1482 : i32
      %multiple_of3A_1484 = tpu.assume_multiple %mul3A_1483, 128 : i32
      %dma_start3A_1485 = arith.constant 0 : i32
      %dma_start3A_1486 = arith.constant 0 : i32
      %dma_start3A_1487 = tpu.memref_slice %arg7[%rem3A_1457, %dma_start3A_1485, %dma_start3A_1486] : memref<6x64x128xf32, #tpu.memory_space<vmem>> -> memref<1x64x128xf32, #tpu.memory_space<vmem>>
      %dma_start3A_1488 = tpu.memref_squeeze %dma_start3A_1487 : memref<1x64x128xf32, #tpu.memory_space<vmem>> -> memref<64x128xf32, #tpu.memory_space<vmem>>
      %dma_start3A_1489 = arith.constant 0 : i32
      %dma_start3A_1490 = tpu.memref_slice %arg2[%dma_start3A_1489, %multiple_of3A_1484] : memref<64x1000000xf32, #tpu.memory_space<hbm>> -> memref<64x128xf32, #tpu.memory_space<hbm>>
      %dma_start3A_1491 = arith.constant 0 : i32
      %dma_start3A_1492 = arith.constant 0 : i32
      %dma_start3A_1493 = tpu.memref_slice %arg7[%rem3A_1457, %dma_start3A_1491, %dma_start3A_1492] : memref<6x64x128xf32, #tpu.memory_space<vmem>> -> memref<1x64x128xf32, #tpu.memory_space<vmem>>
      %dma_start3A_1494 = tpu.memref_squeeze %dma_start3A_1493 : memref<1x64x128xf32, #tpu.memory_space<vmem>> -> memref<64x128xf32, #tpu.memory_space<vmem>>
      %dma_start3A_1495 = arith.constant 0 : i32
      %dma_start3A_1496 = tpu.memref_slice %arg2[%dma_start3A_1495, %multiple_of3A_1484] : memref<64x1000000xf32, #tpu.memory_space<hbm>> -> memref<64x128xf32, #tpu.memory_space<hbm>>
      tpu.enqueue_dma source(%dma_start3A_1496 : memref<64x128xf32, #tpu.memory_space<hbm>>) target(%dma_start3A_1494 : memref<64x128xf32, #tpu.memory_space<vmem>>) target_semaphore(%arg10 : memref<!tpu.dma_semaphore, #tpu.memory_space<semaphore_mem>>)
      %dma_wait3A_1497 = arith.constant 0 : i32
      %dma_wait3A_1498 = arith.constant 0 : i32
      %dma_wait3A_1499 = arith.constant 0 : i32
      %dma_wait3A_1500 = tpu.memref_slice %arg7[%dma_wait3A_1497, %dma_wait3A_1498, %dma_wait3A_1499] : memref<6x64x128xf32, #tpu.memory_space<vmem>> -> memref<1x64x128xf32, #tpu.memory_space<vmem>>
      %dma_wait3A_1501 = tpu.memref_squeeze %dma_wait3A_1500 : memref<1x64x128xf32, #tpu.memory_space<vmem>> -> memref<64x128xf32, #tpu.memory_space<vmem>>
      %dma_wait3A_1502 = arith.constant 0 : i32
      %dma_wait3A_1503 = arith.constant 0 : i32
      %dma_wait3A_1504 = tpu.memref_slice %arg2[%dma_wait3A_1502, %dma_wait3A_1503] : memref<64x1000000xf32, #tpu.memory_space<hbm>> -> memref<64x128xf32, #tpu.memory_space<hbm>>
      %dma_wait3A_1505 = arith.constant 0 : i32
      %dma_wait3A_1506 = arith.constant 0 : i32
      %dma_wait3A_1507 = tpu.memref_slice %arg7[%dma_wait3A_1497, %dma_wait3A_1505, %dma_wait3A_1506] : memref<6x64x128xf32, #tpu.memory_space<vmem>> -> memref<1x64x128xf32, #tpu.memory_space<vmem>>
      %dma_wait3A_1508 = tpu.memref_squeeze %dma_wait3A_1507 : memref<1x64x128xf32, #tpu.memory_space<vmem>> -> memref<64x128xf32, #tpu.memory_space<vmem>>
      %dma_wait3A_1509 = arith.constant 0 : i32
      %dma_wait3A_1510 = arith.constant 0 : i32
      %dma_wait3A_1511 = tpu.memref_slice %arg2[%dma_wait3A_1509, %dma_wait3A_1510] : memref<64x1000000xf32, #tpu.memory_space<hbm>> -> memref<64x128xf32, #tpu.memory_space<hbm>>
      tpu.wait_dma2 semaphore(%arg10 : memref<!tpu.dma_semaphore, #tpu.memory_space<semaphore_mem>>) src(%dma_wait3A_1511 : memref<64x128xf32, #tpu.memory_space<hbm>>) dst(%dma_wait3A_1508 : memref<64x128xf32, #tpu.memory_space<vmem>>)
      %mul3A_1512 = arith.constant 16 : i32
      %mul3A_1513 = arith.muli %scan3A_224, %mul3A_1512 : i32
      %add3A_1514 = arith.constant 8 : i32
      %add3A_1515 = arith.addi %mul3A_1513, %add3A_1514 : i32
      %slice3A_1516 = vector.extract_strided_slice %get3A_229 {offsets = [8], sizes = [1], strides = [1]} : vector<16xi32> to vector<1xi32>
      %squeeze3A_1517 = vector.extract %slice3A_1516[0] : i32 from vector<1xi32>
      %rem3A_1518 = arith.constant 128 : i32
      %rem3A_1519 = arith.remsi %squeeze3A_1517, %rem3A_1518 : i32
      %rem3A_1520 = arith.constant 6 : i32
      %rem3A_1521 = arith.remsi %add3A_1515, %rem3A_1520 : i32
      %add3A_1522 = arith.constant 0 : i32
      %add3A_1523 = vector.broadcast %add3A_1522 : i32 to vector<16xi32>
      %add3A_1524 = arith.addi %add3A_1523, %iota3A : vector<16xi32>
      %mul3A_1525 = arith.constant 0 : i32
      %mul3A_1526 = vector.broadcast %mul3A_1525 : i32 to vector<16xi32>
      %mul3A_1527 = arith.muli %mul3A_1526, %iota3A : vector<16xi32>
      %add3A_1528 = vector.broadcast %rem3A_1519 : i32 to vector<16xi32>
      %add3A_1529 = arith.addi %add3A_1528, %mul3A_1527 : vector<16xi32>
      %gather3A_1530 = arith.constant 0 : i32
      %gather3A_1531 = arith.constant 0 : i32
      %gather3A_1532 = tpu.memref_slice %arg7[%rem3A_1521, %gather3A_1530, %gather3A_1531] : memref<6x64x128xf32, #tpu.memory_space<vmem>> -> memref<1x64x128xf32, #tpu.memory_space<vmem>>
      %gather3A_1533 = tpu.memref_squeeze %gather3A_1532 : memref<1x64x128xf32, #tpu.memory_space<vmem>> -> memref<64x128xf32, #tpu.memory_space<vmem>>
      %gather3A_1534 = tpu.vector_load_idx %gather3A_1533[%add3A_1524, %add3A_1529] : memref<64x128xf32, #tpu.memory_space<vmem>>[vector<16xi32>, vector<16xi32>], vector<16xf32>,
      %get3A_1535 = arith.index_cast %add3A_1515 : i32 to index
      %get3A_1536 = arith.constant 0 : index
      %get3A_1537 = tpu.vector_load %arg9[%get3A_1535, %get3A_1536] {strides = array<i32>} : memref<256x64xf32, #tpu.memory_space<vmem>>, vector<16xf32>,
      %add3A_1538 = arith.addf %gather3A_1534, %get3A_1537 : vector<16xf32>
      %swap3A_1539 = arith.index_cast %add3A_1515 : i32 to index
      %swap3A_1540 = arith.constant 0 : index
      %swap3A_1541 = tpu.vector_load %arg8[%swap3A_1539, %swap3A_1540] {strides = array<i32>} : memref<256x64xf32, #tpu.memory_space<vmem>>, vector<16xf32>,
      tpu.vector_store %arg8[%swap3A_1539, %swap3A_1540], %add3A_1538 {strides = array<i32>} : memref<256x64xf32, #tpu.memory_space<vmem>>, vector<16xf32>,
      %add3A_1542 = arith.constant 16 : i32
      %add3A_1543 = vector.broadcast %add3A_1542 : i32 to vector<16xi32>
      %add3A_1544 = arith.addi %add3A_1543, %iota3A : vector<16xi32>
      %mul3A_1545 = arith.constant 0 : i32
      %mul3A_1546 = vector.broadcast %mul3A_1545 : i32 to vector<16xi32>
      %mul3A_1547 = arith.muli %mul3A_1546, %iota3A : vector<16xi32>
      %add3A_1548 = vector.broadcast %rem3A_1519 : i32 to vector<16xi32>
      %add3A_1549 = arith.addi %add3A_1548, %mul3A_1547 : vector<16xi32>
      %gather3A_1550 = arith.constant 0 : i32
      %gather3A_1551 = arith.constant 0 : i32
      %gather3A_1552 = tpu.memref_slice %arg7[%rem3A_1521, %gather3A_1550, %gather3A_1551] : memref<6x64x128xf32, #tpu.memory_space<vmem>> -> memref<1x64x128xf32, #tpu.memory_space<vmem>>
      %gather3A_1553 = tpu.memref_squeeze %gather3A_1552 : memref<1x64x128xf32, #tpu.memory_space<vmem>> -> memref<64x128xf32, #tpu.memory_space<vmem>>
      %gather3A_1554 = tpu.vector_load_idx %gather3A_1553[%add3A_1544, %add3A_1549] : memref<64x128xf32, #tpu.memory_space<vmem>>[vector<16xi32>, vector<16xi32>], vector<16xf32>,
      %get3A_1555 = arith.index_cast %add3A_1515 : i32 to index
      %get3A_1556 = arith.constant 16 : index
      %get3A_1557 = tpu.vector_load %arg9[%get3A_1555, %get3A_1556] {strides = array<i32>} : memref<256x64xf32, #tpu.memory_space<vmem>>, vector<16xf32>,
      %add3A_1558 = arith.addf %gather3A_1554, %get3A_1557 : vector<16xf32>
      %swap3A_1559 = arith.index_cast %add3A_1515 : i32 to index
      %swap3A_1560 = arith.constant 16 : index
      %swap3A_1561 = tpu.vector_load %arg8[%swap3A_1559, %swap3A_1560] {strides = array<i32>} : memref<256x64xf32, #tpu.memory_space<vmem>>, vector<16xf32>,
      tpu.vector_store %arg8[%swap3A_1559, %swap3A_1560], %add3A_1558 {strides = array<i32>} : memref<256x64xf32, #tpu.memory_space<vmem>>, vector<16xf32>,
      %add3A_1562 = arith.constant 32 : i32
      %add3A_1563 = vector.broadcast %add3A_1562 : i32 to vector<16xi32>
      %add3A_1564 = arith.addi %add3A_1563, %iota3A : vector<16xi32>
      %mul3A_1565 = arith.constant 0 : i32
      %mul3A_1566 = vector.broadcast %mul3A_1565 : i32 to vector<16xi32>
      %mul3A_1567 = arith.muli %mul3A_1566, %iota3A : vector<16xi32>
      %add3A_1568 = vector.broadcast %rem3A_1519 : i32 to vector<16xi32>
      %add3A_1569 = arith.addi %add3A_1568, %mul3A_1567 : vector<16xi32>
      %gather3A_1570 = arith.constant 0 : i32
      %gather3A_1571 = arith.constant 0 : i32
      %gather3A_1572 = tpu.memref_slice %arg7[%rem3A_1521, %gather3A_1570, %gather3A_1571] : memref<6x64x128xf32, #tpu.memory_space<vmem>> -> memref<1x64x128xf32, #tpu.memory_space<vmem>>
      %gather3A_1573 = tpu.memref_squeeze %gather3A_1572 : memref<1x64x128xf32, #tpu.memory_space<vmem>> -> memref<64x128xf32, #tpu.memory_space<vmem>>
      %gather3A_1574 = tpu.vector_load_idx %gather3A_1573[%add3A_1564, %add3A_1569] : memref<64x128xf32, #tpu.memory_space<vmem>>[vector<16xi32>, vector<16xi32>], vector<16xf32>,
      %get3A_1575 = arith.index_cast %add3A_1515 : i32 to index
      %get3A_1576 = arith.constant 32 : index
      %get3A_1577 = tpu.vector_load %arg9[%get3A_1575, %get3A_1576] {strides = array<i32>} : memref<256x64xf32, #tpu.memory_space<vmem>>, vector<16xf32>,
      %add3A_1578 = arith.addf %gather3A_1574, %get3A_1577 : vector<16xf32>
      %swap3A_1579 = arith.index_cast %add3A_1515 : i32 to index
      %swap3A_1580 = arith.constant 32 : index
      %swap3A_1581 = tpu.vector_load %arg8[%swap3A_1579, %swap3A_1580] {strides = array<i32>} : memref<256x64xf32, #tpu.memory_space<vmem>>, vector<16xf32>,
      tpu.vector_store %arg8[%swap3A_1579, %swap3A_1580], %add3A_1578 {strides = array<i32>} : memref<256x64xf32, #tpu.memory_space<vmem>>, vector<16xf32>,
      %add3A_1582 = arith.constant 48 : i32
      %add3A_1583 = vector.broadcast %add3A_1582 : i32 to vector<16xi32>
      %add3A_1584 = arith.addi %add3A_1583, %iota3A : vector<16xi32>
      %mul3A_1585 = arith.constant 0 : i32
      %mul3A_1586 = vector.broadcast %mul3A_1585 : i32 to vector<16xi32>
      %mul3A_1587 = arith.muli %mul3A_1586, %iota3A : vector<16xi32>
      %add3A_1588 = vector.broadcast %rem3A_1519 : i32 to vector<16xi32>
      %add3A_1589 = arith.addi %add3A_1588, %mul3A_1587 : vector<16xi32>
      %gather3A_1590 = arith.constant 0 : i32
      %gather3A_1591 = arith.constant 0 : i32
      %gather3A_1592 = tpu.memref_slice %arg7[%rem3A_1521, %gather3A_1590, %gather3A_1591] : memref<6x64x128xf32, #tpu.memory_space<vmem>> -> memref<1x64x128xf32, #tpu.memory_space<vmem>>
      %gather3A_1593 = tpu.memref_squeeze %gather3A_1592 : memref<1x64x128xf32, #tpu.memory_space<vmem>> -> memref<64x128xf32, #tpu.memory_space<vmem>>
      %gather3A_1594 = tpu.vector_load_idx %gather3A_1593[%add3A_1584, %add3A_1589] : memref<64x128xf32, #tpu.memory_space<vmem>>[vector<16xi32>, vector<16xi32>], vector<16xf32>,
      %get3A_1595 = arith.index_cast %add3A_1515 : i32 to index
      %get3A_1596 = arith.constant 48 : index
      %get3A_1597 = tpu.vector_load %arg9[%get3A_1595, %get3A_1596] {strides = array<i32>} : memref<256x64xf32, #tpu.memory_space<vmem>>, vector<16xf32>,
      %add3A_1598 = arith.addf %gather3A_1594, %get3A_1597 : vector<16xf32>
      %swap3A_1599 = arith.index_cast %add3A_1515 : i32 to index
      %swap3A_1600 = arith.constant 48 : index
      %swap3A_1601 = tpu.vector_load %arg8[%swap3A_1599, %swap3A_1600] {strides = array<i32>} : memref<256x64xf32, #tpu.memory_space<vmem>>, vector<16xf32>,
      tpu.vector_store %arg8[%swap3A_1599, %swap3A_1600], %add3A_1598 {strides = array<i32>} : memref<256x64xf32, #tpu.memory_space<vmem>>, vector<16xf32>,
      %slice3A_1602 = vector.extract_strided_slice %get3A_229 {offsets = [14], sizes = [1], strides = [1]} : vector<16xi32> to vector<1xi32>
      %squeeze3A_1603 = vector.extract %slice3A_1602[0] : i32 from vector<1xi32>
      %mul3A_1604 = arith.constant 16 : i32
      %mul3A_1605 = arith.muli %scan3A_224, %mul3A_1604 : i32
      %add3A_1606 = arith.constant 14 : i32
      %add3A_1607 = arith.addi %mul3A_1605, %add3A_1606 : i32
      %rem3A_1608 = arith.constant 6 : i32
      %rem3A_1609 = arith.remsi %add3A_1607, %rem3A_1608 : i32
      %jit3A_1610 = arith.constant 128 : i32
      %div3A_1611 = arith.divsi %squeeze3A_1603, %jit3A_1610 : i32
      %sign3A_1612 = arith.constant 0 : i32
      %sign3A_1613 = arith.cmpi sgt, %squeeze3A_1603, %sign3A_1612 : i32
      %sign3A_1614 = arith.extui %sign3A_1613 : i1 to i32
      %sign3A_1615 = arith.constant 0 : i32
      %sign3A_1616 = arith.cmpi slt, %squeeze3A_1603, %sign3A_1615 : i32
      %sign3A_1617 = arith.extui %sign3A_1616 : i1 to i32
      %sign3A_1618 = arith.subi %sign3A_1614, %sign3A_1617 : i32
      %sign3A_1619 = arith.constant 0 : i32
      %sign3A_1620 = arith.cmpi sgt, %jit3A_1610, %sign3A_1619 : i32
      %sign3A_1621 = arith.extui %sign3A_1620 : i1 to i32
      %sign3A_1622 = arith.constant 0 : i32
      %sign3A_1623 = arith.cmpi slt, %jit3A_1610, %sign3A_1622 : i32
      %sign3A_1624 = arith.extui %sign3A_1623 : i1 to i32
      %sign3A_1625 = arith.subi %sign3A_1621, %sign3A_1624 : i32
      %ne3A_1626 = arith.cmpi ne, %sign3A_1618, %sign3A_1625 : i32
      %rem3A_1627 = arith.remsi %squeeze3A_1603, %jit3A_1610 : i32
      %ne3A_1628 = arith.constant 0 : i32
      %ne3A_1629 = arith.cmpi ne, %rem3A_1627, %ne3A_1628 : i32
      %and3A_1630 = arith.andi %ne3A_1626, %ne3A_1629 : i1
      %sub3A_1631 = arith.constant 1 : i32
      %sub3A_1632 = arith.subi %div3A_1611, %sub3A_1631 : i32
      %select_n3A_1633 = arith.select %and3A_1630, %sub3A_1632, %div3A_1611 : i32
      %mul3A_1634 = arith.constant 128 : i32
      %mul3A_1635 = arith.muli %select_n3A_1633, %mul3A_1634 : i32
      %multiple_of3A_1636 = tpu.assume_multiple %mul3A_1635, 128 : i32
      %dma_start3A_1637 = arith.constant 0 : i32
      %dma_start3A_1638 = arith.constant 0 : i32
      %dma_start3A_1639 = tpu.memref_slice %arg7[%rem3A_1609, %dma_start3A_1637, %dma_start3A_1638] : memref<6x64x128xf32, #tpu.memory_space<vmem>> -> memref<1x64x128xf32, #tpu.memory_space<vmem>>
      %dma_start3A_1640 = tpu.memref_squeeze %dma_start3A_1639 : memref<1x64x128xf32, #tpu.memory_space<vmem>> -> memref<64x128xf32, #tpu.memory_space<vmem>>
      %dma_start3A_1641 = arith.constant 0 : i32
      %dma_start3A_1642 = tpu.memref_slice %arg2[%dma_start3A_1641, %multiple_of3A_1636] : memref<64x1000000xf32, #tpu.memory_space<hbm>> -> memref<64x128xf32, #tpu.memory_space<hbm>>
      %dma_start3A_1643 = arith.constant 0 : i32
      %dma_start3A_1644 = arith.constant 0 : i32
      %dma_start3A_1645 = tpu.memref_slice %arg7[%rem3A_1609, %dma_start3A_1643, %dma_start3A_1644] : memref<6x64x128xf32, #tpu.memory_space<vmem>> -> memref<1x64x128xf32, #tpu.memory_space<vmem>>
      %dma_start3A_1646 = tpu.memref_squeeze %dma_start3A_1645 : memref<1x64x128xf32, #tpu.memory_space<vmem>> -> memref<64x128xf32, #tpu.memory_space<vmem>>
      %dma_start3A_1647 = arith.constant 0 : i32
      %dma_start3A_1648 = tpu.memref_slice %arg2[%dma_start3A_1647, %multiple_of3A_1636] : memref<64x1000000xf32, #tpu.memory_space<hbm>> -> memref<64x128xf32, #tpu.memory_space<hbm>>
      tpu.enqueue_dma source(%dma_start3A_1648 : memref<64x128xf32, #tpu.memory_space<hbm>>) target(%dma_start3A_1646 : memref<64x128xf32, #tpu.memory_space<vmem>>) target_semaphore(%arg10 : memref<!tpu.dma_semaphore, #tpu.memory_space<semaphore_mem>>)
      %dma_wait3A_1649 = arith.constant 0 : i32
      %dma_wait3A_1650 = arith.constant 0 : i32
      %dma_wait3A_1651 = arith.constant 0 : i32
      %dma_wait3A_1652 = tpu.memref_slice %arg7[%dma_wait3A_1649, %dma_wait3A_1650, %dma_wait3A_1651] : memref<6x64x128xf32, #tpu.memory_space<vmem>> -> memref<1x64x128xf32, #tpu.memory_space<vmem>>
      %dma_wait3A_1653 = tpu.memref_squeeze %dma_wait3A_1652 : memref<1x64x128xf32, #tpu.memory_space<vmem>> -> memref<64x128xf32, #tpu.memory_space<vmem>>
      %dma_wait3A_1654 = arith.constant 0 : i32
      %dma_wait3A_1655 = arith.constant 0 : i32
      %dma_wait3A_1656 = tpu.memref_slice %arg2[%dma_wait3A_1654, %dma_wait3A_1655] : memref<64x1000000xf32, #tpu.memory_space<hbm>> -> memref<64x128xf32, #tpu.memory_space<hbm>>
      %dma_wait3A_1657 = arith.constant 0 : i32
      %dma_wait3A_1658 = arith.constant 0 : i32
      %dma_wait3A_1659 = tpu.memref_slice %arg7[%dma_wait3A_1649, %dma_wait3A_1657, %dma_wait3A_1658] : memref<6x64x128xf32, #tpu.memory_space<vmem>> -> memref<1x64x128xf32, #tpu.memory_space<vmem>>
      %dma_wait3A_1660 = tpu.memref_squeeze %dma_wait3A_1659 : memref<1x64x128xf32, #tpu.memory_space<vmem>> -> memref<64x128xf32, #tpu.memory_space<vmem>>
      %dma_wait3A_1661 = arith.constant 0 : i32
      %dma_wait3A_1662 = arith.constant 0 : i32
      %dma_wait3A_1663 = tpu.memref_slice %arg2[%dma_wait3A_1661, %dma_wait3A_1662] : memref<64x1000000xf32, #tpu.memory_space<hbm>> -> memref<64x128xf32, #tpu.memory_space<hbm>>
      tpu.wait_dma2 semaphore(%arg10 : memref<!tpu.dma_semaphore, #tpu.memory_space<semaphore_mem>>) src(%dma_wait3A_1663 : memref<64x128xf32, #tpu.memory_space<hbm>>) dst(%dma_wait3A_1660 : memref<64x128xf32, #tpu.memory_space<vmem>>)
      %mul3A_1664 = arith.constant 16 : i32
      %mul3A_1665 = arith.muli %scan3A_224, %mul3A_1664 : i32
      %add3A_1666 = arith.constant 9 : i32
      %add3A_1667 = arith.addi %mul3A_1665, %add3A_1666 : i32
      %slice3A_1668 = vector.extract_strided_slice %get3A_229 {offsets = [9], sizes = [1], strides = [1]} : vector<16xi32> to vector<1xi32>
      %squeeze3A_1669 = vector.extract %slice3A_1668[0] : i32 from vector<1xi32>
      %rem3A_1670 = arith.constant 128 : i32
      %rem3A_1671 = arith.remsi %squeeze3A_1669, %rem3A_1670 : i32
      %rem3A_1672 = arith.constant 6 : i32
      %rem3A_1673 = arith.remsi %add3A_1667, %rem3A_1672 : i32
      %add3A_1674 = arith.constant 0 : i32
      %add3A_1675 = vector.broadcast %add3A_1674 : i32 to vector<16xi32>
      %add3A_1676 = arith.addi %add3A_1675, %iota3A : vector<16xi32>
      %mul3A_1677 = arith.constant 0 : i32
      %mul3A_1678 = vector.broadcast %mul3A_1677 : i32 to vector<16xi32>
      %mul3A_1679 = arith.muli %mul3A_1678, %iota3A : vector<16xi32>
      %add3A_1680 = vector.broadcast %rem3A_1671 : i32 to vector<16xi32>
      %add3A_1681 = arith.addi %add3A_1680, %mul3A_1679 : vector<16xi32>
      %gather3A_1682 = arith.constant 0 : i32
      %gather3A_1683 = arith.constant 0 : i32
      %gather3A_1684 = tpu.memref_slice %arg7[%rem3A_1673, %gather3A_1682, %gather3A_1683] : memref<6x64x128xf32, #tpu.memory_space<vmem>> -> memref<1x64x128xf32, #tpu.memory_space<vmem>>
      %gather3A_1685 = tpu.memref_squeeze %gather3A_1684 : memref<1x64x128xf32, #tpu.memory_space<vmem>> -> memref<64x128xf32, #tpu.memory_space<vmem>>
      %gather3A_1686 = tpu.vector_load_idx %gather3A_1685[%add3A_1676, %add3A_1681] : memref<64x128xf32, #tpu.memory_space<vmem>>[vector<16xi32>, vector<16xi32>], vector<16xf32>,
      %get3A_1687 = arith.index_cast %add3A_1667 : i32 to index
      %get3A_1688 = arith.constant 0 : index
      %get3A_1689 = tpu.vector_load %arg9[%get3A_1687, %get3A_1688] {strides = array<i32>} : memref<256x64xf32, #tpu.memory_space<vmem>>, vector<16xf32>,
      %add3A_1690 = arith.addf %gather3A_1686, %get3A_1689 : vector<16xf32>
      %swap3A_1691 = arith.index_cast %add3A_1667 : i32 to index
      %swap3A_1692 = arith.constant 0 : index
      %swap3A_1693 = tpu.vector_load %arg8[%swap3A_1691, %swap3A_1692] {strides = array<i32>} : memref<256x64xf32, #tpu.memory_space<vmem>>, vector<16xf32>,
      tpu.vector_store %arg8[%swap3A_1691, %swap3A_1692], %add3A_1690 {strides = array<i32>} : memref<256x64xf32, #tpu.memory_space<vmem>>, vector<16xf32>,
      %add3A_1694 = arith.constant 16 : i32
      %add3A_1695 = vector.broadcast %add3A_1694 : i32 to vector<16xi32>
      %add3A_1696 = arith.addi %add3A_1695, %iota3A : vector<16xi32>
      %mul3A_1697 = arith.constant 0 : i32
      %mul3A_1698 = vector.broadcast %mul3A_1697 : i32 to vector<16xi32>
      %mul3A_1699 = arith.muli %mul3A_1698, %iota3A : vector<16xi32>
      %add3A_1700 = vector.broadcast %rem3A_1671 : i32 to vector<16xi32>
      %add3A_1701 = arith.addi %add3A_1700, %mul3A_1699 : vector<16xi32>
      %gather3A_1702 = arith.constant 0 : i32
      %gather3A_1703 = arith.constant 0 : i32
      %gather3A_1704 = tpu.memref_slice %arg7[%rem3A_1673, %gather3A_1702, %gather3A_1703] : memref<6x64x128xf32, #tpu.memory_space<vmem>> -> memref<1x64x128xf32, #tpu.memory_space<vmem>>
      %gather3A_1705 = tpu.memref_squeeze %gather3A_1704 : memref<1x64x128xf32, #tpu.memory_space<vmem>> -> memref<64x128xf32, #tpu.memory_space<vmem>>
      %gather3A_1706 = tpu.vector_load_idx %gather3A_1705[%add3A_1696, %add3A_1701] : memref<64x128xf32, #tpu.memory_space<vmem>>[vector<16xi32>, vector<16xi32>], vector<16xf32>,
      %get3A_1707 = arith.index_cast %add3A_1667 : i32 to index
      %get3A_1708 = arith.constant 16 : index
      %get3A_1709 = tpu.vector_load %arg9[%get3A_1707, %get3A_1708] {strides = array<i32>} : memref<256x64xf32, #tpu.memory_space<vmem>>, vector<16xf32>,
      %add3A_1710 = arith.addf %gather3A_1706, %get3A_1709 : vector<16xf32>
      %swap3A_1711 = arith.index_cast %add3A_1667 : i32 to index
      %swap3A_1712 = arith.constant 16 : index
      %swap3A_1713 = tpu.vector_load %arg8[%swap3A_1711, %swap3A_1712] {strides = array<i32>} : memref<256x64xf32, #tpu.memory_space<vmem>>, vector<16xf32>,
      tpu.vector_store %arg8[%swap3A_1711, %swap3A_1712], %add3A_1710 {strides = array<i32>} : memref<256x64xf32, #tpu.memory_space<vmem>>, vector<16xf32>,
      %add3A_1714 = arith.constant 32 : i32
      %add3A_1715 = vector.broadcast %add3A_1714 : i32 to vector<16xi32>
      %add3A_1716 = arith.addi %add3A_1715, %iota3A : vector<16xi32>
      %mul3A_1717 = arith.constant 0 : i32
      %mul3A_1718 = vector.broadcast %mul3A_1717 : i32 to vector<16xi32>
      %mul3A_1719 = arith.muli %mul3A_1718, %iota3A : vector<16xi32>
      %add3A_1720 = vector.broadcast %rem3A_1671 : i32 to vector<16xi32>
      %add3A_1721 = arith.addi %add3A_1720, %mul3A_1719 : vector<16xi32>
      %gather3A_1722 = arith.constant 0 : i32
      %gather3A_1723 = arith.constant 0 : i32
      %gather3A_1724 = tpu.memref_slice %arg7[%rem3A_1673, %gather3A_1722, %gather3A_1723] : memref<6x64x128xf32, #tpu.memory_space<vmem>> -> memref<1x64x128xf32, #tpu.memory_space<vmem>>
      %gather3A_1725 = tpu.memref_squeeze %gather3A_1724 : memref<1x64x128xf32, #tpu.memory_space<vmem>> -> memref<64x128xf32, #tpu.memory_space<vmem>>
      %gather3A_1726 = tpu.vector_load_idx %gather3A_1725[%add3A_1716, %add3A_1721] : memref<64x128xf32, #tpu.memory_space<vmem>>[vector<16xi32>, vector<16xi32>], vector<16xf32>,
      %get3A_1727 = arith.index_cast %add3A_1667 : i32 to index
      %get3A_1728 = arith.constant 32 : index
      %get3A_1729 = tpu.vector_load %arg9[%get3A_1727, %get3A_1728] {strides = array<i32>} : memref<256x64xf32, #tpu.memory_space<vmem>>, vector<16xf32>,
      %add3A_1730 = arith.addf %gather3A_1726, %get3A_1729 : vector<16xf32>
      %swap3A_1731 = arith.index_cast %add3A_1667 : i32 to index
      %swap3A_1732 = arith.constant 32 : index
      %swap3A_1733 = tpu.vector_load %arg8[%swap3A_1731, %swap3A_1732] {strides = array<i32>} : memref<256x64xf32, #tpu.memory_space<vmem>>, vector<16xf32>,
      tpu.vector_store %arg8[%swap3A_1731, %swap3A_1732], %add3A_1730 {strides = array<i32>} : memref<256x64xf32, #tpu.memory_space<vmem>>, vector<16xf32>,
      %add3A_1734 = arith.constant 48 : i32
      %add3A_1735 = vector.broadcast %add3A_1734 : i32 to vector<16xi32>
      %add3A_1736 = arith.addi %add3A_1735, %iota3A : vector<16xi32>
      %mul3A_1737 = arith.constant 0 : i32
      %mul3A_1738 = vector.broadcast %mul3A_1737 : i32 to vector<16xi32>
      %mul3A_1739 = arith.muli %mul3A_1738, %iota3A : vector<16xi32>
      %add3A_1740 = vector.broadcast %rem3A_1671 : i32 to vector<16xi32>
      %add3A_1741 = arith.addi %add3A_1740, %mul3A_1739 : vector<16xi32>
      %gather3A_1742 = arith.constant 0 : i32
      %gather3A_1743 = arith.constant 0 : i32
      %gather3A_1744 = tpu.memref_slice %arg7[%rem3A_1673, %gather3A_1742, %gather3A_1743] : memref<6x64x128xf32, #tpu.memory_space<vmem>> -> memref<1x64x128xf32, #tpu.memory_space<vmem>>
      %gather3A_1745 = tpu.memref_squeeze %gather3A_1744 : memref<1x64x128xf32, #tpu.memory_space<vmem>> -> memref<64x128xf32, #tpu.memory_space<vmem>>
      %gather3A_1746 = tpu.vector_load_idx %gather3A_1745[%add3A_1736, %add3A_1741] : memref<64x128xf32, #tpu.memory_space<vmem>>[vector<16xi32>, vector<16xi32>], vector<16xf32>,
      %get3A_1747 = arith.index_cast %add3A_1667 : i32 to index
      %get3A_1748 = arith.constant 48 : index
      %get3A_1749 = tpu.vector_load %arg9[%get3A_1747, %get3A_1748] {strides = array<i32>} : memref<256x64xf32, #tpu.memory_space<vmem>>, vector<16xf32>,
      %add3A_1750 = arith.addf %gather3A_1746, %get3A_1749 : vector<16xf32>
      %swap3A_1751 = arith.index_cast %add3A_1667 : i32 to index
      %swap3A_1752 = arith.constant 48 : index
      %swap3A_1753 = tpu.vector_load %arg8[%swap3A_1751, %swap3A_1752] {strides = array<i32>} : memref<256x64xf32, #tpu.memory_space<vmem>>, vector<16xf32>,
      tpu.vector_store %arg8[%swap3A_1751, %swap3A_1752], %add3A_1750 {strides = array<i32>} : memref<256x64xf32, #tpu.memory_space<vmem>>, vector<16xf32>,
      %slice3A_1754 = vector.extract_strided_slice %get3A_229 {offsets = [15], sizes = [1], strides = [1]} : vector<16xi32> to vector<1xi32>
      %squeeze3A_1755 = vector.extract %slice3A_1754[0] : i32 from vector<1xi32>
      %mul3A_1756 = arith.constant 16 : i32
      %mul3A_1757 = arith.muli %scan3A_224, %mul3A_1756 : i32
      %add3A_1758 = arith.constant 15 : i32
      %add3A_1759 = arith.addi %mul3A_1757, %add3A_1758 : i32
      %rem3A_1760 = arith.constant 6 : i32
      %rem3A_1761 = arith.remsi %add3A_1759, %rem3A_1760 : i32
      %jit3A_1762 = arith.constant 128 : i32
      %div3A_1763 = arith.divsi %squeeze3A_1755, %jit3A_1762 : i32
      %sign3A_1764 = arith.constant 0 : i32
      %sign3A_1765 = arith.cmpi sgt, %squeeze3A_1755, %sign3A_1764 : i32
      %sign3A_1766 = arith.extui %sign3A_1765 : i1 to i32
      %sign3A_1767 = arith.constant 0 : i32
      %sign3A_1768 = arith.cmpi slt, %squeeze3A_1755, %sign3A_1767 : i32
      %sign3A_1769 = arith.extui %sign3A_1768 : i1 to i32
      %sign3A_1770 = arith.subi %sign3A_1766, %sign3A_1769 : i32
      %sign3A_1771 = arith.constant 0 : i32
      %sign3A_1772 = arith.cmpi sgt, %jit3A_1762, %sign3A_1771 : i32
      %sign3A_1773 = arith.extui %sign3A_1772 : i1 to i32
      %sign3A_1774 = arith.constant 0 : i32
      %sign3A_1775 = arith.cmpi slt, %jit3A_1762, %sign3A_1774 : i32
      %sign3A_1776 = arith.extui %sign3A_1775 : i1 to i32
      %sign3A_1777 = arith.subi %sign3A_1773, %sign3A_1776 : i32
      %ne3A_1778 = arith.cmpi ne, %sign3A_1770, %sign3A_1777 : i32
      %rem3A_1779 = arith.remsi %squeeze3A_1755, %jit3A_1762 : i32
      %ne3A_1780 = arith.constant 0 : i32
      %ne3A_1781 = arith.cmpi ne, %rem3A_1779, %ne3A_1780 : i32
      %and3A_1782 = arith.andi %ne3A_1778, %ne3A_1781 : i1
      %sub3A_1783 = arith.constant 1 : i32
      %sub3A_1784 = arith.subi %div3A_1763, %sub3A_1783 : i32
      %select_n3A_1785 = arith.select %and3A_1782, %sub3A_1784, %div3A_1763 : i32
      %mul3A_1786 = arith.constant 128 : i32
      %mul3A_1787 = arith.muli %select_n3A_1785, %mul3A_1786 : i32
      %multiple_of3A_1788 = tpu.assume_multiple %mul3A_1787, 128 : i32
      %dma_start3A_1789 = arith.constant 0 : i32
      %dma_start3A_1790 = arith.constant 0 : i32
      %dma_start3A_1791 = tpu.memref_slice %arg7[%rem3A_1761, %dma_start3A_1789, %dma_start3A_1790] : memref<6x64x128xf32, #tpu.memory_space<vmem>> -> memref<1x64x128xf32, #tpu.memory_space<vmem>>
      %dma_start3A_1792 = tpu.memref_squeeze %dma_start3A_1791 : memref<1x64x128xf32, #tpu.memory_space<vmem>> -> memref<64x128xf32, #tpu.memory_space<vmem>>
      %dma_start3A_1793 = arith.constant 0 : i32
      %dma_start3A_1794 = tpu.memref_slice %arg2[%dma_start3A_1793, %multiple_of3A_1788] : memref<64x1000000xf32, #tpu.memory_space<hbm>> -> memref<64x128xf32, #tpu.memory_space<hbm>>
      %dma_start3A_1795 = arith.constant 0 : i32
      %dma_start3A_1796 = arith.constant 0 : i32
      %dma_start3A_1797 = tpu.memref_slice %arg7[%rem3A_1761, %dma_start3A_1795, %dma_start3A_1796] : memref<6x64x128xf32, #tpu.memory_space<vmem>> -> memref<1x64x128xf32, #tpu.memory_space<vmem>>
      %dma_start3A_1798 = tpu.memref_squeeze %dma_start3A_1797 : memref<1x64x128xf32, #tpu.memory_space<vmem>> -> memref<64x128xf32, #tpu.memory_space<vmem>>
      %dma_start3A_1799 = arith.constant 0 : i32
      %dma_start3A_1800 = tpu.memref_slice %arg2[%dma_start3A_1799, %multiple_of3A_1788] : memref<64x1000000xf32, #tpu.memory_space<hbm>> -> memref<64x128xf32, #tpu.memory_space<hbm>>
      tpu.enqueue_dma source(%dma_start3A_1800 : memref<64x128xf32, #tpu.memory_space<hbm>>) target(%dma_start3A_1798 : memref<64x128xf32, #tpu.memory_space<vmem>>) target_semaphore(%arg10 : memref<!tpu.dma_semaphore, #tpu.memory_space<semaphore_mem>>)
      %dma_wait3A_1801 = arith.constant 0 : i32
      %dma_wait3A_1802 = arith.constant 0 : i32
      %dma_wait3A_1803 = arith.constant 0 : i32
      %dma_wait3A_1804 = tpu.memref_slice %arg7[%dma_wait3A_1801, %dma_wait3A_1802, %dma_wait3A_1803] : memref<6x64x128xf32, #tpu.memory_space<vmem>> -> memref<1x64x128xf32, #tpu.memory_space<vmem>>
      %dma_wait3A_1805 = tpu.memref_squeeze %dma_wait3A_1804 : memref<1x64x128xf32, #tpu.memory_space<vmem>> -> memref<64x128xf32, #tpu.memory_space<vmem>>
      %dma_wait3A_1806 = arith.constant 0 : i32
      %dma_wait3A_1807 = arith.constant 0 : i32
      %dma_wait3A_1808 = tpu.memref_slice %arg2[%dma_wait3A_1806, %dma_wait3A_1807] : memref<64x1000000xf32, #tpu.memory_space<hbm>> -> memref<64x128xf32, #tpu.memory_space<hbm>>
      %dma_wait3A_1809 = arith.constant 0 : i32
      %dma_wait3A_1810 = arith.constant 0 : i32
      %dma_wait3A_1811 = tpu.memref_slice %arg7[%dma_wait3A_1801, %dma_wait3A_1809, %dma_wait3A_1810] : memref<6x64x128xf32, #tpu.memory_space<vmem>> -> memref<1x64x128xf32, #tpu.memory_space<vmem>>
      %dma_wait3A_1812 = tpu.memref_squeeze %dma_wait3A_1811 : memref<1x64x128xf32, #tpu.memory_space<vmem>> -> memref<64x128xf32, #tpu.memory_space<vmem>>
      %dma_wait3A_1813 = arith.constant 0 : i32
      %dma_wait3A_1814 = arith.constant 0 : i32
      %dma_wait3A_1815 = tpu.memref_slice %arg2[%dma_wait3A_1813, %dma_wait3A_1814] : memref<64x1000000xf32, #tpu.memory_space<hbm>> -> memref<64x128xf32, #tpu.memory_space<hbm>>
      tpu.wait_dma2 semaphore(%arg10 : memref<!tpu.dma_semaphore, #tpu.memory_space<semaphore_mem>>) src(%dma_wait3A_1815 : memref<64x128xf32, #tpu.memory_space<hbm>>) dst(%dma_wait3A_1812 : memref<64x128xf32, #tpu.memory_space<vmem>>)
      %mul3A_1816 = arith.constant 16 : i32
      %mul3A_1817 = arith.muli %scan3A_224, %mul3A_1816 : i32
      %add3A_1818 = arith.constant 10 : i32
      %add3A_1819 = arith.addi %mul3A_1817, %add3A_1818 : i32
      %slice3A_1820 = vector.extract_strided_slice %get3A_229 {offsets = [10], sizes = [1], strides = [1]} : vector<16xi32> to vector<1xi32>
      %squeeze3A_1821 = vector.extract %slice3A_1820[0] : i32 from vector<1xi32>
      %rem3A_1822 = arith.constant 128 : i32
      %rem3A_1823 = arith.remsi %squeeze3A_1821, %rem3A_1822 : i32
      %rem3A_1824 = arith.constant 6 : i32
      %rem3A_1825 = arith.remsi %add3A_1819, %rem3A_1824 : i32
      %add3A_1826 = arith.constant 0 : i32
      %add3A_1827 = vector.broadcast %add3A_1826 : i32 to vector<16xi32>
      %add3A_1828 = arith.addi %add3A_1827, %iota3A : vector<16xi32>
      %mul3A_1829 = arith.constant 0 : i32
      %mul3A_1830 = vector.broadcast %mul3A_1829 : i32 to vector<16xi32>
      %mul3A_1831 = arith.muli %mul3A_1830, %iota3A : vector<16xi32>
      %add3A_1832 = vector.broadcast %rem3A_1823 : i32 to vector<16xi32>
      %add3A_1833 = arith.addi %add3A_1832, %mul3A_1831 : vector<16xi32>
      %gather3A_1834 = arith.constant 0 : i32
      %gather3A_1835 = arith.constant 0 : i32
      %gather3A_1836 = tpu.memref_slice %arg7[%rem3A_1825, %gather3A_1834, %gather3A_1835] : memref<6x64x128xf32, #tpu.memory_space<vmem>> -> memref<1x64x128xf32, #tpu.memory_space<vmem>>
      %gather3A_1837 = tpu.memref_squeeze %gather3A_1836 : memref<1x64x128xf32, #tpu.memory_space<vmem>> -> memref<64x128xf32, #tpu.memory_space<vmem>>
      %gather3A_1838 = tpu.vector_load_idx %gather3A_1837[%add3A_1828, %add3A_1833] : memref<64x128xf32, #tpu.memory_space<vmem>>[vector<16xi32>, vector<16xi32>], vector<16xf32>,
      %get3A_1839 = arith.index_cast %add3A_1819 : i32 to index
      %get3A_1840 = arith.constant 0 : index
      %get3A_1841 = tpu.vector_load %arg9[%get3A_1839, %get3A_1840] {strides = array<i32>} : memref<256x64xf32, #tpu.memory_space<vmem>>, vector<16xf32>,
      %add3A_1842 = arith.addf %gather3A_1838, %get3A_1841 : vector<16xf32>
      %swap3A_1843 = arith.index_cast %add3A_1819 : i32 to index
      %swap3A_1844 = arith.constant 0 : index
      %swap3A_1845 = tpu.vector_load %arg8[%swap3A_1843, %swap3A_1844] {strides = array<i32>} : memref<256x64xf32, #tpu.memory_space<vmem>>, vector<16xf32>,
      tpu.vector_store %arg8[%swap3A_1843, %swap3A_1844], %add3A_1842 {strides = array<i32>} : memref<256x64xf32, #tpu.memory_space<vmem>>, vector<16xf32>,
      %add3A_1846 = arith.constant 16 : i32
      %add3A_1847 = vector.broadcast %add3A_1846 : i32 to vector<16xi32>
      %add3A_1848 = arith.addi %add3A_1847, %iota3A : vector<16xi32>
      %mul3A_1849 = arith.constant 0 : i32
      %mul3A_1850 = vector.broadcast %mul3A_1849 : i32 to vector<16xi32>
      %mul3A_1851 = arith.muli %mul3A_1850, %iota3A : vector<16xi32>
      %add3A_1852 = vector.broadcast %rem3A_1823 : i32 to vector<16xi32>
      %add3A_1853 = arith.addi %add3A_1852, %mul3A_1851 : vector<16xi32>
      %gather3A_1854 = arith.constant 0 : i32
      %gather3A_1855 = arith.constant 0 : i32
      %gather3A_1856 = tpu.memref_slice %arg7[%rem3A_1825, %gather3A_1854, %gather3A_1855] : memref<6x64x128xf32, #tpu.memory_space<vmem>> -> memref<1x64x128xf32, #tpu.memory_space<vmem>>
      %gather3A_1857 = tpu.memref_squeeze %gather3A_1856 : memref<1x64x128xf32, #tpu.memory_space<vmem>> -> memref<64x128xf32, #tpu.memory_space<vmem>>
      %gather3A_1858 = tpu.vector_load_idx %gather3A_1857[%add3A_1848, %add3A_1853] : memref<64x128xf32, #tpu.memory_space<vmem>>[vector<16xi32>, vector<16xi32>], vector<16xf32>,
      %get3A_1859 = arith.index_cast %add3A_1819 : i32 to index
      %get3A_1860 = arith.constant 16 : index
      %get3A_1861 = tpu.vector_load %arg9[%get3A_1859, %get3A_1860] {strides = array<i32>} : memref<256x64xf32, #tpu.memory_space<vmem>>, vector<16xf32>,
      %add3A_1862 = arith.addf %gather3A_1858, %get3A_1861 : vector<16xf32>
      %swap3A_1863 = arith.index_cast %add3A_1819 : i32 to index
      %swap3A_1864 = arith.constant 16 : index
      %swap3A_1865 = tpu.vector_load %arg8[%swap3A_1863, %swap3A_1864] {strides = array<i32>} : memref<256x64xf32, #tpu.memory_space<vmem>>, vector<16xf32>,
      tpu.vector_store %arg8[%swap3A_1863, %swap3A_1864], %add3A_1862 {strides = array<i32>} : memref<256x64xf32, #tpu.memory_space<vmem>>, vector<16xf32>,
      %add3A_1866 = arith.constant 32 : i32
      %add3A_1867 = vector.broadcast %add3A_1866 : i32 to vector<16xi32>
      %add3A_1868 = arith.addi %add3A_1867, %iota3A : vector<16xi32>
      %mul3A_1869 = arith.constant 0 : i32
      %mul3A_1870 = vector.broadcast %mul3A_1869 : i32 to vector<16xi32>
      %mul3A_1871 = arith.muli %mul3A_1870, %iota3A : vector<16xi32>
      %add3A_1872 = vector.broadcast %rem3A_1823 : i32 to vector<16xi32>
      %add3A_1873 = arith.addi %add3A_1872, %mul3A_1871 : vector<16xi32>
      %gather3A_1874 = arith.constant 0 : i32
      %gather3A_1875 = arith.constant 0 : i32
      %gather3A_1876 = tpu.memref_slice %arg7[%rem3A_1825, %gather3A_1874, %gather3A_1875] : memref<6x64x128xf32, #tpu.memory_space<vmem>> -> memref<1x64x128xf32, #tpu.memory_space<vmem>>
      %gather3A_1877 = tpu.memref_squeeze %gather3A_1876 : memref<1x64x128xf32, #tpu.memory_space<vmem>> -> memref<64x128xf32, #tpu.memory_space<vmem>>
      %gather3A_1878 = tpu.vector_load_idx %gather3A_1877[%add3A_1868, %add3A_1873] : memref<64x128xf32, #tpu.memory_space<vmem>>[vector<16xi32>, vector<16xi32>], vector<16xf32>,
      %get3A_1879 = arith.index_cast %add3A_1819 : i32 to index
      %get3A_1880 = arith.constant 32 : index
      %get3A_1881 = tpu.vector_load %arg9[%get3A_1879, %get3A_1880] {strides = array<i32>} : memref<256x64xf32, #tpu.memory_space<vmem>>, vector<16xf32>,
      %add3A_1882 = arith.addf %gather3A_1878, %get3A_1881 : vector<16xf32>
      %swap3A_1883 = arith.index_cast %add3A_1819 : i32 to index
      %swap3A_1884 = arith.constant 32 : index
      %swap3A_1885 = tpu.vector_load %arg8[%swap3A_1883, %swap3A_1884] {strides = array<i32>} : memref<256x64xf32, #tpu.memory_space<vmem>>, vector<16xf32>,
      tpu.vector_store %arg8[%swap3A_1883, %swap3A_1884], %add3A_1882 {strides = array<i32>} : memref<256x64xf32, #tpu.memory_space<vmem>>, vector<16xf32>,
      %add3A_1886 = arith.constant 48 : i32
      %add3A_1887 = vector.broadcast %add3A_1886 : i32 to vector<16xi32>
      %add3A_1888 = arith.addi %add3A_1887, %iota3A : vector<16xi32>
      %mul3A_1889 = arith.constant 0 : i32
      %mul3A_1890 = vector.broadcast %mul3A_1889 : i32 to vector<16xi32>
      %mul3A_1891 = arith.muli %mul3A_1890, %iota3A : vector<16xi32>
      %add3A_1892 = vector.broadcast %rem3A_1823 : i32 to vector<16xi32>
      %add3A_1893 = arith.addi %add3A_1892, %mul3A_1891 : vector<16xi32>
      %gather3A_1894 = arith.constant 0 : i32
      %gather3A_1895 = arith.constant 0 : i32
      %gather3A_1896 = tpu.memref_slice %arg7[%rem3A_1825, %gather3A_1894, %gather3A_1895] : memref<6x64x128xf32, #tpu.memory_space<vmem>> -> memref<1x64x128xf32, #tpu.memory_space<vmem>>
      %gather3A_1897 = tpu.memref_squeeze %gather3A_1896 : memref<1x64x128xf32, #tpu.memory_space<vmem>> -> memref<64x128xf32, #tpu.memory_space<vmem>>
      %gather3A_1898 = tpu.vector_load_idx %gather3A_1897[%add3A_1888, %add3A_1893] : memref<64x128xf32, #tpu.memory_space<vmem>>[vector<16xi32>, vector<16xi32>], vector<16xf32>,
      %get3A_1899 = arith.index_cast %add3A_1819 : i32 to index
      %get3A_1900 = arith.constant 48 : index
      %get3A_1901 = tpu.vector_load %arg9[%get3A_1899, %get3A_1900] {strides = array<i32>} : memref<256x64xf32, #tpu.memory_space<vmem>>, vector<16xf32>,
      %add3A_1902 = arith.addf %gather3A_1898, %get3A_1901 : vector<16xf32>
      %swap3A_1903 = arith.index_cast %add3A_1819 : i32 to index
      %swap3A_1904 = arith.constant 48 : index
      %swap3A_1905 = tpu.vector_load %arg8[%swap3A_1903, %swap3A_1904] {strides = array<i32>} : memref<256x64xf32, #tpu.memory_space<vmem>>, vector<16xf32>,
      tpu.vector_store %arg8[%swap3A_1903, %swap3A_1904], %add3A_1902 {strides = array<i32>} : memref<256x64xf32, #tpu.memory_space<vmem>>, vector<16xf32>,
      %add3A_1906 = arith.constant 1 : i32
      %add3A_1907 = arith.addi %scan3A_224, %add3A_1906 : i32
      %lt3A_1908 = arith.constant 16 : i32
      %lt3A_1909 = arith.cmpi slt, %add3A_1907, %lt3A_1908 : i32
      %convert_element_type3A = arith.extui %lt3A_1909 : i1 to i32
      %cond3A = arith.constant 0 : i32
      %cond3A_1910 = arith.cmpi ne, %convert_element_type3A, %cond3A : i32
      scf.if %cond3A_1910 {
        %slice3A_2465 = vector.extract_strided_slice %get3A_236 {offsets = [0], sizes = [1], strides = [1]} : vector<16xi32> to vector<1xi32>
        %squeeze3A_2466 = vector.extract %slice3A_2465[0] : i32 from vector<1xi32>
        %mul3A_2467 = arith.constant 16 : i32
        %mul3A_2468 = arith.muli %scan3A_224, %mul3A_2467 : i32
        %add3A_2469 = arith.constant 16 : i32
        %add3A_2470 = arith.addi %mul3A_2468, %add3A_2469 : i32
        %rem3A_2471 = arith.constant 6 : i32
        %rem3A_2472 = arith.remsi %add3A_2470, %rem3A_2471 : i32
        %jit3A_2473 = arith.constant 128 : i32
        %div3A_2474 = arith.divsi %squeeze3A_2466, %jit3A_2473 : i32
        %sign3A_2475 = arith.constant 0 : i32
        %sign3A_2476 = arith.cmpi sgt, %squeeze3A_2466, %sign3A_2475 : i32
        %sign3A_2477 = arith.extui %sign3A_2476 : i1 to i32
        %sign3A_2478 = arith.constant 0 : i32
        %sign3A_2479 = arith.cmpi slt, %squeeze3A_2466, %sign3A_2478 : i32
        %sign3A_2480 = arith.extui %sign3A_2479 : i1 to i32
        %sign3A_2481 = arith.subi %sign3A_2477, %sign3A_2480 : i32
        %sign3A_2482 = arith.constant 0 : i32
        %sign3A_2483 = arith.cmpi sgt, %jit3A_2473, %sign3A_2482 : i32
        %sign3A_2484 = arith.extui %sign3A_2483 : i1 to i32
        %sign3A_2485 = arith.constant 0 : i32
        %sign3A_2486 = arith.cmpi slt, %jit3A_2473, %sign3A_2485 : i32
        %sign3A_2487 = arith.extui %sign3A_2486 : i1 to i32
        %sign3A_2488 = arith.subi %sign3A_2484, %sign3A_2487 : i32
        %ne3A_2489 = arith.cmpi ne, %sign3A_2481, %sign3A_2488 : i32
        %rem3A_2490 = arith.remsi %squeeze3A_2466, %jit3A_2473 : i32
        %ne3A_2491 = arith.constant 0 : i32
        %ne3A_2492 = arith.cmpi ne, %rem3A_2490, %ne3A_2491 : i32
        %and3A_2493 = arith.andi %ne3A_2489, %ne3A_2492 : i1
        %sub3A_2494 = arith.constant 1 : i32
        %sub3A_2495 = arith.subi %div3A_2474, %sub3A_2494 : i32
        %select_n3A_2496 = arith.select %and3A_2493, %sub3A_2495, %div3A_2474 : i32
        %mul3A_2497 = arith.constant 128 : i32
        %mul3A_2498 = arith.muli %select_n3A_2496, %mul3A_2497 : i32
        %multiple_of3A_2499 = tpu.assume_multiple %mul3A_2498, 128 : i32
        %dma_start3A_2500 = arith.constant 0 : i32
        %dma_start3A_2501 = arith.constant 0 : i32
        %dma_start3A_2502 = tpu.memref_slice %arg7[%rem3A_2472, %dma_start3A_2500, %dma_start3A_2501] : memref<6x64x128xf32, #tpu.memory_space<vmem>> -> memref<1x64x128xf32, #tpu.memory_space<vmem>>
        %dma_start3A_2503 = tpu.memref_squeeze %dma_start3A_2502 : memref<1x64x128xf32, #tpu.memory_space<vmem>> -> memref<64x128xf32, #tpu.memory_space<vmem>>
        %dma_start3A_2504 = arith.constant 0 : i32
        %dma_start3A_2505 = tpu.memref_slice %arg2[%dma_start3A_2504, %multiple_of3A_2499] : memref<64x1000000xf32, #tpu.memory_space<hbm>> -> memref<64x128xf32, #tpu.memory_space<hbm>>
        %dma_start3A_2506 = arith.constant 0 : i32
        %dma_start3A_2507 = arith.constant 0 : i32
        %dma_start3A_2508 = tpu.memref_slice %arg7[%rem3A_2472, %dma_start3A_2506, %dma_start3A_2507] : memref<6x64x128xf32, #tpu.memory_space<vmem>> -> memref<1x64x128xf32, #tpu.memory_space<vmem>>
        %dma_start3A_2509 = tpu.memref_squeeze %dma_start3A_2508 : memref<1x64x128xf32, #tpu.memory_space<vmem>> -> memref<64x128xf32, #tpu.memory_space<vmem>>
        %dma_start3A_2510 = arith.constant 0 : i32
        %dma_start3A_2511 = tpu.memref_slice %arg2[%dma_start3A_2510, %multiple_of3A_2499] : memref<64x1000000xf32, #tpu.memory_space<hbm>> -> memref<64x128xf32, #tpu.memory_space<hbm>>
        tpu.enqueue_dma source(%dma_start3A_2511 : memref<64x128xf32, #tpu.memory_space<hbm>>) target(%dma_start3A_2509 : memref<64x128xf32, #tpu.memory_space<vmem>>) target_semaphore(%arg10 : memref<!tpu.dma_semaphore, #tpu.memory_space<semaphore_mem>>)
      } else {
      }
      %dma_wait3A_1911 = arith.constant 0 : i32
      %dma_wait3A_1912 = arith.constant 0 : i32
      %dma_wait3A_1913 = arith.constant 0 : i32
      %dma_wait3A_1914 = tpu.memref_slice %arg7[%dma_wait3A_1911, %dma_wait3A_1912, %dma_wait3A_1913] : memref<6x64x128xf32, #tpu.memory_space<vmem>> -> memref<1x64x128xf32, #tpu.memory_space<vmem>>
      %dma_wait3A_1915 = tpu.memref_squeeze %dma_wait3A_1914 : memref<1x64x128xf32, #tpu.memory_space<vmem>> -> memref<64x128xf32, #tpu.memory_space<vmem>>
      %dma_wait3A_1916 = arith.constant 0 : i32
      %dma_wait3A_1917 = arith.constant 0 : i32
      %dma_wait3A_1918 = tpu.memref_slice %arg2[%dma_wait3A_1916, %dma_wait3A_1917] : memref<64x1000000xf32, #tpu.memory_space<hbm>> -> memref<64x128xf32, #tpu.memory_space<hbm>>
      %dma_wait3A_1919 = arith.constant 0 : i32
      %dma_wait3A_1920 = arith.constant 0 : i32
      %dma_wait3A_1921 = tpu.memref_slice %arg7[%dma_wait3A_1911, %dma_wait3A_1919, %dma_wait3A_1920] : memref<6x64x128xf32, #tpu.memory_space<vmem>> -> memref<1x64x128xf32, #tpu.memory_space<vmem>>
      %dma_wait3A_1922 = tpu.memref_squeeze %dma_wait3A_1921 : memref<1x64x128xf32, #tpu.memory_space<vmem>> -> memref<64x128xf32, #tpu.memory_space<vmem>>
      %dma_wait3A_1923 = arith.constant 0 : i32
      %dma_wait3A_1924 = arith.constant 0 : i32
      %dma_wait3A_1925 = tpu.memref_slice %arg2[%dma_wait3A_1923, %dma_wait3A_1924] : memref<64x1000000xf32, #tpu.memory_space<hbm>> -> memref<64x128xf32, #tpu.memory_space<hbm>>
      tpu.wait_dma2 semaphore(%arg10 : memref<!tpu.dma_semaphore, #tpu.memory_space<semaphore_mem>>) src(%dma_wait3A_1925 : memref<64x128xf32, #tpu.memory_space<hbm>>) dst(%dma_wait3A_1922 : memref<64x128xf32, #tpu.memory_space<vmem>>)
      %mul3A_1926 = arith.constant 16 : i32
      %mul3A_1927 = arith.muli %scan3A_224, %mul3A_1926 : i32
      %add3A_1928 = arith.constant 11 : i32
      %add3A_1929 = arith.addi %mul3A_1927, %add3A_1928 : i32
      %slice3A_1930 = vector.extract_strided_slice %get3A_229 {offsets = [11], sizes = [1], strides = [1]} : vector<16xi32> to vector<1xi32>
      %squeeze3A_1931 = vector.extract %slice3A_1930[0] : i32 from vector<1xi32>
      %rem3A_1932 = arith.constant 128 : i32
      %rem3A_1933 = arith.remsi %squeeze3A_1931, %rem3A_1932 : i32
      %rem3A_1934 = arith.constant 6 : i32
      %rem3A_1935 = arith.remsi %add3A_1929, %rem3A_1934 : i32
      %add3A_1936 = arith.constant 0 : i32
      %add3A_1937 = vector.broadcast %add3A_1936 : i32 to vector<16xi32>
      %add3A_1938 = arith.addi %add3A_1937, %iota3A : vector<16xi32>
      %mul3A_1939 = arith.constant 0 : i32
      %mul3A_1940 = vector.broadcast %mul3A_1939 : i32 to vector<16xi32>
      %mul3A_1941 = arith.muli %mul3A_1940, %iota3A : vector<16xi32>
      %add3A_1942 = vector.broadcast %rem3A_1933 : i32 to vector<16xi32>
      %add3A_1943 = arith.addi %add3A_1942, %mul3A_1941 : vector<16xi32>
      %gather3A_1944 = arith.constant 0 : i32
      %gather3A_1945 = arith.constant 0 : i32
      %gather3A_1946 = tpu.memref_slice %arg7[%rem3A_1935, %gather3A_1944, %gather3A_1945] : memref<6x64x128xf32, #tpu.memory_space<vmem>> -> memref<1x64x128xf32, #tpu.memory_space<vmem>>
      %gather3A_1947 = tpu.memref_squeeze %gather3A_1946 : memref<1x64x128xf32, #tpu.memory_space<vmem>> -> memref<64x128xf32, #tpu.memory_space<vmem>>
      %gather3A_1948 = tpu.vector_load_idx %gather3A_1947[%add3A_1938, %add3A_1943] : memref<64x128xf32, #tpu.memory_space<vmem>>[vector<16xi32>, vector<16xi32>], vector<16xf32>,
      %get3A_1949 = arith.index_cast %add3A_1929 : i32 to index
      %get3A_1950 = arith.constant 0 : index
      %get3A_1951 = tpu.vector_load %arg9[%get3A_1949, %get3A_1950] {strides = array<i32>} : memref<256x64xf32, #tpu.memory_space<vmem>>, vector<16xf32>,
      %add3A_1952 = arith.addf %gather3A_1948, %get3A_1951 : vector<16xf32>
      %swap3A_1953 = arith.index_cast %add3A_1929 : i32 to index
      %swap3A_1954 = arith.constant 0 : index
      %swap3A_1955 = tpu.vector_load %arg8[%swap3A_1953, %swap3A_1954] {strides = array<i32>} : memref<256x64xf32, #tpu.memory_space<vmem>>, vector<16xf32>,
      tpu.vector_store %arg8[%swap3A_1953, %swap3A_1954], %add3A_1952 {strides = array<i32>} : memref<256x64xf32, #tpu.memory_space<vmem>>, vector<16xf32>,
      %add3A_1956 = arith.constant 16 : i32
      %add3A_1957 = vector.broadcast %add3A_1956 : i32 to vector<16xi32>
      %add3A_1958 = arith.addi %add3A_1957, %iota3A : vector<16xi32>
      %mul3A_1959 = arith.constant 0 : i32
      %mul3A_1960 = vector.broadcast %mul3A_1959 : i32 to vector<16xi32>
      %mul3A_1961 = arith.muli %mul3A_1960, %iota3A : vector<16xi32>
      %add3A_1962 = vector.broadcast %rem3A_1933 : i32 to vector<16xi32>
      %add3A_1963 = arith.addi %add3A_1962, %mul3A_1961 : vector<16xi32>
      %gather3A_1964 = arith.constant 0 : i32
      %gather3A_1965 = arith.constant 0 : i32
      %gather3A_1966 = tpu.memref_slice %arg7[%rem3A_1935, %gather3A_1964, %gather3A_1965] : memref<6x64x128xf32, #tpu.memory_space<vmem>> -> memref<1x64x128xf32, #tpu.memory_space<vmem>>
      %gather3A_1967 = tpu.memref_squeeze %gather3A_1966 : memref<1x64x128xf32, #tpu.memory_space<vmem>> -> memref<64x128xf32, #tpu.memory_space<vmem>>
      %gather3A_1968 = tpu.vector_load_idx %gather3A_1967[%add3A_1958, %add3A_1963] : memref<64x128xf32, #tpu.memory_space<vmem>>[vector<16xi32>, vector<16xi32>], vector<16xf32>,
      %get3A_1969 = arith.index_cast %add3A_1929 : i32 to index
      %get3A_1970 = arith.constant 16 : index
      %get3A_1971 = tpu.vector_load %arg9[%get3A_1969, %get3A_1970] {strides = array<i32>} : memref<256x64xf32, #tpu.memory_space<vmem>>, vector<16xf32>,
      %add3A_1972 = arith.addf %gather3A_1968, %get3A_1971 : vector<16xf32>
      %swap3A_1973 = arith.index_cast %add3A_1929 : i32 to index
      %swap3A_1974 = arith.constant 16 : index
      %swap3A_1975 = tpu.vector_load %arg8[%swap3A_1973, %swap3A_1974] {strides = array<i32>} : memref<256x64xf32, #tpu.memory_space<vmem>>, vector<16xf32>,
      tpu.vector_store %arg8[%swap3A_1973, %swap3A_1974], %add3A_1972 {strides = array<i32>} : memref<256x64xf32, #tpu.memory_space<vmem>>, vector<16xf32>,
      %add3A_1976 = arith.constant 32 : i32
      %add3A_1977 = vector.broadcast %add3A_1976 : i32 to vector<16xi32>
      %add3A_1978 = arith.addi %add3A_1977, %iota3A : vector<16xi32>
      %mul3A_1979 = arith.constant 0 : i32
      %mul3A_1980 = vector.broadcast %mul3A_1979 : i32 to vector<16xi32>
      %mul3A_1981 = arith.muli %mul3A_1980, %iota3A : vector<16xi32>
      %add3A_1982 = vector.broadcast %rem3A_1933 : i32 to vector<16xi32>
      %add3A_1983 = arith.addi %add3A_1982, %mul3A_1981 : vector<16xi32>
      %gather3A_1984 = arith.constant 0 : i32
      %gather3A_1985 = arith.constant 0 : i32
      %gather3A_1986 = tpu.memref_slice %arg7[%rem3A_1935, %gather3A_1984, %gather3A_1985] : memref<6x64x128xf32, #tpu.memory_space<vmem>> -> memref<1x64x128xf32, #tpu.memory_space<vmem>>
      %gather3A_1987 = tpu.memref_squeeze %gather3A_1986 : memref<1x64x128xf32, #tpu.memory_space<vmem>> -> memref<64x128xf32, #tpu.memory_space<vmem>>
      %gather3A_1988 = tpu.vector_load_idx %gather3A_1987[%add3A_1978, %add3A_1983] : memref<64x128xf32, #tpu.memory_space<vmem>>[vector<16xi32>, vector<16xi32>], vector<16xf32>,
      %get3A_1989 = arith.index_cast %add3A_1929 : i32 to index
      %get3A_1990 = arith.constant 32 : index
      %get3A_1991 = tpu.vector_load %arg9[%get3A_1989, %get3A_1990] {strides = array<i32>} : memref<256x64xf32, #tpu.memory_space<vmem>>, vector<16xf32>,
      %add3A_1992 = arith.addf %gather3A_1988, %get3A_1991 : vector<16xf32>
      %swap3A_1993 = arith.index_cast %add3A_1929 : i32 to index
      %swap3A_1994 = arith.constant 32 : index
      %swap3A_1995 = tpu.vector_load %arg8[%swap3A_1993, %swap3A_1994] {strides = array<i32>} : memref<256x64xf32, #tpu.memory_space<vmem>>, vector<16xf32>,
      tpu.vector_store %arg8[%swap3A_1993, %swap3A_1994], %add3A_1992 {strides = array<i32>} : memref<256x64xf32, #tpu.memory_space<vmem>>, vector<16xf32>,
      %add3A_1996 = arith.constant 48 : i32
      %add3A_1997 = vector.broadcast %add3A_1996 : i32 to vector<16xi32>
      %add3A_1998 = arith.addi %add3A_1997, %iota3A : vector<16xi32>
      %mul3A_1999 = arith.constant 0 : i32
      %mul3A_2000 = vector.broadcast %mul3A_1999 : i32 to vector<16xi32>
      %mul3A_2001 = arith.muli %mul3A_2000, %iota3A : vector<16xi32>
      %add3A_2002 = vector.broadcast %rem3A_1933 : i32 to vector<16xi32>
      %add3A_2003 = arith.addi %add3A_2002, %mul3A_2001 : vector<16xi32>
      %gather3A_2004 = arith.constant 0 : i32
      %gather3A_2005 = arith.constant 0 : i32
      %gather3A_2006 = tpu.memref_slice %arg7[%rem3A_1935, %gather3A_2004, %gather3A_2005] : memref<6x64x128xf32, #tpu.memory_space<vmem>> -> memref<1x64x128xf32, #tpu.memory_space<vmem>>
      %gather3A_2007 = tpu.memref_squeeze %gather3A_2006 : memref<1x64x128xf32, #tpu.memory_space<vmem>> -> memref<64x128xf32, #tpu.memory_space<vmem>>
      %gather3A_2008 = tpu.vector_load_idx %gather3A_2007[%add3A_1998, %add3A_2003] : memref<64x128xf32, #tpu.memory_space<vmem>>[vector<16xi32>, vector<16xi32>], vector<16xf32>,
      %get3A_2009 = arith.index_cast %add3A_1929 : i32 to index
      %get3A_2010 = arith.constant 48 : index
      %get3A_2011 = tpu.vector_load %arg9[%get3A_2009, %get3A_2010] {strides = array<i32>} : memref<256x64xf32, #tpu.memory_space<vmem>>, vector<16xf32>,
      %add3A_2012 = arith.addf %gather3A_2008, %get3A_2011 : vector<16xf32>
      %swap3A_2013 = arith.index_cast %add3A_1929 : i32 to index
      %swap3A_2014 = arith.constant 48 : index
      %swap3A_2015 = tpu.vector_load %arg8[%swap3A_2013, %swap3A_2014] {strides = array<i32>} : memref<256x64xf32, #tpu.memory_space<vmem>>, vector<16xf32>,
      tpu.vector_store %arg8[%swap3A_2013, %swap3A_2014], %add3A_2012 {strides = array<i32>} : memref<256x64xf32, #tpu.memory_space<vmem>>, vector<16xf32>,
      %add3A_2016 = arith.constant 1 : i32
      %add3A_2017 = arith.addi %scan3A_224, %add3A_2016 : i32
      %lt3A_2018 = arith.constant 16 : i32
      %lt3A_2019 = arith.cmpi slt, %add3A_2017, %lt3A_2018 : i32
      %convert_element_type3A_2020 = arith.extui %lt3A_2019 : i1 to i32
      %cond3A_2021 = arith.constant 0 : i32
      %cond3A_2022 = arith.cmpi ne, %convert_element_type3A_2020, %cond3A_2021 : i32
      scf.if %cond3A_2022 {
        %slice3A_2465 = vector.extract_strided_slice %get3A_236 {offsets = [1], sizes = [1], strides = [1]} : vector<16xi32> to vector<1xi32>
        %squeeze3A_2466 = vector.extract %slice3A_2465[0] : i32 from vector<1xi32>
        %mul3A_2467 = arith.constant 16 : i32
        %mul3A_2468 = arith.muli %scan3A_224, %mul3A_2467 : i32
        %add3A_2469 = arith.constant 17 : i32
        %add3A_2470 = arith.addi %mul3A_2468, %add3A_2469 : i32
        %rem3A_2471 = arith.constant 6 : i32
        %rem3A_2472 = arith.remsi %add3A_2470, %rem3A_2471 : i32
        %jit3A_2473 = arith.constant 128 : i32
        %div3A_2474 = arith.divsi %squeeze3A_2466, %jit3A_2473 : i32
        %sign3A_2475 = arith.constant 0 : i32
        %sign3A_2476 = arith.cmpi sgt, %squeeze3A_2466, %sign3A_2475 : i32
        %sign3A_2477 = arith.extui %sign3A_2476 : i1 to i32
        %sign3A_2478 = arith.constant 0 : i32
        %sign3A_2479 = arith.cmpi slt, %squeeze3A_2466, %sign3A_2478 : i32
        %sign3A_2480 = arith.extui %sign3A_2479 : i1 to i32
        %sign3A_2481 = arith.subi %sign3A_2477, %sign3A_2480 : i32
        %sign3A_2482 = arith.constant 0 : i32
        %sign3A_2483 = arith.cmpi sgt, %jit3A_2473, %sign3A_2482 : i32
        %sign3A_2484 = arith.extui %sign3A_2483 : i1 to i32
        %sign3A_2485 = arith.constant 0 : i32
        %sign3A_2486 = arith.cmpi slt, %jit3A_2473, %sign3A_2485 : i32
        %sign3A_2487 = arith.extui %sign3A_2486 : i1 to i32
        %sign3A_2488 = arith.subi %sign3A_2484, %sign3A_2487 : i32
        %ne3A_2489 = arith.cmpi ne, %sign3A_2481, %sign3A_2488 : i32
        %rem3A_2490 = arith.remsi %squeeze3A_2466, %jit3A_2473 : i32
        %ne3A_2491 = arith.constant 0 : i32
        %ne3A_2492 = arith.cmpi ne, %rem3A_2490, %ne3A_2491 : i32
        %and3A_2493 = arith.andi %ne3A_2489, %ne3A_2492 : i1
        %sub3A_2494 = arith.constant 1 : i32
        %sub3A_2495 = arith.subi %div3A_2474, %sub3A_2494 : i32
        %select_n3A_2496 = arith.select %and3A_2493, %sub3A_2495, %div3A_2474 : i32
        %mul3A_2497 = arith.constant 128 : i32
        %mul3A_2498 = arith.muli %select_n3A_2496, %mul3A_2497 : i32
        %multiple_of3A_2499 = tpu.assume_multiple %mul3A_2498, 128 : i32
        %dma_start3A_2500 = arith.constant 0 : i32
        %dma_start3A_2501 = arith.constant 0 : i32
        %dma_start3A_2502 = tpu.memref_slice %arg7[%rem3A_2472, %dma_start3A_2500, %dma_start3A_2501] : memref<6x64x128xf32, #tpu.memory_space<vmem>> -> memref<1x64x128xf32, #tpu.memory_space<vmem>>
        %dma_start3A_2503 = tpu.memref_squeeze %dma_start3A_2502 : memref<1x64x128xf32, #tpu.memory_space<vmem>> -> memref<64x128xf32, #tpu.memory_space<vmem>>
        %dma_start3A_2504 = arith.constant 0 : i32
        %dma_start3A_2505 = tpu.memref_slice %arg2[%dma_start3A_2504, %multiple_of3A_2499] : memref<64x1000000xf32, #tpu.memory_space<hbm>> -> memref<64x128xf32, #tpu.memory_space<hbm>>
        %dma_start3A_2506 = arith.constant 0 : i32
        %dma_start3A_2507 = arith.constant 0 : i32
        %dma_start3A_2508 = tpu.memref_slice %arg7[%rem3A_2472, %dma_start3A_2506, %dma_start3A_2507] : memref<6x64x128xf32, #tpu.memory_space<vmem>> -> memref<1x64x128xf32, #tpu.memory_space<vmem>>
        %dma_start3A_2509 = tpu.memref_squeeze %dma_start3A_2508 : memref<1x64x128xf32, #tpu.memory_space<vmem>> -> memref<64x128xf32, #tpu.memory_space<vmem>>
        %dma_start3A_2510 = arith.constant 0 : i32
        %dma_start3A_2511 = tpu.memref_slice %arg2[%dma_start3A_2510, %multiple_of3A_2499] : memref<64x1000000xf32, #tpu.memory_space<hbm>> -> memref<64x128xf32, #tpu.memory_space<hbm>>
        tpu.enqueue_dma source(%dma_start3A_2511 : memref<64x128xf32, #tpu.memory_space<hbm>>) target(%dma_start3A_2509 : memref<64x128xf32, #tpu.memory_space<vmem>>) target_semaphore(%arg10 : memref<!tpu.dma_semaphore, #tpu.memory_space<semaphore_mem>>)
      } else {
      }
      %dma_wait3A_2023 = arith.constant 0 : i32
      %dma_wait3A_2024 = arith.constant 0 : i32
      %dma_wait3A_2025 = arith.constant 0 : i32
      %dma_wait3A_2026 = tpu.memref_slice %arg7[%dma_wait3A_2023, %dma_wait3A_2024, %dma_wait3A_2025] : memref<6x64x128xf32, #tpu.memory_space<vmem>> -> memref<1x64x128xf32, #tpu.memory_space<vmem>>
      %dma_wait3A_2027 = tpu.memref_squeeze %dma_wait3A_2026 : memref<1x64x128xf32, #tpu.memory_space<vmem>> -> memref<64x128xf32, #tpu.memory_space<vmem>>
      %dma_wait3A_2028 = arith.constant 0 : i32
      %dma_wait3A_2029 = arith.constant 0 : i32
      %dma_wait3A_2030 = tpu.memref_slice %arg2[%dma_wait3A_2028, %dma_wait3A_2029] : memref<64x1000000xf32, #tpu.memory_space<hbm>> -> memref<64x128xf32, #tpu.memory_space<hbm>>
      %dma_wait3A_2031 = arith.constant 0 : i32
      %dma_wait3A_2032 = arith.constant 0 : i32
      %dma_wait3A_2033 = tpu.memref_slice %arg7[%dma_wait3A_2023, %dma_wait3A_2031, %dma_wait3A_2032] : memref<6x64x128xf32, #tpu.memory_space<vmem>> -> memref<1x64x128xf32, #tpu.memory_space<vmem>>
      %dma_wait3A_2034 = tpu.memref_squeeze %dma_wait3A_2033 : memref<1x64x128xf32, #tpu.memory_space<vmem>> -> memref<64x128xf32, #tpu.memory_space<vmem>>
      %dma_wait3A_2035 = arith.constant 0 : i32
      %dma_wait3A_2036 = arith.constant 0 : i32
      %dma_wait3A_2037 = tpu.memref_slice %arg2[%dma_wait3A_2035, %dma_wait3A_2036] : memref<64x1000000xf32, #tpu.memory_space<hbm>> -> memref<64x128xf32, #tpu.memory_space<hbm>>
      tpu.wait_dma2 semaphore(%arg10 : memref<!tpu.dma_semaphore, #tpu.memory_space<semaphore_mem>>) src(%dma_wait3A_2037 : memref<64x128xf32, #tpu.memory_space<hbm>>) dst(%dma_wait3A_2034 : memref<64x128xf32, #tpu.memory_space<vmem>>)
      %mul3A_2038 = arith.constant 16 : i32
      %mul3A_2039 = arith.muli %scan3A_224, %mul3A_2038 : i32
      %add3A_2040 = arith.constant 12 : i32
      %add3A_2041 = arith.addi %mul3A_2039, %add3A_2040 : i32
      %slice3A_2042 = vector.extract_strided_slice %get3A_229 {offsets = [12], sizes = [1], strides = [1]} : vector<16xi32> to vector<1xi32>
      %squeeze3A_2043 = vector.extract %slice3A_2042[0] : i32 from vector<1xi32>
      %rem3A_2044 = arith.constant 128 : i32
      %rem3A_2045 = arith.remsi %squeeze3A_2043, %rem3A_2044 : i32
      %rem3A_2046 = arith.constant 6 : i32
      %rem3A_2047 = arith.remsi %add3A_2041, %rem3A_2046 : i32
      %add3A_2048 = arith.constant 0 : i32
      %add3A_2049 = vector.broadcast %add3A_2048 : i32 to vector<16xi32>
      %add3A_2050 = arith.addi %add3A_2049, %iota3A : vector<16xi32>
      %mul3A_2051 = arith.constant 0 : i32
      %mul3A_2052 = vector.broadcast %mul3A_2051 : i32 to vector<16xi32>
      %mul3A_2053 = arith.muli %mul3A_2052, %iota3A : vector<16xi32>
      %add3A_2054 = vector.broadcast %rem3A_2045 : i32 to vector<16xi32>
      %add3A_2055 = arith.addi %add3A_2054, %mul3A_2053 : vector<16xi32>
      %gather3A_2056 = arith.constant 0 : i32
      %gather3A_2057 = arith.constant 0 : i32
      %gather3A_2058 = tpu.memref_slice %arg7[%rem3A_2047, %gather3A_2056, %gather3A_2057] : memref<6x64x128xf32, #tpu.memory_space<vmem>> -> memref<1x64x128xf32, #tpu.memory_space<vmem>>
      %gather3A_2059 = tpu.memref_squeeze %gather3A_2058 : memref<1x64x128xf32, #tpu.memory_space<vmem>> -> memref<64x128xf32, #tpu.memory_space<vmem>>
      %gather3A_2060 = tpu.vector_load_idx %gather3A_2059[%add3A_2050, %add3A_2055] : memref<64x128xf32, #tpu.memory_space<vmem>>[vector<16xi32>, vector<16xi32>], vector<16xf32>,
      %get3A_2061 = arith.index_cast %add3A_2041 : i32 to index
      %get3A_2062 = arith.constant 0 : index
      %get3A_2063 = tpu.vector_load %arg9[%get3A_2061, %get3A_2062] {strides = array<i32>} : memref<256x64xf32, #tpu.memory_space<vmem>>, vector<16xf32>,
      %add3A_2064 = arith.addf %gather3A_2060, %get3A_2063 : vector<16xf32>
      %swap3A_2065 = arith.index_cast %add3A_2041 : i32 to index
      %swap3A_2066 = arith.constant 0 : index
      %swap3A_2067 = tpu.vector_load %arg8[%swap3A_2065, %swap3A_2066] {strides = array<i32>} : memref<256x64xf32, #tpu.memory_space<vmem>>, vector<16xf32>,
      tpu.vector_store %arg8[%swap3A_2065, %swap3A_2066], %add3A_2064 {strides = array<i32>} : memref<256x64xf32, #tpu.memory_space<vmem>>, vector<16xf32>,
      %add3A_2068 = arith.constant 16 : i32
      %add3A_2069 = vector.broadcast %add3A_2068 : i32 to vector<16xi32>
      %add3A_2070 = arith.addi %add3A_2069, %iota3A : vector<16xi32>
      %mul3A_2071 = arith.constant 0 : i32
      %mul3A_2072 = vector.broadcast %mul3A_2071 : i32 to vector<16xi32>
      %mul3A_2073 = arith.muli %mul3A_2072, %iota3A : vector<16xi32>
      %add3A_2074 = vector.broadcast %rem3A_2045 : i32 to vector<16xi32>
      %add3A_2075 = arith.addi %add3A_2074, %mul3A_2073 : vector<16xi32>
      %gather3A_2076 = arith.constant 0 : i32
      %gather3A_2077 = arith.constant 0 : i32
      %gather3A_2078 = tpu.memref_slice %arg7[%rem3A_2047, %gather3A_2076, %gather3A_2077] : memref<6x64x128xf32, #tpu.memory_space<vmem>> -> memref<1x64x128xf32, #tpu.memory_space<vmem>>
      %gather3A_2079 = tpu.memref_squeeze %gather3A_2078 : memref<1x64x128xf32, #tpu.memory_space<vmem>> -> memref<64x128xf32, #tpu.memory_space<vmem>>
      %gather3A_2080 = tpu.vector_load_idx %gather3A_2079[%add3A_2070, %add3A_2075] : memref<64x128xf32, #tpu.memory_space<vmem>>[vector<16xi32>, vector<16xi32>], vector<16xf32>,
      %get3A_2081 = arith.index_cast %add3A_2041 : i32 to index
      %get3A_2082 = arith.constant 16 : index
      %get3A_2083 = tpu.vector_load %arg9[%get3A_2081, %get3A_2082] {strides = array<i32>} : memref<256x64xf32, #tpu.memory_space<vmem>>, vector<16xf32>,
      %add3A_2084 = arith.addf %gather3A_2080, %get3A_2083 : vector<16xf32>
      %swap3A_2085 = arith.index_cast %add3A_2041 : i32 to index
      %swap3A_2086 = arith.constant 16 : index
      %swap3A_2087 = tpu.vector_load %arg8[%swap3A_2085, %swap3A_2086] {strides = array<i32>} : memref<256x64xf32, #tpu.memory_space<vmem>>, vector<16xf32>,
      tpu.vector_store %arg8[%swap3A_2085, %swap3A_2086], %add3A_2084 {strides = array<i32>} : memref<256x64xf32, #tpu.memory_space<vmem>>, vector<16xf32>,
      %add3A_2088 = arith.constant 32 : i32
      %add3A_2089 = vector.broadcast %add3A_2088 : i32 to vector<16xi32>
      %add3A_2090 = arith.addi %add3A_2089, %iota3A : vector<16xi32>
      %mul3A_2091 = arith.constant 0 : i32
      %mul3A_2092 = vector.broadcast %mul3A_2091 : i32 to vector<16xi32>
      %mul3A_2093 = arith.muli %mul3A_2092, %iota3A : vector<16xi32>
      %add3A_2094 = vector.broadcast %rem3A_2045 : i32 to vector<16xi32>
      %add3A_2095 = arith.addi %add3A_2094, %mul3A_2093 : vector<16xi32>
      %gather3A_2096 = arith.constant 0 : i32
      %gather3A_2097 = arith.constant 0 : i32
      %gather3A_2098 = tpu.memref_slice %arg7[%rem3A_2047, %gather3A_2096, %gather3A_2097] : memref<6x64x128xf32, #tpu.memory_space<vmem>> -> memref<1x64x128xf32, #tpu.memory_space<vmem>>
      %gather3A_2099 = tpu.memref_squeeze %gather3A_2098 : memref<1x64x128xf32, #tpu.memory_space<vmem>> -> memref<64x128xf32, #tpu.memory_space<vmem>>
      %gather3A_2100 = tpu.vector_load_idx %gather3A_2099[%add3A_2090, %add3A_2095] : memref<64x128xf32, #tpu.memory_space<vmem>>[vector<16xi32>, vector<16xi32>], vector<16xf32>,
      %get3A_2101 = arith.index_cast %add3A_2041 : i32 to index
      %get3A_2102 = arith.constant 32 : index
      %get3A_2103 = tpu.vector_load %arg9[%get3A_2101, %get3A_2102] {strides = array<i32>} : memref<256x64xf32, #tpu.memory_space<vmem>>, vector<16xf32>,
      %add3A_2104 = arith.addf %gather3A_2100, %get3A_2103 : vector<16xf32>
      %swap3A_2105 = arith.index_cast %add3A_2041 : i32 to index
      %swap3A_2106 = arith.constant 32 : index
      %swap3A_2107 = tpu.vector_load %arg8[%swap3A_2105, %swap3A_2106] {strides = array<i32>} : memref<256x64xf32, #tpu.memory_space<vmem>>, vector<16xf32>,
      tpu.vector_store %arg8[%swap3A_2105, %swap3A_2106], %add3A_2104 {strides = array<i32>} : memref<256x64xf32, #tpu.memory_space<vmem>>, vector<16xf32>,
      %add3A_2108 = arith.constant 48 : i32
      %add3A_2109 = vector.broadcast %add3A_2108 : i32 to vector<16xi32>
      %add3A_2110 = arith.addi %add3A_2109, %iota3A : vector<16xi32>
      %mul3A_2111 = arith.constant 0 : i32
      %mul3A_2112 = vector.broadcast %mul3A_2111 : i32 to vector<16xi32>
      %mul3A_2113 = arith.muli %mul3A_2112, %iota3A : vector<16xi32>
      %add3A_2114 = vector.broadcast %rem3A_2045 : i32 to vector<16xi32>
      %add3A_2115 = arith.addi %add3A_2114, %mul3A_2113 : vector<16xi32>
      %gather3A_2116 = arith.constant 0 : i32
      %gather3A_2117 = arith.constant 0 : i32
      %gather3A_2118 = tpu.memref_slice %arg7[%rem3A_2047, %gather3A_2116, %gather3A_2117] : memref<6x64x128xf32, #tpu.memory_space<vmem>> -> memref<1x64x128xf32, #tpu.memory_space<vmem>>
      %gather3A_2119 = tpu.memref_squeeze %gather3A_2118 : memref<1x64x128xf32, #tpu.memory_space<vmem>> -> memref<64x128xf32, #tpu.memory_space<vmem>>
      %gather3A_2120 = tpu.vector_load_idx %gather3A_2119[%add3A_2110, %add3A_2115] : memref<64x128xf32, #tpu.memory_space<vmem>>[vector<16xi32>, vector<16xi32>], vector<16xf32>,
      %get3A_2121 = arith.index_cast %add3A_2041 : i32 to index
      %get3A_2122 = arith.constant 48 : index
      %get3A_2123 = tpu.vector_load %arg9[%get3A_2121, %get3A_2122] {strides = array<i32>} : memref<256x64xf32, #tpu.memory_space<vmem>>, vector<16xf32>,
      %add3A_2124 = arith.addf %gather3A_2120, %get3A_2123 : vector<16xf32>
      %swap3A_2125 = arith.index_cast %add3A_2041 : i32 to index
      %swap3A_2126 = arith.constant 48 : index
      %swap3A_2127 = tpu.vector_load %arg8[%swap3A_2125, %swap3A_2126] {strides = array<i32>} : memref<256x64xf32, #tpu.memory_space<vmem>>, vector<16xf32>,
      tpu.vector_store %arg8[%swap3A_2125, %swap3A_2126], %add3A_2124 {strides = array<i32>} : memref<256x64xf32, #tpu.memory_space<vmem>>, vector<16xf32>,
      %add3A_2128 = arith.constant 1 : i32
      %add3A_2129 = arith.addi %scan3A_224, %add3A_2128 : i32
      %lt3A_2130 = arith.constant 16 : i32
      %lt3A_2131 = arith.cmpi slt, %add3A_2129, %lt3A_2130 : i32
      %convert_element_type3A_2132 = arith.extui %lt3A_2131 : i1 to i32
      %cond3A_2133 = arith.constant 0 : i32
      %cond3A_2134 = arith.cmpi ne, %convert_element_type3A_2132, %cond3A_2133 : i32
      scf.if %cond3A_2134 {
        %slice3A_2465 = vector.extract_strided_slice %get3A_236 {offsets = [2], sizes = [1], strides = [1]} : vector<16xi32> to vector<1xi32>
        %squeeze3A_2466 = vector.extract %slice3A_2465[0] : i32 from vector<1xi32>
        %mul3A_2467 = arith.constant 16 : i32
        %mul3A_2468 = arith.muli %scan3A_224, %mul3A_2467 : i32
        %add3A_2469 = arith.constant 18 : i32
        %add3A_2470 = arith.addi %mul3A_2468, %add3A_2469 : i32
        %rem3A_2471 = arith.constant 6 : i32
        %rem3A_2472 = arith.remsi %add3A_2470, %rem3A_2471 : i32
        %jit3A_2473 = arith.constant 128 : i32
        %div3A_2474 = arith.divsi %squeeze3A_2466, %jit3A_2473 : i32
        %sign3A_2475 = arith.constant 0 : i32
        %sign3A_2476 = arith.cmpi sgt, %squeeze3A_2466, %sign3A_2475 : i32
        %sign3A_2477 = arith.extui %sign3A_2476 : i1 to i32
        %sign3A_2478 = arith.constant 0 : i32
        %sign3A_2479 = arith.cmpi slt, %squeeze3A_2466, %sign3A_2478 : i32
        %sign3A_2480 = arith.extui %sign3A_2479 : i1 to i32
        %sign3A_2481 = arith.subi %sign3A_2477, %sign3A_2480 : i32
        %sign3A_2482 = arith.constant 0 : i32
        %sign3A_2483 = arith.cmpi sgt, %jit3A_2473, %sign3A_2482 : i32
        %sign3A_2484 = arith.extui %sign3A_2483 : i1 to i32
        %sign3A_2485 = arith.constant 0 : i32
        %sign3A_2486 = arith.cmpi slt, %jit3A_2473, %sign3A_2485 : i32
        %sign3A_2487 = arith.extui %sign3A_2486 : i1 to i32
        %sign3A_2488 = arith.subi %sign3A_2484, %sign3A_2487 : i32
        %ne3A_2489 = arith.cmpi ne, %sign3A_2481, %sign3A_2488 : i32
        %rem3A_2490 = arith.remsi %squeeze3A_2466, %jit3A_2473 : i32
        %ne3A_2491 = arith.constant 0 : i32
        %ne3A_2492 = arith.cmpi ne, %rem3A_2490, %ne3A_2491 : i32
        %and3A_2493 = arith.andi %ne3A_2489, %ne3A_2492 : i1
        %sub3A_2494 = arith.constant 1 : i32
        %sub3A_2495 = arith.subi %div3A_2474, %sub3A_2494 : i32
        %select_n3A_2496 = arith.select %and3A_2493, %sub3A_2495, %div3A_2474 : i32
        %mul3A_2497 = arith.constant 128 : i32
        %mul3A_2498 = arith.muli %select_n3A_2496, %mul3A_2497 : i32
        %multiple_of3A_2499 = tpu.assume_multiple %mul3A_2498, 128 : i32
        %dma_start3A_2500 = arith.constant 0 : i32
        %dma_start3A_2501 = arith.constant 0 : i32
        %dma_start3A_2502 = tpu.memref_slice %arg7[%rem3A_2472, %dma_start3A_2500, %dma_start3A_2501] : memref<6x64x128xf32, #tpu.memory_space<vmem>> -> memref<1x64x128xf32, #tpu.memory_space<vmem>>
        %dma_start3A_2503 = tpu.memref_squeeze %dma_start3A_2502 : memref<1x64x128xf32, #tpu.memory_space<vmem>> -> memref<64x128xf32, #tpu.memory_space<vmem>>
        %dma_start3A_2504 = arith.constant 0 : i32
        %dma_start3A_2505 = tpu.memref_slice %arg2[%dma_start3A_2504, %multiple_of3A_2499] : memref<64x1000000xf32, #tpu.memory_space<hbm>> -> memref<64x128xf32, #tpu.memory_space<hbm>>
        %dma_start3A_2506 = arith.constant 0 : i32
        %dma_start3A_2507 = arith.constant 0 : i32
        %dma_start3A_2508 = tpu.memref_slice %arg7[%rem3A_2472, %dma_start3A_2506, %dma_start3A_2507] : memref<6x64x128xf32, #tpu.memory_space<vmem>> -> memref<1x64x128xf32, #tpu.memory_space<vmem>>
        %dma_start3A_2509 = tpu.memref_squeeze %dma_start3A_2508 : memref<1x64x128xf32, #tpu.memory_space<vmem>> -> memref<64x128xf32, #tpu.memory_space<vmem>>
        %dma_start3A_2510 = arith.constant 0 : i32
        %dma_start3A_2511 = tpu.memref_slice %arg2[%dma_start3A_2510, %multiple_of3A_2499] : memref<64x1000000xf32, #tpu.memory_space<hbm>> -> memref<64x128xf32, #tpu.memory_space<hbm>>
        tpu.enqueue_dma source(%dma_start3A_2511 : memref<64x128xf32, #tpu.memory_space<hbm>>) target(%dma_start3A_2509 : memref<64x128xf32, #tpu.memory_space<vmem>>) target_semaphore(%arg10 : memref<!tpu.dma_semaphore, #tpu.memory_space<semaphore_mem>>)
      } else {
      }
      %dma_wait3A_2135 = arith.constant 0 : i32
      %dma_wait3A_2136 = arith.constant 0 : i32
      %dma_wait3A_2137 = arith.constant 0 : i32
      %dma_wait3A_2138 = tpu.memref_slice %arg7[%dma_wait3A_2135, %dma_wait3A_2136, %dma_wait3A_2137] : memref<6x64x128xf32, #tpu.memory_space<vmem>> -> memref<1x64x128xf32, #tpu.memory_space<vmem>>
      %dma_wait3A_2139 = tpu.memref_squeeze %dma_wait3A_2138 : memref<1x64x128xf32, #tpu.memory_space<vmem>> -> memref<64x128xf32, #tpu.memory_space<vmem>>
      %dma_wait3A_2140 = arith.constant 0 : i32
      %dma_wait3A_2141 = arith.constant 0 : i32
      %dma_wait3A_2142 = tpu.memref_slice %arg2[%dma_wait3A_2140, %dma_wait3A_2141] : memref<64x1000000xf32, #tpu.memory_space<hbm>> -> memref<64x128xf32, #tpu.memory_space<hbm>>
      %dma_wait3A_2143 = arith.constant 0 : i32
      %dma_wait3A_2144 = arith.constant 0 : i32
      %dma_wait3A_2145 = tpu.memref_slice %arg7[%dma_wait3A_2135, %dma_wait3A_2143, %dma_wait3A_2144] : memref<6x64x128xf32, #tpu.memory_space<vmem>> -> memref<1x64x128xf32, #tpu.memory_space<vmem>>
      %dma_wait3A_2146 = tpu.memref_squeeze %dma_wait3A_2145 : memref<1x64x128xf32, #tpu.memory_space<vmem>> -> memref<64x128xf32, #tpu.memory_space<vmem>>
      %dma_wait3A_2147 = arith.constant 0 : i32
      %dma_wait3A_2148 = arith.constant 0 : i32
      %dma_wait3A_2149 = tpu.memref_slice %arg2[%dma_wait3A_2147, %dma_wait3A_2148] : memref<64x1000000xf32, #tpu.memory_space<hbm>> -> memref<64x128xf32, #tpu.memory_space<hbm>>
      tpu.wait_dma2 semaphore(%arg10 : memref<!tpu.dma_semaphore, #tpu.memory_space<semaphore_mem>>) src(%dma_wait3A_2149 : memref<64x128xf32, #tpu.memory_space<hbm>>) dst(%dma_wait3A_2146 : memref<64x128xf32, #tpu.memory_space<vmem>>)
      %mul3A_2150 = arith.constant 16 : i32
      %mul3A_2151 = arith.muli %scan3A_224, %mul3A_2150 : i32
      %add3A_2152 = arith.constant 13 : i32
      %add3A_2153 = arith.addi %mul3A_2151, %add3A_2152 : i32
      %slice3A_2154 = vector.extract_strided_slice %get3A_229 {offsets = [13], sizes = [1], strides = [1]} : vector<16xi32> to vector<1xi32>
      %squeeze3A_2155 = vector.extract %slice3A_2154[0] : i32 from vector<1xi32>
      %rem3A_2156 = arith.constant 128 : i32
      %rem3A_2157 = arith.remsi %squeeze3A_2155, %rem3A_2156 : i32
      %rem3A_2158 = arith.constant 6 : i32
      %rem3A_2159 = arith.remsi %add3A_2153, %rem3A_2158 : i32
      %add3A_2160 = arith.constant 0 : i32
      %add3A_2161 = vector.broadcast %add3A_2160 : i32 to vector<16xi32>
      %add3A_2162 = arith.addi %add3A_2161, %iota3A : vector<16xi32>
      %mul3A_2163 = arith.constant 0 : i32
      %mul3A_2164 = vector.broadcast %mul3A_2163 : i32 to vector<16xi32>
      %mul3A_2165 = arith.muli %mul3A_2164, %iota3A : vector<16xi32>
      %add3A_2166 = vector.broadcast %rem3A_2157 : i32 to vector<16xi32>
      %add3A_2167 = arith.addi %add3A_2166, %mul3A_2165 : vector<16xi32>
      %gather3A_2168 = arith.constant 0 : i32
      %gather3A_2169 = arith.constant 0 : i32
      %gather3A_2170 = tpu.memref_slice %arg7[%rem3A_2159, %gather3A_2168, %gather3A_2169] : memref<6x64x128xf32, #tpu.memory_space<vmem>> -> memref<1x64x128xf32, #tpu.memory_space<vmem>>
      %gather3A_2171 = tpu.memref_squeeze %gather3A_2170 : memref<1x64x128xf32, #tpu.memory_space<vmem>> -> memref<64x128xf32, #tpu.memory_space<vmem>>
      %gather3A_2172 = tpu.vector_load_idx %gather3A_2171[%add3A_2162, %add3A_2167] : memref<64x128xf32, #tpu.memory_space<vmem>>[vector<16xi32>, vector<16xi32>], vector<16xf32>,
      %get3A_2173 = arith.index_cast %add3A_2153 : i32 to index
      %get3A_2174 = arith.constant 0 : index
      %get3A_2175 = tpu.vector_load %arg9[%get3A_2173, %get3A_2174] {strides = array<i32>} : memref<256x64xf32, #tpu.memory_space<vmem>>, vector<16xf32>,
      %add3A_2176 = arith.addf %gather3A_2172, %get3A_2175 : vector<16xf32>
      %swap3A_2177 = arith.index_cast %add3A_2153 : i32 to index
      %swap3A_2178 = arith.constant 0 : index
      %swap3A_2179 = tpu.vector_load %arg8[%swap3A_2177, %swap3A_2178] {strides = array<i32>} : memref<256x64xf32, #tpu.memory_space<vmem>>, vector<16xf32>,
      tpu.vector_store %arg8[%swap3A_2177, %swap3A_2178], %add3A_2176 {strides = array<i32>} : memref<256x64xf32, #tpu.memory_space<vmem>>, vector<16xf32>,
      %add3A_2180 = arith.constant 16 : i32
      %add3A_2181 = vector.broadcast %add3A_2180 : i32 to vector<16xi32>
      %add3A_2182 = arith.addi %add3A_2181, %iota3A : vector<16xi32>
      %mul3A_2183 = arith.constant 0 : i32
      %mul3A_2184 = vector.broadcast %mul3A_2183 : i32 to vector<16xi32>
      %mul3A_2185 = arith.muli %mul3A_2184, %iota3A : vector<16xi32>
      %add3A_2186 = vector.broadcast %rem3A_2157 : i32 to vector<16xi32>
      %add3A_2187 = arith.addi %add3A_2186, %mul3A_2185 : vector<16xi32>
      %gather3A_2188 = arith.constant 0 : i32
      %gather3A_2189 = arith.constant 0 : i32
      %gather3A_2190 = tpu.memref_slice %arg7[%rem3A_2159, %gather3A_2188, %gather3A_2189] : memref<6x64x128xf32, #tpu.memory_space<vmem>> -> memref<1x64x128xf32, #tpu.memory_space<vmem>>
      %gather3A_2191 = tpu.memref_squeeze %gather3A_2190 : memref<1x64x128xf32, #tpu.memory_space<vmem>> -> memref<64x128xf32, #tpu.memory_space<vmem>>
      %gather3A_2192 = tpu.vector_load_idx %gather3A_2191[%add3A_2182, %add3A_2187] : memref<64x128xf32, #tpu.memory_space<vmem>>[vector<16xi32>, vector<16xi32>], vector<16xf32>,
      %get3A_2193 = arith.index_cast %add3A_2153 : i32 to index
      %get3A_2194 = arith.constant 16 : index
      %get3A_2195 = tpu.vector_load %arg9[%get3A_2193, %get3A_2194] {strides = array<i32>} : memref<256x64xf32, #tpu.memory_space<vmem>>, vector<16xf32>,
      %add3A_2196 = arith.addf %gather3A_2192, %get3A_2195 : vector<16xf32>
      %swap3A_2197 = arith.index_cast %add3A_2153 : i32 to index
      %swap3A_2198 = arith.constant 16 : index
      %swap3A_2199 = tpu.vector_load %arg8[%swap3A_2197, %swap3A_2198] {strides = array<i32>} : memref<256x64xf32, #tpu.memory_space<vmem>>, vector<16xf32>,
      tpu.vector_store %arg8[%swap3A_2197, %swap3A_2198], %add3A_2196 {strides = array<i32>} : memref<256x64xf32, #tpu.memory_space<vmem>>, vector<16xf32>,
      %add3A_2200 = arith.constant 32 : i32
      %add3A_2201 = vector.broadcast %add3A_2200 : i32 to vector<16xi32>
      %add3A_2202 = arith.addi %add3A_2201, %iota3A : vector<16xi32>
      %mul3A_2203 = arith.constant 0 : i32
      %mul3A_2204 = vector.broadcast %mul3A_2203 : i32 to vector<16xi32>
      %mul3A_2205 = arith.muli %mul3A_2204, %iota3A : vector<16xi32>
      %add3A_2206 = vector.broadcast %rem3A_2157 : i32 to vector<16xi32>
      %add3A_2207 = arith.addi %add3A_2206, %mul3A_2205 : vector<16xi32>
      %gather3A_2208 = arith.constant 0 : i32
      %gather3A_2209 = arith.constant 0 : i32
      %gather3A_2210 = tpu.memref_slice %arg7[%rem3A_2159, %gather3A_2208, %gather3A_2209] : memref<6x64x128xf32, #tpu.memory_space<vmem>> -> memref<1x64x128xf32, #tpu.memory_space<vmem>>
      %gather3A_2211 = tpu.memref_squeeze %gather3A_2210 : memref<1x64x128xf32, #tpu.memory_space<vmem>> -> memref<64x128xf32, #tpu.memory_space<vmem>>
      %gather3A_2212 = tpu.vector_load_idx %gather3A_2211[%add3A_2202, %add3A_2207] : memref<64x128xf32, #tpu.memory_space<vmem>>[vector<16xi32>, vector<16xi32>], vector<16xf32>,
      %get3A_2213 = arith.index_cast %add3A_2153 : i32 to index
      %get3A_2214 = arith.constant 32 : index
      %get3A_2215 = tpu.vector_load %arg9[%get3A_2213, %get3A_2214] {strides = array<i32>} : memref<256x64xf32, #tpu.memory_space<vmem>>, vector<16xf32>,
      %add3A_2216 = arith.addf %gather3A_2212, %get3A_2215 : vector<16xf32>
      %swap3A_2217 = arith.index_cast %add3A_2153 : i32 to index
      %swap3A_2218 = arith.constant 32 : index
      %swap3A_2219 = tpu.vector_load %arg8[%swap3A_2217, %swap3A_2218] {strides = array<i32>} : memref<256x64xf32, #tpu.memory_space<vmem>>, vector<16xf32>,
      tpu.vector_store %arg8[%swap3A_2217, %swap3A_2218], %add3A_2216 {strides = array<i32>} : memref<256x64xf32, #tpu.memory_space<vmem>>, vector<16xf32>,
      %add3A_2220 = arith.constant 48 : i32
      %add3A_2221 = vector.broadcast %add3A_2220 : i32 to vector<16xi32>
      %add3A_2222 = arith.addi %add3A_2221, %iota3A : vector<16xi32>
      %mul3A_2223 = arith.constant 0 : i32
      %mul3A_2224 = vector.broadcast %mul3A_2223 : i32 to vector<16xi32>
      %mul3A_2225 = arith.muli %mul3A_2224, %iota3A : vector<16xi32>
      %add3A_2226 = vector.broadcast %rem3A_2157 : i32 to vector<16xi32>
      %add3A_2227 = arith.addi %add3A_2226, %mul3A_2225 : vector<16xi32>
      %gather3A_2228 = arith.constant 0 : i32
      %gather3A_2229 = arith.constant 0 : i32
      %gather3A_2230 = tpu.memref_slice %arg7[%rem3A_2159, %gather3A_2228, %gather3A_2229] : memref<6x64x128xf32, #tpu.memory_space<vmem>> -> memref<1x64x128xf32, #tpu.memory_space<vmem>>
      %gather3A_2231 = tpu.memref_squeeze %gather3A_2230 : memref<1x64x128xf32, #tpu.memory_space<vmem>> -> memref<64x128xf32, #tpu.memory_space<vmem>>
      %gather3A_2232 = tpu.vector_load_idx %gather3A_2231[%add3A_2222, %add3A_2227] : memref<64x128xf32, #tpu.memory_space<vmem>>[vector<16xi32>, vector<16xi32>], vector<16xf32>,
      %get3A_2233 = arith.index_cast %add3A_2153 : i32 to index
      %get3A_2234 = arith.constant 48 : index
      %get3A_2235 = tpu.vector_load %arg9[%get3A_2233, %get3A_2234] {strides = array<i32>} : memref<256x64xf32, #tpu.memory_space<vmem>>, vector<16xf32>,
      %add3A_2236 = arith.addf %gather3A_2232, %get3A_2235 : vector<16xf32>
      %swap3A_2237 = arith.index_cast %add3A_2153 : i32 to index
      %swap3A_2238 = arith.constant 48 : index
      %swap3A_2239 = tpu.vector_load %arg8[%swap3A_2237, %swap3A_2238] {strides = array<i32>} : memref<256x64xf32, #tpu.memory_space<vmem>>, vector<16xf32>,
      tpu.vector_store %arg8[%swap3A_2237, %swap3A_2238], %add3A_2236 {strides = array<i32>} : memref<256x64xf32, #tpu.memory_space<vmem>>, vector<16xf32>,
      %add3A_2240 = arith.constant 1 : i32
      %add3A_2241 = arith.addi %scan3A_224, %add3A_2240 : i32
      %lt3A_2242 = arith.constant 16 : i32
      %lt3A_2243 = arith.cmpi slt, %add3A_2241, %lt3A_2242 : i32
      %convert_element_type3A_2244 = arith.extui %lt3A_2243 : i1 to i32
      %cond3A_2245 = arith.constant 0 : i32
      %cond3A_2246 = arith.cmpi ne, %convert_element_type3A_2244, %cond3A_2245 : i32
      scf.if %cond3A_2246 {
        %slice3A_2465 = vector.extract_strided_slice %get3A_236 {offsets = [3], sizes = [1], strides = [1]} : vector<16xi32> to vector<1xi32>
        %squeeze3A_2466 = vector.extract %slice3A_2465[0] : i32 from vector<1xi32>
        %mul3A_2467 = arith.constant 16 : i32
        %mul3A_2468 = arith.muli %scan3A_224, %mul3A_2467 : i32
        %add3A_2469 = arith.constant 19 : i32
        %add3A_2470 = arith.addi %mul3A_2468, %add3A_2469 : i32
        %rem3A_2471 = arith.constant 6 : i32
        %rem3A_2472 = arith.remsi %add3A_2470, %rem3A_2471 : i32
        %jit3A_2473 = arith.constant 128 : i32
        %div3A_2474 = arith.divsi %squeeze3A_2466, %jit3A_2473 : i32
        %sign3A_2475 = arith.constant 0 : i32
        %sign3A_2476 = arith.cmpi sgt, %squeeze3A_2466, %sign3A_2475 : i32
        %sign3A_2477 = arith.extui %sign3A_2476 : i1 to i32
        %sign3A_2478 = arith.constant 0 : i32
        %sign3A_2479 = arith.cmpi slt, %squeeze3A_2466, %sign3A_2478 : i32
        %sign3A_2480 = arith.extui %sign3A_2479 : i1 to i32
        %sign3A_2481 = arith.subi %sign3A_2477, %sign3A_2480 : i32
        %sign3A_2482 = arith.constant 0 : i32
        %sign3A_2483 = arith.cmpi sgt, %jit3A_2473, %sign3A_2482 : i32
        %sign3A_2484 = arith.extui %sign3A_2483 : i1 to i32
        %sign3A_2485 = arith.constant 0 : i32
        %sign3A_2486 = arith.cmpi slt, %jit3A_2473, %sign3A_2485 : i32
        %sign3A_2487 = arith.extui %sign3A_2486 : i1 to i32
        %sign3A_2488 = arith.subi %sign3A_2484, %sign3A_2487 : i32
        %ne3A_2489 = arith.cmpi ne, %sign3A_2481, %sign3A_2488 : i32
        %rem3A_2490 = arith.remsi %squeeze3A_2466, %jit3A_2473 : i32
        %ne3A_2491 = arith.constant 0 : i32
        %ne3A_2492 = arith.cmpi ne, %rem3A_2490, %ne3A_2491 : i32
        %and3A_2493 = arith.andi %ne3A_2489, %ne3A_2492 : i1
        %sub3A_2494 = arith.constant 1 : i32
        %sub3A_2495 = arith.subi %div3A_2474, %sub3A_2494 : i32
        %select_n3A_2496 = arith.select %and3A_2493, %sub3A_2495, %div3A_2474 : i32
        %mul3A_2497 = arith.constant 128 : i32
        %mul3A_2498 = arith.muli %select_n3A_2496, %mul3A_2497 : i32
        %multiple_of3A_2499 = tpu.assume_multiple %mul3A_2498, 128 : i32
        %dma_start3A_2500 = arith.constant 0 : i32
        %dma_start3A_2501 = arith.constant 0 : i32
        %dma_start3A_2502 = tpu.memref_slice %arg7[%rem3A_2472, %dma_start3A_2500, %dma_start3A_2501] : memref<6x64x128xf32, #tpu.memory_space<vmem>> -> memref<1x64x128xf32, #tpu.memory_space<vmem>>
        %dma_start3A_2503 = tpu.memref_squeeze %dma_start3A_2502 : memref<1x64x128xf32, #tpu.memory_space<vmem>> -> memref<64x128xf32, #tpu.memory_space<vmem>>
        %dma_start3A_2504 = arith.constant 0 : i32
        %dma_start3A_2505 = tpu.memref_slice %arg2[%dma_start3A_2504, %multiple_of3A_2499] : memref<64x1000000xf32, #tpu.memory_space<hbm>> -> memref<64x128xf32, #tpu.memory_space<hbm>>
        %dma_start3A_2506 = arith.constant 0 : i32
        %dma_start3A_2507 = arith.constant 0 : i32
        %dma_start3A_2508 = tpu.memref_slice %arg7[%rem3A_2472, %dma_start3A_2506, %dma_start3A_2507] : memref<6x64x128xf32, #tpu.memory_space<vmem>> -> memref<1x64x128xf32, #tpu.memory_space<vmem>>
        %dma_start3A_2509 = tpu.memref_squeeze %dma_start3A_2508 : memref<1x64x128xf32, #tpu.memory_space<vmem>> -> memref<64x128xf32, #tpu.memory_space<vmem>>
        %dma_start3A_2510 = arith.constant 0 : i32
        %dma_start3A_2511 = tpu.memref_slice %arg2[%dma_start3A_2510, %multiple_of3A_2499] : memref<64x1000000xf32, #tpu.memory_space<hbm>> -> memref<64x128xf32, #tpu.memory_space<hbm>>
        tpu.enqueue_dma source(%dma_start3A_2511 : memref<64x128xf32, #tpu.memory_space<hbm>>) target(%dma_start3A_2509 : memref<64x128xf32, #tpu.memory_space<vmem>>) target_semaphore(%arg10 : memref<!tpu.dma_semaphore, #tpu.memory_space<semaphore_mem>>)
      } else {
      }
      %dma_wait3A_2247 = arith.constant 0 : i32
      %dma_wait3A_2248 = arith.constant 0 : i32
      %dma_wait3A_2249 = arith.constant 0 : i32
      %dma_wait3A_2250 = tpu.memref_slice %arg7[%dma_wait3A_2247, %dma_wait3A_2248, %dma_wait3A_2249] : memref<6x64x128xf32, #tpu.memory_space<vmem>> -> memref<1x64x128xf32, #tpu.memory_space<vmem>>
      %dma_wait3A_2251 = tpu.memref_squeeze %dma_wait3A_2250 : memref<1x64x128xf32, #tpu.memory_space<vmem>> -> memref<64x128xf32, #tpu.memory_space<vmem>>
      %dma_wait3A_2252 = arith.constant 0 : i32
      %dma_wait3A_2253 = arith.constant 0 : i32
      %dma_wait3A_2254 = tpu.memref_slice %arg2[%dma_wait3A_2252, %dma_wait3A_2253] : memref<64x1000000xf32, #tpu.memory_space<hbm>> -> memref<64x128xf32, #tpu.memory_space<hbm>>
      %dma_wait3A_2255 = arith.constant 0 : i32
      %dma_wait3A_2256 = arith.constant 0 : i32
      %dma_wait3A_2257 = tpu.memref_slice %arg7[%dma_wait3A_2247, %dma_wait3A_2255, %dma_wait3A_2256] : memref<6x64x128xf32, #tpu.memory_space<vmem>> -> memref<1x64x128xf32, #tpu.memory_space<vmem>>
      %dma_wait3A_2258 = tpu.memref_squeeze %dma_wait3A_2257 : memref<1x64x128xf32, #tpu.memory_space<vmem>> -> memref<64x128xf32, #tpu.memory_space<vmem>>
      %dma_wait3A_2259 = arith.constant 0 : i32
      %dma_wait3A_2260 = arith.constant 0 : i32
      %dma_wait3A_2261 = tpu.memref_slice %arg2[%dma_wait3A_2259, %dma_wait3A_2260] : memref<64x1000000xf32, #tpu.memory_space<hbm>> -> memref<64x128xf32, #tpu.memory_space<hbm>>
      tpu.wait_dma2 semaphore(%arg10 : memref<!tpu.dma_semaphore, #tpu.memory_space<semaphore_mem>>) src(%dma_wait3A_2261 : memref<64x128xf32, #tpu.memory_space<hbm>>) dst(%dma_wait3A_2258 : memref<64x128xf32, #tpu.memory_space<vmem>>)
      %mul3A_2262 = arith.constant 16 : i32
      %mul3A_2263 = arith.muli %scan3A_224, %mul3A_2262 : i32
      %add3A_2264 = arith.constant 14 : i32
      %add3A_2265 = arith.addi %mul3A_2263, %add3A_2264 : i32
      %slice3A_2266 = vector.extract_strided_slice %get3A_229 {offsets = [14], sizes = [1], strides = [1]} : vector<16xi32> to vector<1xi32>
      %squeeze3A_2267 = vector.extract %slice3A_2266[0] : i32 from vector<1xi32>
      %rem3A_2268 = arith.constant 128 : i32
      %rem3A_2269 = arith.remsi %squeeze3A_2267, %rem3A_2268 : i32
      %rem3A_2270 = arith.constant 6 : i32
      %rem3A_2271 = arith.remsi %add3A_2265, %rem3A_2270 : i32
      %add3A_2272 = arith.constant 0 : i32
      %add3A_2273 = vector.broadcast %add3A_2272 : i32 to vector<16xi32>
      %add3A_2274 = arith.addi %add3A_2273, %iota3A : vector<16xi32>
      %mul3A_2275 = arith.constant 0 : i32
      %mul3A_2276 = vector.broadcast %mul3A_2275 : i32 to vector<16xi32>
      %mul3A_2277 = arith.muli %mul3A_2276, %iota3A : vector<16xi32>
      %add3A_2278 = vector.broadcast %rem3A_2269 : i32 to vector<16xi32>
      %add3A_2279 = arith.addi %add3A_2278, %mul3A_2277 : vector<16xi32>
      %gather3A_2280 = arith.constant 0 : i32
      %gather3A_2281 = arith.constant 0 : i32
      %gather3A_2282 = tpu.memref_slice %arg7[%rem3A_2271, %gather3A_2280, %gather3A_2281] : memref<6x64x128xf32, #tpu.memory_space<vmem>> -> memref<1x64x128xf32, #tpu.memory_space<vmem>>
      %gather3A_2283 = tpu.memref_squeeze %gather3A_2282 : memref<1x64x128xf32, #tpu.memory_space<vmem>> -> memref<64x128xf32, #tpu.memory_space<vmem>>
      %gather3A_2284 = tpu.vector_load_idx %gather3A_2283[%add3A_2274, %add3A_2279] : memref<64x128xf32, #tpu.memory_space<vmem>>[vector<16xi32>, vector<16xi32>], vector<16xf32>,
      %get3A_2285 = arith.index_cast %add3A_2265 : i32 to index
      %get3A_2286 = arith.constant 0 : index
      %get3A_2287 = tpu.vector_load %arg9[%get3A_2285, %get3A_2286] {strides = array<i32>} : memref<256x64xf32, #tpu.memory_space<vmem>>, vector<16xf32>,
      %add3A_2288 = arith.addf %gather3A_2284, %get3A_2287 : vector<16xf32>
      %swap3A_2289 = arith.index_cast %add3A_2265 : i32 to index
      %swap3A_2290 = arith.constant 0 : index
      %swap3A_2291 = tpu.vector_load %arg8[%swap3A_2289, %swap3A_2290] {strides = array<i32>} : memref<256x64xf32, #tpu.memory_space<vmem>>, vector<16xf32>,
      tpu.vector_store %arg8[%swap3A_2289, %swap3A_2290], %add3A_2288 {strides = array<i32>} : memref<256x64xf32, #tpu.memory_space<vmem>>, vector<16xf32>,
      %add3A_2292 = arith.constant 16 : i32
      %add3A_2293 = vector.broadcast %add3A_2292 : i32 to vector<16xi32>
      %add3A_2294 = arith.addi %add3A_2293, %iota3A : vector<16xi32>
      %mul3A_2295 = arith.constant 0 : i32
      %mul3A_2296 = vector.broadcast %mul3A_2295 : i32 to vector<16xi32>
      %mul3A_2297 = arith.muli %mul3A_2296, %iota3A : vector<16xi32>
      %add3A_2298 = vector.broadcast %rem3A_2269 : i32 to vector<16xi32>
      %add3A_2299 = arith.addi %add3A_2298, %mul3A_2297 : vector<16xi32>
      %gather3A_2300 = arith.constant 0 : i32
      %gather3A_2301 = arith.constant 0 : i32
      %gather3A_2302 = tpu.memref_slice %arg7[%rem3A_2271, %gather3A_2300, %gather3A_2301] : memref<6x64x128xf32, #tpu.memory_space<vmem>> -> memref<1x64x128xf32, #tpu.memory_space<vmem>>
      %gather3A_2303 = tpu.memref_squeeze %gather3A_2302 : memref<1x64x128xf32, #tpu.memory_space<vmem>> -> memref<64x128xf32, #tpu.memory_space<vmem>>
      %gather3A_2304 = tpu.vector_load_idx %gather3A_2303[%add3A_2294, %add3A_2299] : memref<64x128xf32, #tpu.memory_space<vmem>>[vector<16xi32>, vector<16xi32>], vector<16xf32>,
      %get3A_2305 = arith.index_cast %add3A_2265 : i32 to index
      %get3A_2306 = arith.constant 16 : index
      %get3A_2307 = tpu.vector_load %arg9[%get3A_2305, %get3A_2306] {strides = array<i32>} : memref<256x64xf32, #tpu.memory_space<vmem>>, vector<16xf32>,
      %add3A_2308 = arith.addf %gather3A_2304, %get3A_2307 : vector<16xf32>
      %swap3A_2309 = arith.index_cast %add3A_2265 : i32 to index
      %swap3A_2310 = arith.constant 16 : index
      %swap3A_2311 = tpu.vector_load %arg8[%swap3A_2309, %swap3A_2310] {strides = array<i32>} : memref<256x64xf32, #tpu.memory_space<vmem>>, vector<16xf32>,
      tpu.vector_store %arg8[%swap3A_2309, %swap3A_2310], %add3A_2308 {strides = array<i32>} : memref<256x64xf32, #tpu.memory_space<vmem>>, vector<16xf32>,
      %add3A_2312 = arith.constant 32 : i32
      %add3A_2313 = vector.broadcast %add3A_2312 : i32 to vector<16xi32>
      %add3A_2314 = arith.addi %add3A_2313, %iota3A : vector<16xi32>
      %mul3A_2315 = arith.constant 0 : i32
      %mul3A_2316 = vector.broadcast %mul3A_2315 : i32 to vector<16xi32>
      %mul3A_2317 = arith.muli %mul3A_2316, %iota3A : vector<16xi32>
      %add3A_2318 = vector.broadcast %rem3A_2269 : i32 to vector<16xi32>
      %add3A_2319 = arith.addi %add3A_2318, %mul3A_2317 : vector<16xi32>
      %gather3A_2320 = arith.constant 0 : i32
      %gather3A_2321 = arith.constant 0 : i32
      %gather3A_2322 = tpu.memref_slice %arg7[%rem3A_2271, %gather3A_2320, %gather3A_2321] : memref<6x64x128xf32, #tpu.memory_space<vmem>> -> memref<1x64x128xf32, #tpu.memory_space<vmem>>
      %gather3A_2323 = tpu.memref_squeeze %gather3A_2322 : memref<1x64x128xf32, #tpu.memory_space<vmem>> -> memref<64x128xf32, #tpu.memory_space<vmem>>
      %gather3A_2324 = tpu.vector_load_idx %gather3A_2323[%add3A_2314, %add3A_2319] : memref<64x128xf32, #tpu.memory_space<vmem>>[vector<16xi32>, vector<16xi32>], vector<16xf32>,
      %get3A_2325 = arith.index_cast %add3A_2265 : i32 to index
      %get3A_2326 = arith.constant 32 : index
      %get3A_2327 = tpu.vector_load %arg9[%get3A_2325, %get3A_2326] {strides = array<i32>} : memref<256x64xf32, #tpu.memory_space<vmem>>, vector<16xf32>,
      %add3A_2328 = arith.addf %gather3A_2324, %get3A_2327 : vector<16xf32>
      %swap3A_2329 = arith.index_cast %add3A_2265 : i32 to index
      %swap3A_2330 = arith.constant 32 : index
      %swap3A_2331 = tpu.vector_load %arg8[%swap3A_2329, %swap3A_2330] {strides = array<i32>} : memref<256x64xf32, #tpu.memory_space<vmem>>, vector<16xf32>,
      tpu.vector_store %arg8[%swap3A_2329, %swap3A_2330], %add3A_2328 {strides = array<i32>} : memref<256x64xf32, #tpu.memory_space<vmem>>, vector<16xf32>,
      %add3A_2332 = arith.constant 48 : i32
      %add3A_2333 = vector.broadcast %add3A_2332 : i32 to vector<16xi32>
      %add3A_2334 = arith.addi %add3A_2333, %iota3A : vector<16xi32>
      %mul3A_2335 = arith.constant 0 : i32
      %mul3A_2336 = vector.broadcast %mul3A_2335 : i32 to vector<16xi32>
      %mul3A_2337 = arith.muli %mul3A_2336, %iota3A : vector<16xi32>
      %add3A_2338 = vector.broadcast %rem3A_2269 : i32 to vector<16xi32>
      %add3A_2339 = arith.addi %add3A_2338, %mul3A_2337 : vector<16xi32>
      %gather3A_2340 = arith.constant 0 : i32
      %gather3A_2341 = arith.constant 0 : i32
      %gather3A_2342 = tpu.memref_slice %arg7[%rem3A_2271, %gather3A_2340, %gather3A_2341] : memref<6x64x128xf32, #tpu.memory_space<vmem>> -> memref<1x64x128xf32, #tpu.memory_space<vmem>>
      %gather3A_2343 = tpu.memref_squeeze %gather3A_2342 : memref<1x64x128xf32, #tpu.memory_space<vmem>> -> memref<64x128xf32, #tpu.memory_space<vmem>>
      %gather3A_2344 = tpu.vector_load_idx %gather3A_2343[%add3A_2334, %add3A_2339] : memref<64x128xf32, #tpu.memory_space<vmem>>[vector<16xi32>, vector<16xi32>], vector<16xf32>,
      %get3A_2345 = arith.index_cast %add3A_2265 : i32 to index
      %get3A_2346 = arith.constant 48 : index
      %get3A_2347 = tpu.vector_load %arg9[%get3A_2345, %get3A_2346] {strides = array<i32>} : memref<256x64xf32, #tpu.memory_space<vmem>>, vector<16xf32>,
      %add3A_2348 = arith.addf %gather3A_2344, %get3A_2347 : vector<16xf32>
      %swap3A_2349 = arith.index_cast %add3A_2265 : i32 to index
      %swap3A_2350 = arith.constant 48 : index
      %swap3A_2351 = tpu.vector_load %arg8[%swap3A_2349, %swap3A_2350] {strides = array<i32>} : memref<256x64xf32, #tpu.memory_space<vmem>>, vector<16xf32>,
      tpu.vector_store %arg8[%swap3A_2349, %swap3A_2350], %add3A_2348 {strides = array<i32>} : memref<256x64xf32, #tpu.memory_space<vmem>>, vector<16xf32>,
      %add3A_2352 = arith.constant 1 : i32
      %add3A_2353 = arith.addi %scan3A_224, %add3A_2352 : i32
      %lt3A_2354 = arith.constant 16 : i32
      %lt3A_2355 = arith.cmpi slt, %add3A_2353, %lt3A_2354 : i32
      %convert_element_type3A_2356 = arith.extui %lt3A_2355 : i1 to i32
      %cond3A_2357 = arith.constant 0 : i32
      %cond3A_2358 = arith.cmpi ne, %convert_element_type3A_2356, %cond3A_2357 : i32
      scf.if %cond3A_2358 {
        %slice3A_2465 = vector.extract_strided_slice %get3A_236 {offsets = [4], sizes = [1], strides = [1]} : vector<16xi32> to vector<1xi32>
        %squeeze3A_2466 = vector.extract %slice3A_2465[0] : i32 from vector<1xi32>
        %mul3A_2467 = arith.constant 16 : i32
        %mul3A_2468 = arith.muli %scan3A_224, %mul3A_2467 : i32
        %add3A_2469 = arith.constant 20 : i32
        %add3A_2470 = arith.addi %mul3A_2468, %add3A_2469 : i32
        %rem3A_2471 = arith.constant 6 : i32
        %rem3A_2472 = arith.remsi %add3A_2470, %rem3A_2471 : i32
        %jit3A_2473 = arith.constant 128 : i32
        %div3A_2474 = arith.divsi %squeeze3A_2466, %jit3A_2473 : i32
        %sign3A_2475 = arith.constant 0 : i32
        %sign3A_2476 = arith.cmpi sgt, %squeeze3A_2466, %sign3A_2475 : i32
        %sign3A_2477 = arith.extui %sign3A_2476 : i1 to i32
        %sign3A_2478 = arith.constant 0 : i32
        %sign3A_2479 = arith.cmpi slt, %squeeze3A_2466, %sign3A_2478 : i32
        %sign3A_2480 = arith.extui %sign3A_2479 : i1 to i32
        %sign3A_2481 = arith.subi %sign3A_2477, %sign3A_2480 : i32
        %sign3A_2482 = arith.constant 0 : i32
        %sign3A_2483 = arith.cmpi sgt, %jit3A_2473, %sign3A_2482 : i32
        %sign3A_2484 = arith.extui %sign3A_2483 : i1 to i32
        %sign3A_2485 = arith.constant 0 : i32
        %sign3A_2486 = arith.cmpi slt, %jit3A_2473, %sign3A_2485 : i32
        %sign3A_2487 = arith.extui %sign3A_2486 : i1 to i32
        %sign3A_2488 = arith.subi %sign3A_2484, %sign3A_2487 : i32
        %ne3A_2489 = arith.cmpi ne, %sign3A_2481, %sign3A_2488 : i32
        %rem3A_2490 = arith.remsi %squeeze3A_2466, %jit3A_2473 : i32
        %ne3A_2491 = arith.constant 0 : i32
        %ne3A_2492 = arith.cmpi ne, %rem3A_2490, %ne3A_2491 : i32
        %and3A_2493 = arith.andi %ne3A_2489, %ne3A_2492 : i1
        %sub3A_2494 = arith.constant 1 : i32
        %sub3A_2495 = arith.subi %div3A_2474, %sub3A_2494 : i32
        %select_n3A_2496 = arith.select %and3A_2493, %sub3A_2495, %div3A_2474 : i32
        %mul3A_2497 = arith.constant 128 : i32
        %mul3A_2498 = arith.muli %select_n3A_2496, %mul3A_2497 : i32
        %multiple_of3A_2499 = tpu.assume_multiple %mul3A_2498, 128 : i32
        %dma_start3A_2500 = arith.constant 0 : i32
        %dma_start3A_2501 = arith.constant 0 : i32
        %dma_start3A_2502 = tpu.memref_slice %arg7[%rem3A_2472, %dma_start3A_2500, %dma_start3A_2501] : memref<6x64x128xf32, #tpu.memory_space<vmem>> -> memref<1x64x128xf32, #tpu.memory_space<vmem>>
        %dma_start3A_2503 = tpu.memref_squeeze %dma_start3A_2502 : memref<1x64x128xf32, #tpu.memory_space<vmem>> -> memref<64x128xf32, #tpu.memory_space<vmem>>
        %dma_start3A_2504 = arith.constant 0 : i32
        %dma_start3A_2505 = tpu.memref_slice %arg2[%dma_start3A_2504, %multiple_of3A_2499] : memref<64x1000000xf32, #tpu.memory_space<hbm>> -> memref<64x128xf32, #tpu.memory_space<hbm>>
        %dma_start3A_2506 = arith.constant 0 : i32
        %dma_start3A_2507 = arith.constant 0 : i32
        %dma_start3A_2508 = tpu.memref_slice %arg7[%rem3A_2472, %dma_start3A_2506, %dma_start3A_2507] : memref<6x64x128xf32, #tpu.memory_space<vmem>> -> memref<1x64x128xf32, #tpu.memory_space<vmem>>
        %dma_start3A_2509 = tpu.memref_squeeze %dma_start3A_2508 : memref<1x64x128xf32, #tpu.memory_space<vmem>> -> memref<64x128xf32, #tpu.memory_space<vmem>>
        %dma_start3A_2510 = arith.constant 0 : i32
        %dma_start3A_2511 = tpu.memref_slice %arg2[%dma_start3A_2510, %multiple_of3A_2499] : memref<64x1000000xf32, #tpu.memory_space<hbm>> -> memref<64x128xf32, #tpu.memory_space<hbm>>
        tpu.enqueue_dma source(%dma_start3A_2511 : memref<64x128xf32, #tpu.memory_space<hbm>>) target(%dma_start3A_2509 : memref<64x128xf32, #tpu.memory_space<vmem>>) target_semaphore(%arg10 : memref<!tpu.dma_semaphore, #tpu.memory_space<semaphore_mem>>)
      } else {
      }
      %dma_wait3A_2359 = arith.constant 0 : i32
      %dma_wait3A_2360 = arith.constant 0 : i32
      %dma_wait3A_2361 = arith.constant 0 : i32
      %dma_wait3A_2362 = tpu.memref_slice %arg7[%dma_wait3A_2359, %dma_wait3A_2360, %dma_wait3A_2361] : memref<6x64x128xf32, #tpu.memory_space<vmem>> -> memref<1x64x128xf32, #tpu.memory_space<vmem>>
      %dma_wait3A_2363 = tpu.memref_squeeze %dma_wait3A_2362 : memref<1x64x128xf32, #tpu.memory_space<vmem>> -> memref<64x128xf32, #tpu.memory_space<vmem>>
      %dma_wait3A_2364 = arith.constant 0 : i32
      %dma_wait3A_2365 = arith.constant 0 : i32
      %dma_wait3A_2366 = tpu.memref_slice %arg2[%dma_wait3A_2364, %dma_wait3A_2365] : memref<64x1000000xf32, #tpu.memory_space<hbm>> -> memref<64x128xf32, #tpu.memory_space<hbm>>
      %dma_wait3A_2367 = arith.constant 0 : i32
      %dma_wait3A_2368 = arith.constant 0 : i32
      %dma_wait3A_2369 = tpu.memref_slice %arg7[%dma_wait3A_2359, %dma_wait3A_2367, %dma_wait3A_2368] : memref<6x64x128xf32, #tpu.memory_space<vmem>> -> memref<1x64x128xf32, #tpu.memory_space<vmem>>
      %dma_wait3A_2370 = tpu.memref_squeeze %dma_wait3A_2369 : memref<1x64x128xf32, #tpu.memory_space<vmem>> -> memref<64x128xf32, #tpu.memory_space<vmem>>
      %dma_wait3A_2371 = arith.constant 0 : i32
      %dma_wait3A_2372 = arith.constant 0 : i32
      %dma_wait3A_2373 = tpu.memref_slice %arg2[%dma_wait3A_2371, %dma_wait3A_2372] : memref<64x1000000xf32, #tpu.memory_space<hbm>> -> memref<64x128xf32, #tpu.memory_space<hbm>>
      tpu.wait_dma2 semaphore(%arg10 : memref<!tpu.dma_semaphore, #tpu.memory_space<semaphore_mem>>) src(%dma_wait3A_2373 : memref<64x128xf32, #tpu.memory_space<hbm>>) dst(%dma_wait3A_2370 : memref<64x128xf32, #tpu.memory_space<vmem>>)
      %mul3A_2374 = arith.constant 16 : i32
      %mul3A_2375 = arith.muli %scan3A_224, %mul3A_2374 : i32
      %add3A_2376 = arith.constant 15 : i32
      %add3A_2377 = arith.addi %mul3A_2375, %add3A_2376 : i32
      %slice3A_2378 = vector.extract_strided_slice %get3A_229 {offsets = [15], sizes = [1], strides = [1]} : vector<16xi32> to vector<1xi32>
      %squeeze3A_2379 = vector.extract %slice3A_2378[0] : i32 from vector<1xi32>
      %rem3A_2380 = arith.constant 128 : i32
      %rem3A_2381 = arith.remsi %squeeze3A_2379, %rem3A_2380 : i32
      %rem3A_2382 = arith.constant 6 : i32
      %rem3A_2383 = arith.remsi %add3A_2377, %rem3A_2382 : i32
      %add3A_2384 = arith.constant 0 : i32
      %add3A_2385 = vector.broadcast %add3A_2384 : i32 to vector<16xi32>
      %add3A_2386 = arith.addi %add3A_2385, %iota3A : vector<16xi32>
      %mul3A_2387 = arith.constant 0 : i32
      %mul3A_2388 = vector.broadcast %mul3A_2387 : i32 to vector<16xi32>
      %mul3A_2389 = arith.muli %mul3A_2388, %iota3A : vector<16xi32>
      %add3A_2390 = vector.broadcast %rem3A_2381 : i32 to vector<16xi32>
      %add3A_2391 = arith.addi %add3A_2390, %mul3A_2389 : vector<16xi32>
      %gather3A_2392 = arith.constant 0 : i32
      %gather3A_2393 = arith.constant 0 : i32
      %gather3A_2394 = tpu.memref_slice %arg7[%rem3A_2383, %gather3A_2392, %gather3A_2393] : memref<6x64x128xf32, #tpu.memory_space<vmem>> -> memref<1x64x128xf32, #tpu.memory_space<vmem>>
      %gather3A_2395 = tpu.memref_squeeze %gather3A_2394 : memref<1x64x128xf32, #tpu.memory_space<vmem>> -> memref<64x128xf32, #tpu.memory_space<vmem>>
      %gather3A_2396 = tpu.vector_load_idx %gather3A_2395[%add3A_2386, %add3A_2391] : memref<64x128xf32, #tpu.memory_space<vmem>>[vector<16xi32>, vector<16xi32>], vector<16xf32>,
      %get3A_2397 = arith.index_cast %add3A_2377 : i32 to index
      %get3A_2398 = arith.constant 0 : index
      %get3A_2399 = tpu.vector_load %arg9[%get3A_2397, %get3A_2398] {strides = array<i32>} : memref<256x64xf32, #tpu.memory_space<vmem>>, vector<16xf32>,
      %add3A_2400 = arith.addf %gather3A_2396, %get3A_2399 : vector<16xf32>
      %swap3A_2401 = arith.index_cast %add3A_2377 : i32 to index
      %swap3A_2402 = arith.constant 0 : index
      %swap3A_2403 = tpu.vector_load %arg8[%swap3A_2401, %swap3A_2402] {strides = array<i32>} : memref<256x64xf32, #tpu.memory_space<vmem>>, vector<16xf32>,
      tpu.vector_store %arg8[%swap3A_2401, %swap3A_2402], %add3A_2400 {strides = array<i32>} : memref<256x64xf32, #tpu.memory_space<vmem>>, vector<16xf32>,
      %add3A_2404 = arith.constant 16 : i32
      %add3A_2405 = vector.broadcast %add3A_2404 : i32 to vector<16xi32>
      %add3A_2406 = arith.addi %add3A_2405, %iota3A : vector<16xi32>
      %mul3A_2407 = arith.constant 0 : i32
      %mul3A_2408 = vector.broadcast %mul3A_2407 : i32 to vector<16xi32>
      %mul3A_2409 = arith.muli %mul3A_2408, %iota3A : vector<16xi32>
      %add3A_2410 = vector.broadcast %rem3A_2381 : i32 to vector<16xi32>
      %add3A_2411 = arith.addi %add3A_2410, %mul3A_2409 : vector<16xi32>
      %gather3A_2412 = arith.constant 0 : i32
      %gather3A_2413 = arith.constant 0 : i32
      %gather3A_2414 = tpu.memref_slice %arg7[%rem3A_2383, %gather3A_2412, %gather3A_2413] : memref<6x64x128xf32, #tpu.memory_space<vmem>> -> memref<1x64x128xf32, #tpu.memory_space<vmem>>
      %gather3A_2415 = tpu.memref_squeeze %gather3A_2414 : memref<1x64x128xf32, #tpu.memory_space<vmem>> -> memref<64x128xf32, #tpu.memory_space<vmem>>
      %gather3A_2416 = tpu.vector_load_idx %gather3A_2415[%add3A_2406, %add3A_2411] : memref<64x128xf32, #tpu.memory_space<vmem>>[vector<16xi32>, vector<16xi32>], vector<16xf32>,
      %get3A_2417 = arith.index_cast %add3A_2377 : i32 to index
      %get3A_2418 = arith.constant 16 : index
      %get3A_2419 = tpu.vector_load %arg9[%get3A_2417, %get3A_2418] {strides = array<i32>} : memref<256x64xf32, #tpu.memory_space<vmem>>, vector<16xf32>,
      %add3A_2420 = arith.addf %gather3A_2416, %get3A_2419 : vector<16xf32>
      %swap3A_2421 = arith.index_cast %add3A_2377 : i32 to index
      %swap3A_2422 = arith.constant 16 : index
      %swap3A_2423 = tpu.vector_load %arg8[%swap3A_2421, %swap3A_2422] {strides = array<i32>} : memref<256x64xf32, #tpu.memory_space<vmem>>, vector<16xf32>,
      tpu.vector_store %arg8[%swap3A_2421, %swap3A_2422], %add3A_2420 {strides = array<i32>} : memref<256x64xf32, #tpu.memory_space<vmem>>, vector<16xf32>,
      %add3A_2424 = arith.constant 32 : i32
      %add3A_2425 = vector.broadcast %add3A_2424 : i32 to vector<16xi32>
      %add3A_2426 = arith.addi %add3A_2425, %iota3A : vector<16xi32>
      %mul3A_2427 = arith.constant 0 : i32
      %mul3A_2428 = vector.broadcast %mul3A_2427 : i32 to vector<16xi32>
      %mul3A_2429 = arith.muli %mul3A_2428, %iota3A : vector<16xi32>
      %add3A_2430 = vector.broadcast %rem3A_2381 : i32 to vector<16xi32>
      %add3A_2431 = arith.addi %add3A_2430, %mul3A_2429 : vector<16xi32>
      %gather3A_2432 = arith.constant 0 : i32
      %gather3A_2433 = arith.constant 0 : i32
      %gather3A_2434 = tpu.memref_slice %arg7[%rem3A_2383, %gather3A_2432, %gather3A_2433] : memref<6x64x128xf32, #tpu.memory_space<vmem>> -> memref<1x64x128xf32, #tpu.memory_space<vmem>>
      %gather3A_2435 = tpu.memref_squeeze %gather3A_2434 : memref<1x64x128xf32, #tpu.memory_space<vmem>> -> memref<64x128xf32, #tpu.memory_space<vmem>>
      %gather3A_2436 = tpu.vector_load_idx %gather3A_2435[%add3A_2426, %add3A_2431] : memref<64x128xf32, #tpu.memory_space<vmem>>[vector<16xi32>, vector<16xi32>], vector<16xf32>,
      %get3A_2437 = arith.index_cast %add3A_2377 : i32 to index
      %get3A_2438 = arith.constant 32 : index
      %get3A_2439 = tpu.vector_load %arg9[%get3A_2437, %get3A_2438] {strides = array<i32>} : memref<256x64xf32, #tpu.memory_space<vmem>>, vector<16xf32>,
      %add3A_2440 = arith.addf %gather3A_2436, %get3A_2439 : vector<16xf32>
      %swap3A_2441 = arith.index_cast %add3A_2377 : i32 to index
      %swap3A_2442 = arith.constant 32 : index
      %swap3A_2443 = tpu.vector_load %arg8[%swap3A_2441, %swap3A_2442] {strides = array<i32>} : memref<256x64xf32, #tpu.memory_space<vmem>>, vector<16xf32>,
      tpu.vector_store %arg8[%swap3A_2441, %swap3A_2442], %add3A_2440 {strides = array<i32>} : memref<256x64xf32, #tpu.memory_space<vmem>>, vector<16xf32>,
      %add3A_2444 = arith.constant 48 : i32
      %add3A_2445 = vector.broadcast %add3A_2444 : i32 to vector<16xi32>
      %add3A_2446 = arith.addi %add3A_2445, %iota3A : vector<16xi32>
      %mul3A_2447 = arith.constant 0 : i32
      %mul3A_2448 = vector.broadcast %mul3A_2447 : i32 to vector<16xi32>
      %mul3A_2449 = arith.muli %mul3A_2448, %iota3A : vector<16xi32>
      %add3A_2450 = vector.broadcast %rem3A_2381 : i32 to vector<16xi32>
      %add3A_2451 = arith.addi %add3A_2450, %mul3A_2449 : vector<16xi32>
      %gather3A_2452 = arith.constant 0 : i32
      %gather3A_2453 = arith.constant 0 : i32
      %gather3A_2454 = tpu.memref_slice %arg7[%rem3A_2383, %gather3A_2452, %gather3A_2453] : memref<6x64x128xf32, #tpu.memory_space<vmem>> -> memref<1x64x128xf32, #tpu.memory_space<vmem>>
      %gather3A_2455 = tpu.memref_squeeze %gather3A_2454 : memref<1x64x128xf32, #tpu.memory_space<vmem>> -> memref<64x128xf32, #tpu.memory_space<vmem>>
      %gather3A_2456 = tpu.vector_load_idx %gather3A_2455[%add3A_2446, %add3A_2451] : memref<64x128xf32, #tpu.memory_space<vmem>>[vector<16xi32>, vector<16xi32>], vector<16xf32>,
      %get3A_2457 = arith.index_cast %add3A_2377 : i32 to index
      %get3A_2458 = arith.constant 48 : index
      %get3A_2459 = tpu.vector_load %arg9[%get3A_2457, %get3A_2458] {strides = array<i32>} : memref<256x64xf32, #tpu.memory_space<vmem>>, vector<16xf32>,
      %add3A_2460 = arith.addf %gather3A_2456, %get3A_2459 : vector<16xf32>
      %swap3A_2461 = arith.index_cast %add3A_2377 : i32 to index
      %swap3A_2462 = arith.constant 48 : index
      %swap3A_2463 = tpu.vector_load %arg8[%swap3A_2461, %swap3A_2462] {strides = array<i32>} : memref<256x64xf32, #tpu.memory_space<vmem>>, vector<16xf32>,
      tpu.vector_store %arg8[%swap3A_2461, %swap3A_2462], %add3A_2460 {strides = array<i32>} : memref<256x64xf32, #tpu.memory_space<vmem>>, vector<16xf32>,
      %scan3A_2464 = arith.constant 0 : i32
      scf.yield %scan3A_2464 : i32
    }
    %scan3A_223 = arith.constant 16 : i32
    "tpu.region"() ({
      %run_scoped3A = tpu.sem_alloc : memref<!tpu.dma_semaphore, #tpu.memory_space<semaphore_mem>>
      %dma_start3A_224 = arith.constant 0 : i32
      %dma_start3A_225 = tpu.memref_slice %arg5[%mul3A_2, %dma_start3A_224] : memref<8192x64xf32, #tpu.memory_space<hbm>> -> memref<256x64xf32, #tpu.memory_space<hbm>>
      %dma_start3A_226 = arith.constant 0 : i32
      %dma_start3A_227 = tpu.memref_slice %arg5[%mul3A_2, %dma_start3A_226] : memref<8192x64xf32, #tpu.memory_space<hbm>> -> memref<256x64xf32, #tpu.memory_space<hbm>>
      tpu.enqueue_dma source(%arg8 : memref<256x64xf32, #tpu.memory_space<vmem>>) target(%dma_start3A_227 : memref<256x64xf32, #tpu.memory_space<hbm>>) target_semaphore(%run_scoped3A : memref<!tpu.dma_semaphore, #tpu.memory_space<semaphore_mem>>)
      %dma_wait3A = arith.constant 0 : i32
      %dma_wait3A_228 = tpu.memref_slice %arg5[%mul3A_2, %dma_wait3A] : memref<8192x64xf32, #tpu.memory_space<hbm>> -> memref<256x64xf32, #tpu.memory_space<hbm>>
      %dma_wait3A_229 = arith.constant 0 : i32
      %dma_wait3A_230 = tpu.memref_slice %arg5[%mul3A_2, %dma_wait3A_229] : memref<8192x64xf32, #tpu.memory_space<hbm>> -> memref<256x64xf32, #tpu.memory_space<hbm>>
      tpu.wait_dma2 semaphore(%run_scoped3A : memref<!tpu.dma_semaphore, #tpu.memory_space<semaphore_mem>>) src(%arg8 : memref<256x64xf32, #tpu.memory_space<vmem>>) dst(%dma_wait3A_230 : memref<256x64xf32, #tpu.memory_space<hbm>>)
      tpu.yield
    }) : () -> ()
    return
  }
}

</mosaic_0001>

<sc_bundles>
// kernel: kernel.3.cloned.1.call-start
scs
__scs_entry_jumppad:
0x0: {  	(pc) =	sbr.rel $0x88, $3  }
0x1: {  	(tag) =	ssettag $0x0;
	lr =	simm.s32 $0x1  }
0x2: {  	[smem:$0x3F9E] =	sst lr;
	_ =	strace $0xD0000000  }
0x3: {  	_ = 	snop  }
0x4: {  	_ = 	snop  }
0x5: {  	_ = 	snop  }
0x6: {  	_ = 	snop  }
0x7: {  	_ = 	snop  }
__scs_overlays_trampoline_lowered:
0x8: {  	[smem:$0x3FAD] =	sst s0  }
0x9: {  	[smem:$0x3FAE] =	sst s1  }
0xa: {  	[smem:$0x3FAF] =	sst s2  }
0xb: {  	[smem:$0x3FB0] =	sst s3  }
0xc: {  	[smem:$0x3FB1] =	sst s4  }
0xd: {  	[smem:$0x3FB2] =	sst s5  }
0xe: {  	[smem:$0x3FB3] =	sst s6  }
0xf: {  	[smem:$0x3FB4] =	sst s7  }
0x10: {  	[smem:$0x3FB5] =	sst s8  }
0x11: {  	[smem:$0x3FB6] =	sst s9;
	s0 =	simm.s32 @!p0 $0x0  }
0x12: {  	s1 =	sld [smem:$0x3F9C];
	s0 =	simm.s32 @p0 $0x1  }
0x13: {  	[smem:$0x3FB7] =	sst s0;
	s0 =	simm.s32 @!p1 $0x0  }
0x14: {  	s2 =	sld [smem:$0x3F9B];
	s0 =	simm.s32 @p1 $0x1  }
0x15: {  	[smem:$0x3FB8] =	sst s0;
	s0 =	simm.s32 @!p2 $0x0  }
0x16: {  	s3 =	sld [smem:$0x3FDB];
	s0 =	simm.s32 @p2 $0x1  }
0x17: {  	s4 =	simm.s32 $0x1BF5;
	[smem:$0x3FBA] =	sst s0  }
0x18: {  	s0 =	sld [smem:$0x3F9D];
	_ =	swait.ge [sflag:s4], $0x0  }
0x19: {  	s7 =	sld [smem:$0x3F9E]  }
0x1a: {  	s8 =	sadd.s32 $0xFFFFE003, lr  }
0x1b: {  	s9 =	sadd.s32 $0xFFFFFEF7, lr;
	s5 =	simm.s32 $0xFFFFFFFF;
	p2 =	slt.u32 s8, $0xFFFFF086  }
0x1c: {  	p1 =	slt.u32 s9, $0xF7A;
	s5 =	simm.s32 @!p2 $0x0  }
0x1d: {  	s5 =	simm.s32 @p1 $0x1;
	p0 =	seq.s32 s7, s2  }
0x1e: {  	s7 =	smul.u32 @!p0 $0xF7A, s2;
	p2 =	seq.s32 @!p0 s5, $0x0  }
0x1f: {  	s9 =	smul.u32 $0xF7A, s1;
	s8 =	simm.s32 @!p0 $0x1BF5;
	p2 =	por !p2, p0  }
0x20: {  	[sflag:s8] =	ssyncset.s32 @!p0 $0xFFFFF086;
	s6 =	sadd.s32 @!p0 s3, s7;
	s7 =	simm.s32 @!p0 $0x108  }
0x21: {  	s3 =	sadd.s32 s3, s9;
	s6 =	sadd.s32 @!p0 $0x88, s6;
	s7 =	simm.s32 @p2 $0x1082  }
0x22: {  	[simem:s7], [sflag:s8] =	dma.local @!p0 [hbm:s6], $0xF7A  }
0x23: {  	s9 =	sor.u32 $0xD0000000, s2;
	s6 =	simm.s32 $0x108;
	_ =	swait.ge @!p0 [sflag:s8], $0x0  }
0x24: {  	s3 =	sadd.s32 $0x88, s3;
	s6 =	simm.s32 @!p1 $0x1082;
	[sflag:s4] =	ssyncset.s32 $0xFFFFF086  }
0x25: {  	[simem:s6], [sflag:s4] =	dma.local [hbm:s3], $0xF7A  }
0x26: {  	[smem:$0x3F9E] =	sst s1;
	(tag) =	ssettag s2;
	_ =	strace s9  }
0x27: {  	s1 =	sld [smem:$0x3FAE]  }
0x28: {  	s2 =	sld [smem:$0x3FAF]  }
0x29: {  	s4 =	sld [smem:$0x3FB1]  }
0x2a: {  	p0 =	seq.s32 s5, $0x0;
	s5 =	sld [smem:$0x3FB2]  }
0x2b: {  	s6 =	sld [smem:$0x3FB3]  }
0x2c: {  	s7 =	sld [smem:$0x3FB4]  }
0x2d: {  	s3 =	simm.s32 $0x108;
	s8 =	sld [smem:$0x3FB5]  }
0x2e: {  	s3 =	simm.s32 @!p0 $0x1082;
	s9 =	sld [smem:$0x3FB6]  }
0x2f: {  	lr =	sadd.s32 s0, s3;
	s0 =	sld [smem:$0x3FAD]  }
0x30: {  	s3 =	sld [smem:$0x3FB0]  }
0x31: {  	[smem:$0x3FB9] =	sst s10  }
0x32: {  	s10 =	sld [smem:$0x3FB7];
	_ =	sdelay $0x3  }
0x33: {  	p0 =	seq.s32 s10, $0x1;
	s10 =	sld [smem:$0x3FB9];
	_ =	sdelay $0x3  }
0x34: {  	[smem:$0x3FB9] =	sst s10  }
0x35: {  	s10 =	sld [smem:$0x3FB8];
	_ =	sdelay $0x3  }
0x36: {  	p1 =	seq.s32 s10, $0x1;
	s10 =	sld [smem:$0x3FB9];
	_ =	sdelay $0x3  }
0x37: {  	[smem:$0x3FB9] =	sst s10  }
0x38: {  	s10 =	sld [smem:$0x3FBA]  }
0x39: {  	_ = 	snop;
	(pc) =	sbr.ind lr, $3  }
0x3a: {  	_ = 	snop  }
0x3b: {  	_ = 	snop  }
0x3c: {  	p2 =	seq.s32 s10, $0x1;
	s10 =	sld [smem:$0x3FB9]  }
0x3d: {  	_ =	shalt  }
0x3e: {  	_ =	shalt  }
0x3f: {  	_ =	shalt  }
0x40: {  	_ =	shalt  }
0x41: {  	_ =	shalt  }
0x42: {  	_ =	shalt  }
0x43: {  	_ =	shalt  }
0x44: {  	_ =	shalt  }
0x45: {  	_ =	shalt  }
0x46: {  	_ =	shalt  }
0x47: {  	_ =	shalt  }
0x48: {  	_ =	shalt  }
0x49: {  	_ =	shalt  }
0x4a: {  	_ =	shalt  }
0x4b: {  	_ =	shalt  }
0x4c: {  	_ =	shalt  }
0x4d: {  	_ =	shalt  }
0x4e: {  	_ =	shalt  }
0x4f: {  	_ =	shalt  }
0x50: {  	_ =	shalt  }
0x51: {  	_ =	shalt  }
0x52: {  	_ =	shalt  }
0x53: {  	_ =	shalt  }
0x54: {  	_ =	shalt  }
0x55: {  	_ =	shalt  }
0x56: {  	_ =	shalt  }
0x57: {  	_ =	shalt  }
0x58: {  	_ =	shalt  }
0x59: {  	_ =	shalt  }
0x5a: {  	_ =	shalt  }
0x5b: {  	_ =	shalt  }
0x5c: {  	_ =	shalt  }
0x5d: {  	_ =	shalt  }
0x5e: {  	_ =	shalt  }
0x5f: {  	_ =	shalt  }
0x60: {  	_ =	shalt  }
0x61: {  	_ =	shalt  }
0x62: {  	_ =	shalt  }
0x63: {  	_ =	shalt  }
0x64: {  	_ =	shalt  }
0x65: {  	_ =	shalt  }
0x66: {  	_ =	shalt  }
0x67: {  	_ =	shalt  }
0x68: {  	_ =	shalt  }
0x69: {  	_ =	shalt  }
0x6a: {  	_ =	shalt  }
0x6b: {  	_ =	shalt  }
0x6c: {  	_ =	shalt  }
0x6d: {  	_ =	shalt  }
0x6e: {  	_ =	shalt  }
0x6f: {  	_ =	shalt  }
0x70: {  	_ =	shalt  }
0x71: {  	_ =	shalt  }
0x72: {  	_ =	shalt  }
0x73: {  	_ =	shalt  }
0x74: {  	_ =	shalt  }
0x75: {  	_ =	shalt  }
0x76: {  	_ =	shalt  }
0x77: {  	_ =	shalt  }
0x78: {  	_ =	shalt  }
0x79: {  	_ =	shalt  }
0x7a: {  	_ =	shalt  }
0x7b: {  	_ =	shalt  }
0x7c: {  	_ =	shalt  }
0x7d: {  	_ =	shalt  }
0x7e: {  	_ =	shalt  }
0x7f: {  	_ =	shalt  }
0x80: {  	_ =	shalt  }
0x81: {  	_ =	shalt  }
0x82: {  	_ =	shalt  }
0x83: {  	_ =	shalt  }
0x84: {  	_ =	shalt  }
0x85: {  	_ =	shalt  }
0x86: {  	_ =	shalt  }
0x87: {  	_ =	shalt  }
.Lfunc_end0:
.L_simem_size_0:
called_computation_lowered:
.L_overlay_start_0:
0x88: {  	s2 =	sld [smem:$0x3FD9]  }
0x89: {  	s3 =	sld [smem:$0x3FFE];
	_ =	sdelay $0x1  }
0x8a: {  	s1 =	srdreg.scid  }
0x8b: {  	s0 =	sand.u32 $0x1, s1  }
0x8c: {  	s17 =	sshll.u32 s0, $0xA;
	s2 =	sadd.s32 s3, s2  }
0x8d: {  	s2 =	sadd.s32 s2, s17  }
0x8e: {  	[smem:$0x3FC5] =	sst s2  }
0x8f: {  	_ = 	snop  }
0x90: {  	s2 =	sld [smem:$0x3FC8]  }
0x91: {  	s18 =	sld [smem:$0x3FD0];
	(tm) =	ssettm $0x1  }
0x92: {  	s4 =	sld [smem:$0x3FFB];
	_ =	sdelay $0x3  }
0x93: {  	_ =	strace s4  }
0x94: {  	s4 =	sld [smem:$0x3FFC];
	_ =	sdelay $0x3  }
0x95: {  	_ =	strace s4  }
0x96: {  	s4 =	sld [smem:$0x3FFD];
	_ =	sdelay $0x3  }
0x97: {  	_ =	strace s4  }
0x98: {  	_ =	strace $0x8FFFFFFF  }
0x99: {  	s19 =	sld [smem:$0x3FDB];
	_ =	sdelay $0x1  }
0x9a: {  	s5 =	simm.s32 $_scs_section_size  }
0x9b: {  	s6 =	simm.s32 $_size__tile_overlayer_lowered;
	s7 =	simm.s32 $_tile_overlayer_lowered  }
0x9c: {  	s22 =	simm.s32 $0x1BFF;
	s21 =	sshll.u32 s7, $0x1;
	s4 =	sadd.s32 s5, s19  }
0x9d: {  	s8 =	simm.s32 $0x0;
	s20 =	sshll.u32 s6, $0x1;
	s6 =	sadd.s32 s21, s4  }
0x9e: {  	[timem:s8], [sflag:s22] =	dma.local [hbm:s6], s20  }
0x9f: {  	_ =	swait.ge [sflag:s22], s20  }
0xa0: {  	s5 =	ssub.s32 $0x0, s20;
	[sflag:s22] =	ssyncset.done $0x0  }
0xa1: {  	[sflag:s22] =	ssyncadd.s32 s5;
	_ =	sdelay $0x1  }
0xa2: {  	s23 =	simm.s32 $0x1B8B  }
0xa3: {  	_ =	swait.ge [sflag:s23], $0x1  }
0xa4: {  	[sflag:s23] =	ssyncset.done $0x0  }
0xa5: {  	s25 =	simm.s32 $0x1B8E;
	s24 =	sld [smem:$0x3FFE];
	[sflag:s23] =	ssyncadd.s32 $0xFFFFFFFF  }
0xa6: {  	s26 =	simm.s32 $execute0_lowered;
	[smem:$0x3FD2] =	sst s25  }
0xa7: {  	s6 =	sshll.u32 s26, $0x1;
	_ =	strace $0x80000046;
	[dreg:$0x1] =	wrdreg $0xFFFFFFFF  }
0xa8: {  	s28 =	simm.s32 $_size_execute0_lowered;
	s4 =	sadd.s32 s4, s6;
	[dreg:$0x0] =	wrdreg $0x0  }
0xa9: {  	s6 =	sshll.u32 s28, $0x1;
	[dreg:$0x2] =	wrdreg s4  }
0xaa: {  	[dreg:$0x3] =	wrdreg s6  }
0xab: {  	[dreg:$0x4] =	wrdreg $0xC0  }
0xac: {  	_ =	task [dreg:s8], $0x5FFFF  }
0xad: {  	[dreg:$0x1] =	wrdreg $0xFFFFFFFF  }
0xae: {  	[dreg:$0x0] =	wrdreg $0x60  }
0xaf: {  	[dreg:$0x2] =	wrdreg s2  }
0xb0: {  	[dreg:$0x3] =	wrdreg s24  }
0xb1: {  	[dreg:$0x4] =	wrdreg s18  }
0xb2: {  	[dreg:$0x5] =	wrdreg $0x9  }
0xb3: {  	_ =	task.clear_ibuf [dreg:s8], $0x6FFFF;
	_ =	strace $0x90000046  }
0xb4: {  	s29 =	simm.s32 $0x9;
	_ =	strace $0x80000048  }
0xb5: {  	_ =	swait.ge [sflag:s29], $0x1  }
0xb6: {  	[sflag:s29] =	ssyncadd.s32 $0xFFFFFFFF  }
0xb7: {  	_ =	strace $0x90000048  }
0xb8: {  	_ =	sfence  }
0xb9: {  	s30 =	sld [smem:$0x0];
	_ =	sdelay $0x2  }
0xba: {  	s31 =	sshll.u32 s1, $0xD;
	s1 =	sshrl.u32 s1, $0x2  }
0xbb: {  	s3 =	sand.u32 $0x4000, s31;
	s1 =	sadd.s32 s1, s30  }
0xbc: {  	s0 =	sor.u32 s3, s0;
	s1 =	sshll.u32 s1, $0x11  }
0xbd: {  	s0 =	sor.u32 s1, s0  }
0xbe: {  	s0 =	sadd.s32 $0x8F2B, s0  }
0xbf: {  	[sflag:s0] =	ssyncadd.remote.s32 $0x1  }
0xc0: {  	_ =	sfence.sel $0xFFFF  }
0xc1: {  	[dreg:$0x0] =	wrdreg $0xFFFFFFFF;
	(pc) =	sbr.abs _section_cstart, $3  }
0xc2: {  	[dreg:$0x1] =	wrdreg $0xFFFFFFFF  }
0xc3: {  	_ =	task.clear_ibuf [dreg:s8], $0x2FFFF;
	_ =	strace $0x9FFFFFFF  }
0xc4: {  	(tm) =	ssettm $0x7FFFFFFF  }
0xc5: {  	_ =	shalt  }
tec
execute0_lowered:
.L_overlay_start_1:
0x0: {  	(tag) =	ssettag $0x1  }
0x1: {  	s1 =	rddreg [dreg:$0x0]  }
0x2: {  	s0 =	rddreg [dreg:$0x1]  }
0x3: {  	s2 =	rddreg [dreg:$0x2]  }
0x4: {  	s3 =	srdreg.scid;
	s4 =	stileid.u32  }
0x5: {  	s7 =	simm.s32 $0x0;
	s3 =	sand.u32 $0x1, s3;
	s4 =	sshll.u32 s4, $0x1  }
0x6: {  	s10 =	simm.s32 $0x1;
	[smem:$0x7FF] =	sst s7;
	s4 =	sor.u32 s3, s4  }
0x7: {  	s11 =	simm.s32 $0x400;
	_ =	strace $0x80000047;
	s5 =	sshll.u32 s4, $0x5  }
0x8: {  	s3 =	ssub.s32 $0x2, s3;
	s4 =	sshll.u32 s4, $0xC;
	s5 =	sadd.s32 s5, s0  }
0x9: {  	s0 =	sadd.s32 s4, s0;
	s4 =	sand.u32 $0x7000, s4;
	s5 =	sadd.s32 $0x400, s5  }
0xa: {  	v0 =	vlaneseq.u32;
	s6 =	sshrl.u32 s3, $0x1;
	s2 =	sadd.s32 s2, s4;
	[dreg:$0x4] =	wrdreg s5  }
0xb: {  	v0 =	vmul.u32 $0x80, v0;
	s3 =	ssub.s32 s3, s6;
	s0 =	sadd.s32 $0x800, s0;
	[dreg:$0x5] =	wrdreg s2  }
0xc: {  	s12 =	simm.s32 $0x7A1400;
	s31 =	smax.u32 s3, $0x1;
	[dreg:$0x6] =	wrdreg s0  }
0xd: {  	s19 =	simm.s32 $0x0;
	v1 =	vor.u32 $0x800, v0;
	v2 =	vor.u32 $0x1000, v0;
	v3 =	vor.u32 $0x1800, v0;
	[dreg:$0x7] =	wrdreg s31;
	s2 =	simm.s32 $0x2  }
.LBB2_1:
0xe: {  	s0 =	rddreg [dreg:$0x4]  }
0xf: {  	[tilespmem:s7], [sflag:$0x2] =	stream.linear.gather [hbm4b:s0+s7], $0x100, $0x38;
	[tilespmem:$0x1C100] =	vst v63  }
0x10: {  	_ =	swait.ge [sflag:s2], $0x100  }
0x11: {  	[sflag:s2] =	ssyncset.done $0x0  }
0x12: {  	s3 =	simm.s32 $0x14100;
	s30 =	rddreg [dreg:$0x5];
	[sflag:s2] =	ssyncadd.s32 $0xFFFFFF00  }
0x13: {  	[tilespmem:s3], [sflag:$0x2] =	stream.linear.gather [hbm4b:s30+s7], $0x8000, $0x38;
	[tilespmem:$0x1C100] =	vst v63  }
0x14: {  	_ =	swait.ge [sflag:s2], $0x8000  }
0x15: {  	[sflag:s2] =	ssyncset.done $0x0  }
0x16: {  	[sflag:s2] =	ssyncadd.s32 $0xFFFF8000  }
0x17: {  	v4 =	vld [tilespmem:$0x0];
	_ =	sdelay $0x4  }
0x18: {  	(v2sf) =	vpush v4, $0x0;
	_ =	sdelay $0x5  }
0x19: {  	(v2sf) =	vpush v4, $0x1;
	_ =	sdelay $0x8  }
0x1a: {  	s31 =	spop (v2sf)  }
0x1b: {  	(v2sf) =	vpush v4, $0x2;
	s3 =	sand.u32 $0x7F, s31  }
0x1c: {  	s4 =	sshra.s32 s31, $0x1F;
	p0 =	slt.s32 s31, $0x1;
	p1 =	sne.s32 s3, $0x0  }
0x1d: {  	s5 =	sshrl.u32 s4, $0x19;
	p0 =	por !p0, !p1  }
0x1e: {  	s2 =	simm.s32 $0x1;
	s0 =	sadd.s32 s5, s31;
	p0 =	por !p0, !p0  }
0x1f: {  	s0 =	sshrl.u32 s0, $0x7;
	s2 =	simm.s32 @!p0 $0x0  }
0x20: {  	s6 =	simm.s32 $0x100;
	s7 =	spop (v2sf);
	s0 =	ssub.s32 s0, s2  }
0x21: {  	s8 =	sand.u32 $0x7F, s7;
	s9 =	sshra.s32 s7, $0x1F;
	s0 =	sshll.u32 s0, $0x7  }
0x22: {  	(v2sf) =	vpush v4, $0x3;
	p5 =	slt.s32 s7, $0x1;
	p6 =	sne.s32 s8, $0x0;
	s0 =	sand.u32 $0x1FFFFF80, s0  }
0x23: {  	s13 =	sshrl.u32 s9, $0x19;
	p0 =	por !p5, !p6;
	s0 =	sadd.s32 s1, s0  }
0x24: {  	[tilespmem:s6], [sflag:$0x1] =	stream.strided.gather [hbm4b:s0+s11], $0x2000, s12, s11, $0x38;
	[tilespmem:$0x1C100] =	vst v63  }
0x25: {  	p0 =	por !p0, !p0;
	s2 =	simm.s32 $0x1;
	s0 =	sadd.s32 s13, s7  }
0x26: {  	s2 =	simm.s32 @!p0 $0x0;
	s0 =	sshrl.u32 s0, $0x7  }
0x27: {  	s0 =	ssub.s32 s0, s2  }
0x28: {  	s0 =	sshll.u32 s0, $0x7  }
0x29: {  	s0 =	sand.u32 $0x1FFFFF80, s0  }
0x2a: {  	s14 =	simm.s32 $0x2100;
	s0 =	sadd.s32 s1, s0;
	s15 =	spop (v2sf)  }
0x2b: {  	[tilespmem:s14], [sflag:$0x1] =	stream.strided.gather [hbm4b:s0+s11], $0x2000, s12, s11, $0x38;
	[tilespmem:$0x1C100] =	vst v63  }
0x2c: {  	(v2sf) =	vpush v4, $0x4;
	s16 =	sand.u32 $0x7F, s15  }
0x2d: {  	s17 =	sshra.s32 s15, $0x1F;
	p1 =	slt.s32 s15, $0x1;
	p2 =	sne.s32 s16, $0x0  }
0x2e: {  	s18 =	sshrl.u32 s17, $0x19;
	p0 =	por !p1, !p2  }
0x2f: {  	s2 =	simm.s32 $0x1;
	s0 =	sadd.s32 s18, s15;
	p0 =	por !p0, !p0  }
0x30: {  	s0 =	sshrl.u32 s0, $0x7;
	s2 =	simm.s32 @!p0 $0x0  }
0x31: {  	s21 =	simm.s32 $0x4100;
	s20 =	spop (v2sf);
	s0 =	ssub.s32 s0, s2  }
0x32: {  	s22 =	sand.u32 $0x7F, s20;
	s23 =	sshra.s32 s20, $0x1F;
	s0 =	sshll.u32 s0, $0x7  }
0x33: {  	p3 =	slt.s32 s20, $0x1;
	p4 =	sne.s32 s22, $0x0;
	s0 =	sand.u32 $0x1FFFFF80, s0  }
0x34: {  	s24 =	sshrl.u32 s23, $0x19;
	p0 =	por !p3, !p4;
	s0 =	sadd.s32 s1, s0  }
0x35: {  	[tilespmem:s21], [sflag:$0x1] =	stream.strided.gather [hbm4b:s0+s11], $0x2000, s12, s11, $0x38;
	[tilespmem:$0x1C100] =	vst v63  }
0x36: {  	p0 =	por !p0, !p0;
	s2 =	simm.s32 $0x1;
	s0 =	sadd.s32 s24, s20  }
0x37: {  	s2 =	simm.s32 @!p0 $0x0;
	s0 =	sshrl.u32 s0, $0x7  }
0x38: {  	s0 =	ssub.s32 s0, s2  }
0x39: {  	s0 =	sshll.u32 s0, $0x7  }
0x3a: {  	s0 =	sand.u32 $0x1FFFFF80, s0  }
0x3b: {  	s25 =	simm.s32 $0x6100;
	s0 =	sadd.s32 s1, s0;
	s26 =	spop (v2sf)  }
0x3c: {  	[tilespmem:s25], [sflag:$0x1] =	stream.strided.gather [hbm4b:s0+s11], $0x2000, s12, s11, $0x38;
	[tilespmem:$0x1C100] =	vst v63  }
0x3d: {  	s28 =	sand.u32 $0x7F, s26  }
0x3e: {  	s29 =	sshra.s32 s26, $0x1F;
	p5 =	slt.s32 s26, $0x1;
	p6 =	sne.s32 s28, $0x0  }
0x3f: {  	s30 =	sshrl.u32 s29, $0x19;
	p0 =	por !p5, !p6  }
0x40: {  	s2 =	simm.s32 $0x1;
	s0 =	sadd.s32 s30, s26;
	p0 =	por !p0, !p0  }
0x41: {  	s0 =	sshrl.u32 s0, $0x7;
	s2 =	simm.s32 @!p0 $0x0  }
0x42: {  	s0 =	ssub.s32 s0, s2  }
0x43: {  	s31 =	simm.s32 $0x8100;
	s22 =	simm.s32 $0x1;
	s0 =	sshll.u32 s0, $0x7  }
0x44: {  	s23 =	simm.s32 $0x0;
	s20 =	simm.s32 $0x14500;
	s0 =	sand.u32 $0x1FFFFF80, s0  }
0x45: {  	s21 =	simm.s32 $0xC500;
	s24 =	simm.s32 $0x0;
	s0 =	sadd.s32 s1, s0  }
0x46: {  	[tilespmem:s31], [sflag:$0x1] =	stream.strided.gather [hbm4b:s0+s11], $0x2000, s12, s11, $0x38;
	[tilespmem:$0x1C100] =	vst v63  }
.LBB2_2:
0x47: {  	v5 =	vld [tilespmem:s23+$0x0];
	_ =	sdelay $0x4  }
0x48: {  	(v2sf) =	vpush v5, $0x5;
	_ =	sdelay $0xe  }
0x49: {  	s28 =	spop (v2sf)  }
0x4a: {  	s25 =	smul.u32 $0xAB, s24;
	s0 =	sshra.s32 s28, $0x1F  }
0x4b: {  	s0 =	sshrl.u32 s0, $0x19  }
0x4c: {  	s2 =	sadd.s32 $0x357, s25;
	s0 =	sadd.s32 s0, s28  }
0x4d: {  	s2 =	sshrl.u32 s2, $0xA;
	s29 =	sand.u32 $0xFFFFFF80, s0  }
0x4e: {  	s2 =	sand.u32 $0x3F, s2;
	p0 =	slt.s32 s28, $0x1;
	p1 =	sne.s32 s28, s29  }
0x4f: {  	s2 =	smul.u32 $0x6, s2;
	p0 =	por !p0, !p1  }
0x50: {  	s3 =	simm.s32 $0x1;
	p0 =	por !p0, !p0  }
0x51: {  	s2 =	ssub.s32 s24, s2;
	s0 =	sshrl.u32 s0, $0x7;
	s3 =	simm.s32 @!p0 $0x0  }
0x52: {  	s2 =	sadd.s32 $0x5, s2;
	s0 =	ssub.s32 s0, s3  }
0x53: {  	s2 =	sand.u32 $0xFF, s2;
	s0 =	sshll.u32 s0, $0x7  }
0x54: {  	s4 =	smin.u32 s22, $0xF;
	s2 =	sshll.u32 s2, $0xD;
	s0 =	sand.u32 $0x1FFFFF80, s0  }
0x55: {  	s26 =	sor.u32 $0x100, s2;
	s3 =	sshll.u32 s4, $0x4;
	s0 =	sadd.s32 s1, s0  }
0x56: {  	v4 =	vld [tilespmem:s3+$0x0];
	[tilespmem:s26], [sflag:$0x1] =	stream.strided.gather [hbm4b:s0+s11], $0x2000, s12, s11, $0x38  }
0x57: {  	_ =	swait.ge [sflag:s10], $0x2000  }
0x58: {  	(v2sf) =	vpush v5, $0x0;
	_ =	sdelay $0xe  }
0x59: {  	s5 =	spop (v2sf)  }
0x5a: {  	s7 =	sand.u32 $0xFF, s24;
	s6 =	sshra.s32 s5, $0x1F  }
0x5b: {  	s3 =	smul.u32 $0xAB, s7;
	s2 =	sshrl.u32 s6, $0x19  }
0x5c: {  	s2 =	sadd.s32 s2, s5  }
0x5d: {  	s3 =	sshrl.u32 s3, $0xA;
	s2 =	sand.u32 $0xFFFFFF80, s2  }
0x5e: {  	s8 =	smul.u32 $0x6, s3;
	s0 =	ssub.s32 s5, s2  }
0x5f: {  	v6 =	vadd.s32 s0, v0  }
0x60: {  	s2 =	ssub.s32 s24, s8  }
0x61: {  	[sflag:s10] =	ssyncset.done $0x0;
	s2 =	sand.u32 $0xFF, s2  }
0x62: {  	[sflag:s10] =	ssyncadd.s32 $0xFFFFE000;
	s2 =	sshll.u32 s2, $0xD  }
0x63: {  	v7 =	vld [tilespmem:s20+$0xFFFFFC00];
	s2 =	sor.u32 $0x100, s2  }
0x64: {  	v6 =	vld.idx.msk [tilespmem:v6+s2+$0x0], $0xffff;
	_ =	sdelay $0x2  }
0x65: {  	v8 =	vadd.s32 s0, v1;
	_ =	sdelay $0x1  }
0x66: {  	v6 =	vadd.f32 v7, v6;
	_ =	sdelay $0x1  }
0x67: {  	(v2sf) =	vpush v5, $0x6;
	[tilespmem:s21+$0xFFFFFC00] =	vst v6  }
0x68: {  	v6 =	vld.idx.msk [tilespmem:v8+s2+$0x0], $0xffff  }
0x69: {  	v57 =	vld [tilespmem:s20+$0xFFFFFC10];
	_ =	sdelay $0x2  }
0x6a: {  	v58 =	vadd.s32 s0, v2;
	_ =	sdelay $0x1  }
0x6b: {  	v6 =	vadd.f32 v57, v6;
	_ =	sdelay $0x1  }
0x6c: {  	[tilespmem:s21+$0xFFFFFC10] =	vst v6  }
0x6d: {  	v6 =	vld.idx.msk [tilespmem:v58+s2+$0x0], $0xffff  }
0x6e: {  	v59 =	vld [tilespmem:s20+$0xFFFFFC20];
	_ =	sdelay $0x2  }
0x6f: {  	v60 =	vadd.s32 s0, v3  }
0x70: {  	s31 =	spop (v2sf)  }
0x71: {  	s9 =	sshra.s32 s31, $0x1F;
	v6 =	vadd.f32 v59, v6  }
0x72: {  	s0 =	sshrl.u32 s9, $0x19  }
0x73: {  	s13 =	sadd.s32 $0x402, s25;
	s4 =	sadd.s32 s0, s31;
	[tilespmem:s21+$0xFFFFFC20] =	vst v6  }
0x74: {  	s14 =	sshrl.u32 s13, $0xA;
	s0 =	sand.u32 $0xFFFFFF80, s4;
	v6 =	vld.idx.msk [tilespmem:v60+s2+$0x0], $0xffff  }
0x75: {  	p5 =	slt.s32 s31, $0x1;
	p6 =	sne.s32 s31, s0;
	v61 =	vld [tilespmem:s20+$0xFFFFFC30];
	s2 =	sand.u32 $0x3F, s14  }
0x76: {  	p0 =	por !p5, !p6;
	s2 =	smul.u32 $0x6, s2  }
0x77: {  	s3 =	simm.s32 $0x1;
	p0 =	por !p0, !p0  }
0x78: {  	s4 =	sshrl.u32 s4, $0x7;
	s3 =	simm.s32 @!p0 $0x0;
	s2 =	ssub.s32 s24, s2  }
0x79: {  	s3 =	ssub.s32 s4, s3;
	s2 =	sadd.s32 $0x6, s2  }
0x7a: {  	s3 =	sshll.u32 s3, $0x7;
	v6 =	vadd.f32 v61, v6;
	s2 =	sand.u32 $0xFF, s2  }
0x7b: {  	s3 =	sand.u32 $0x1FFFFF80, s3;
	s2 =	sshll.u32 s2, $0xD  }
0x7c: {  	s15 =	sadd.s32 s1, s3;
	[tilespmem:s21+$0xFFFFFC30] =	vst v6;
	s30 =	sor.u32 $0x100, s2  }
0x7d: {  	[tilespmem:s30], [sflag:$0x1] =	stream.strided.gather [hbm4b:s15+s11], $0x2000, s12, s11, $0x38;
	[tilespmem:$0x1C100] =	vst v63  }
0x7e: {  	_ =	swait.ge [sflag:s10], $0x2000  }
0x7f: {  	(v2sf) =	vpush v5, $0x1;
	_ =	sdelay $0xe  }
0x80: {  	s16 =	spop (v2sf)  }
0x81: {  	s18 =	sadd.s32 $0xAB, s25;
	s17 =	sshra.s32 s16, $0x1F  }
0x82: {  	s4 =	sshrl.u32 s18, $0xA;
	s3 =	sshrl.u32 s17, $0x19  }
0x83: {  	s4 =	sand.u32 $0x3F, s4;
	s3 =	sadd.s32 s3, s16  }
0x84: {  	s4 =	smul.u32 $0x6, s4;
	s3 =	sand.u32 $0xFFFFFF80, s3  }
0x85: {  	s2 =	ssub.s32 s16, s3  }
0x86: {  	s5 =	ssub.s32 s24, s4;
	v62 =	vadd.s32 s2, v0  }
0x87: {  	s3 =	sadd.s32 $0x1, s5  }
0x88: {  	[sflag:s10] =	ssyncset.done $0x0;
	s3 =	sand.u32 $0xFF, s3  }
0x89: {  	[sflag:s10] =	ssyncadd.s32 $0xFFFFE000;
	s3 =	sshll.u32 s3, $0xD  }
0x8a: {  	v63 =	vld [tilespmem:s20+$0xFFFFFC80];
	s3 =	sor.u32 $0x100, s3  }
0x8b: {  	v6 =	vld.idx.msk [tilespmem:v62+s3+$0x0], $0xffff;
	_ =	sdelay $0x2  }
0x8c: {  	v12 =	vadd.s32 s2, v1;
	_ =	sdelay $0x1  }
0x8d: {  	v6 =	vadd.f32 v63, v6;
	_ =	sdelay $0x1  }
0x8e: {  	(v2sf) =	vpush v5, $0x7;
	[tilespmem:s21+$0xFFFFFC80] =	vst v6  }
0x8f: {  	v6 =	vld.idx.msk [tilespmem:v12+s3+$0x0], $0xffff  }
0x90: {  	v13 =	vld [tilespmem:s20+$0xFFFFFC90];
	_ =	sdelay $0x2  }
0x91: {  	v14 =	vadd.s32 s2, v2;
	_ =	sdelay $0x1  }
0x92: {  	v6 =	vadd.f32 v13, v6;
	_ =	sdelay $0x1  }
0x93: {  	[tilespmem:s21+$0xFFFFFC90] =	vst v6  }
0x94: {  	v6 =	vld.idx.msk [tilespmem:v14+s3+$0x0], $0xffff  }
0x95: {  	v15 =	vld [tilespmem:s20+$0xFFFFFCA0];
	_ =	sdelay $0x2  }
0x96: {  	v16 =	vadd.s32 s2, v3  }
0x97: {  	s9 =	spop (v2sf)  }
0x98: {  	s6 =	sshra.s32 s9, $0x1F;
	v6 =	vadd.f32 v15, v6  }
0x99: {  	s2 =	sshrl.u32 s6, $0x19  }
0x9a: {  	s7 =	sadd.s32 $0x4AD, s25;
	s2 =	sadd.s32 s2, s9;
	[tilespmem:s21+$0xFFFFFCA0] =	vst v6  }
0x9b: {  	s8 =	sshrl.u32 s7, $0xA;
	s13 =	sand.u32 $0xFFFFFF80, s2;
	v6 =	vld.idx.msk [tilespmem:v16+s3+$0x0], $0xffff  }
0x9c: {  	p1 =	slt.s32 s9, $0x1;
	p2 =	sne.s32 s9, s13;
	v17 =	vld [tilespmem:s20+$0xFFFFFCB0];
	s3 =	sand.u32 $0x3F, s8  }
0x9d: {  	p0 =	por !p1, !p2;
	s3 =	smul.u32 $0x6, s3  }
0x9e: {  	s4 =	simm.s32 $0x1;
	p0 =	por !p0, !p0  }
0x9f: {  	s2 =	sshrl.u32 s2, $0x7;
	s4 =	simm.s32 @!p0 $0x0;
	s3 =	ssub.s32 s24, s3  }
0xa0: {  	s2 =	ssub.s32 s2, s4;
	s3 =	sadd.s32 $0x7, s3  }
0xa1: {  	s2 =	sshll.u32 s2, $0x7;
	v6 =	vadd.f32 v17, v6;
	s3 =	sand.u32 $0xFF, s3  }
0xa2: {  	s14 =	sand.u32 $0x1FFFFF80, s2;
	s3 =	sshll.u32 s3, $0xD  }
0xa3: {  	s15 =	sadd.s32 s1, s14;
	[tilespmem:s21+$0xFFFFFCB0] =	vst v6;
	s2 =	sor.u32 $0x100, s3  }
0xa4: {  	[tilespmem:s2], [sflag:$0x1] =	stream.strided.gather [hbm4b:s15+s11], $0x2000, s12, s11, $0x38;
	[tilespmem:$0x1C100] =	vst v63  }
0xa5: {  	_ =	swait.ge [sflag:s10], $0x2000  }
0xa6: {  	(v2sf) =	vpush v5, $0x2;
	_ =	sdelay $0xe  }
0xa7: {  	s16 =	spop (v2sf)  }
0xa8: {  	s5 =	sadd.s32 $0x156, s25;
	s17 =	sshra.s32 s16, $0x1F  }
0xa9: {  	s5 =	sshrl.u32 s5, $0xA;
	s4 =	sshrl.u32 s17, $0x19  }
0xaa: {  	s5 =	sand.u32 $0x3F, s5;
	s4 =	sadd.s32 s4, s16  }
0xab: {  	s5 =	smul.u32 $0x6, s5;
	s4 =	sand.u32 $0xFFFFFF80, s4  }
0xac: {  	s3 =	ssub.s32 s16, s4  }
0xad: {  	s18 =	ssub.s32 s24, s5;
	v18 =	vadd.s32 s3, v0  }
0xae: {  	s4 =	sadd.s32 $0x2, s18  }
0xaf: {  	[sflag:s10] =	ssyncset.done $0x0;
	s4 =	sand.u32 $0xFF, s4  }
0xb0: {  	[sflag:s10] =	ssyncadd.s32 $0xFFFFE000;
	s4 =	sshll.u32 s4, $0xD  }
0xb1: {  	v19 =	vld [tilespmem:s20+$0xFFFFFD00];
	s4 =	sor.u32 $0x100, s4  }
0xb2: {  	v6 =	vld.idx.msk [tilespmem:v18+s4+$0x0], $0xffff;
	_ =	sdelay $0x2  }
0xb3: {  	v20 =	vadd.s32 s3, v1;
	_ =	sdelay $0x1  }
0xb4: {  	v6 =	vadd.f32 v19, v6;
	_ =	sdelay $0x1  }
0xb5: {  	(v2sf) =	vpush v5, $0x8;
	[tilespmem:s21+$0xFFFFFD00] =	vst v6  }
0xb6: {  	v6 =	vld.idx.msk [tilespmem:v20+s4+$0x0], $0xffff  }
0xb7: {  	v21 =	vld [tilespmem:s20+$0xFFFFFD10];
	_ =	sdelay $0x2  }
0xb8: {  	v22 =	vadd.s32 s3, v2;
	_ =	sdelay $0x1  }
0xb9: {  	v6 =	vadd.f32 v21, v6;
	_ =	sdelay $0x1  }
0xba: {  	[tilespmem:s21+$0xFFFFFD10] =	vst v6  }
0xbb: {  	v6 =	vld.idx.msk [tilespmem:v22+s4+$0x0], $0xffff  }
0xbc: {  	v23 =	vld [tilespmem:s20+$0xFFFFFD20];
	_ =	sdelay $0x2  }
0xbd: {  	v24 =	vadd.s32 s3, v3  }
0xbe: {  	s15 =	spop (v2sf)  }
0xbf: {  	s5 =	sshra.s32 s15, $0x1F;
	v6 =	vadd.f32 v23, v6  }
0xc0: {  	s3 =	sshrl.u32 s5, $0x19  }
0xc1: {  	s6 =	sadd.s32 $0x558, s25;
	s3 =	sadd.s32 s3, s15;
	[tilespmem:s21+$0xFFFFFD20] =	vst v6  }
0xc2: {  	s7 =	sshrl.u32 s6, $0xA;
	s16 =	sand.u32 $0xFFFFFF80, s3;
	v6 =	vld.idx.msk [tilespmem:v24+s4+$0x0], $0xffff  }
0xc3: {  	p3 =	slt.s32 s15, $0x1;
	p4 =	sne.s32 s15, s16;
	v25 =	vld [tilespmem:s20+$0xFFFFFD30];
	s4 =	sand.u32 $0x3F, s7  }
0xc4: {  	p0 =	por !p3, !p4;
	s4 =	smul.u32 $0x6, s4  }
0xc5: {  	s5 =	simm.s32 $0x1;
	p0 =	por !p0, !p0  }
0xc6: {  	s3 =	sshrl.u32 s3, $0x7;
	s5 =	simm.s32 @!p0 $0x0;
	s4 =	ssub.s32 s24, s4  }
0xc7: {  	s3 =	ssub.s32 s3, s5;
	s4 =	sadd.s32 $0x8, s4  }
0xc8: {  	s3 =	sshll.u32 s3, $0x7;
	v6 =	vadd.f32 v25, v6;
	s4 =	sand.u32 $0xFF, s4  }
0xc9: {  	s3 =	sand.u32 $0x1FFFFF80, s3;
	s4 =	sshll.u32 s4, $0xD  }
0xca: {  	s3 =	sadd.s32 s1, s3;
	[tilespmem:s21+$0xFFFFFD30] =	vst v6;
	s14 =	sor.u32 $0x100, s4  }
0xcb: {  	[tilespmem:s14], [sflag:$0x1] =	stream.strided.gather [hbm4b:s3+s11], $0x2000, s12, s11, $0x38;
	[tilespmem:$0x1C100] =	vst v63  }
0xcc: {  	_ =	swait.ge [sflag:s10], $0x2000  }
0xcd: {  	(v2sf) =	vpush v5, $0x3;
	_ =	sdelay $0xe  }
0xce: {  	s8 =	spop (v2sf)  }
0xcf: {  	s18 =	sadd.s32 $0x201, s25;
	s17 =	sshra.s32 s8, $0x1F  }
0xd0: {  	s5 =	sshrl.u32 s18, $0xA;
	s4 =	sshrl.u32 s17, $0x19  }
0xd1: {  	s5 =	sand.u32 $0x3F, s5;
	s4 =	sadd.s32 s4, s8  }
0xd2: {  	s5 =	smul.u32 $0x6, s5;
	s4 =	sand.u32 $0xFFFFFF80, s4  }
0xd3: {  	s3 =	ssub.s32 s8, s4  }
0xd4: {  	s5 =	ssub.s32 s24, s5;
	v26 =	vadd.s32 s3, v0  }
0xd5: {  	s4 =	sadd.s32 $0x3, s5  }
0xd6: {  	[sflag:s10] =	ssyncset.done $0x0;
	s4 =	sand.u32 $0xFF, s4  }
0xd7: {  	[sflag:s10] =	ssyncadd.s32 $0xFFFFE000;
	s4 =	sshll.u32 s4, $0xD  }
0xd8: {  	v27 =	vld [tilespmem:s20+$0xFFFFFD80];
	s4 =	sor.u32 $0x100, s4  }
0xd9: {  	v6 =	vld.idx.msk [tilespmem:v26+s4+$0x0], $0xffff;
	_ =	sdelay $0x2  }
0xda: {  	v28 =	vadd.s32 s3, v1;
	_ =	sdelay $0x1  }
0xdb: {  	v6 =	vadd.f32 v27, v6;
	_ =	sdelay $0x1  }
0xdc: {  	(v2sf) =	vpush v5, $0x9;
	[tilespmem:s21+$0xFFFFFD80] =	vst v6  }
0xdd: {  	v6 =	vld.idx.msk [tilespmem:v28+s4+$0x0], $0xffff  }
0xde: {  	v29 =	vld [tilespmem:s20+$0xFFFFFD90];
	_ =	sdelay $0x2  }
0xdf: {  	v30 =	vadd.s32 s3, v2;
	_ =	sdelay $0x1  }
0xe0: {  	v6 =	vadd.f32 v29, v6;
	_ =	sdelay $0x1  }
0xe1: {  	[tilespmem:s21+$0xFFFFFD90] =	vst v6  }
0xe2: {  	v6 =	vld.idx.msk [tilespmem:v30+s4+$0x0], $0xffff  }
0xe3: {  	v31 =	vld [tilespmem:s20+$0xFFFFFDA0];
	_ =	sdelay $0x2  }
0xe4: {  	v32 =	vadd.s32 s3, v3  }
0xe5: {  	s18 =	spop (v2sf)  }
0xe6: {  	s6 =	sshra.s32 s18, $0x1F;
	v6 =	vadd.f32 v31, v6  }
0xe7: {  	s3 =	sshrl.u32 s6, $0x19  }
0xe8: {  	s7 =	sadd.s32 $0x603, s25;
	s3 =	sadd.s32 s3, s18;
	[tilespmem:s21+$0xFFFFFDA0] =	vst v6  }
0xe9: {  	s5 =	sshrl.u32 s7, $0xA;
	v6 =	vld.idx.msk [tilespmem:v32+s4+$0x0], $0xffff;
	s4 =	sand.u32 $0xFFFFFF80, s3  }
0xea: {  	s5 =	sand.u32 $0x3F, s5;
	p5 =	slt.s32 s18, $0x1;
	v33 =	vld [tilespmem:s20+$0xFFFFFDB0];
	p6 =	sne.s32 s18, s4  }
0xeb: {  	s5 =	smul.u32 $0x6, s5;
	p0 =	por !p5, !p6  }
0xec: {  	s6 =	simm.s32 $0x1;
	p0 =	por !p0, !p0  }
0xed: {  	s5 =	ssub.s32 s24, s5;
	s3 =	sshrl.u32 s3, $0x7;
	s6 =	simm.s32 @!p0 $0x0  }
0xee: {  	s5 =	sadd.s32 $0x9, s5;
	s3 =	ssub.s32 s3, s6  }
0xef: {  	s5 =	sand.u32 $0xFF, s5;
	v6 =	vadd.f32 v33, v6;
	s3 =	sshll.u32 s3, $0x7  }
0xf0: {  	s5 =	sshll.u32 s5, $0xD;
	s3 =	sand.u32 $0x1FFFFF80, s3  }
0xf1: {  	s17 =	sor.u32 $0x100, s5;
	[tilespmem:s21+$0xFFFFFDB0] =	vst v6;
	s3 =	sadd.s32 s1, s3  }
0xf2: {  	[tilespmem:s17], [sflag:$0x1] =	stream.strided.gather [hbm4b:s3+s11], $0x2000, s12, s11, $0x38;
	[tilespmem:$0x1C100] =	vst v63  }
0xf3: {  	_ =	swait.ge [sflag:s10], $0x2000  }
0xf4: {  	(v2sf) =	vpush v5, $0x4;
	_ =	sdelay $0xe  }
0xf5: {  	s8 =	spop (v2sf)  }
0xf6: {  	s7 =	sadd.s32 $0x2AC, s25;
	s6 =	sshra.s32 s8, $0x1F  }
0xf7: {  	s5 =	sshrl.u32 s6, $0x19;
	s6 =	sshrl.u32 s7, $0xA  }
0xf8: {  	s5 =	sadd.s32 s5, s8;
	s6 =	sand.u32 $0x3F, s6  }
0xf9: {  	s5 =	sand.u32 $0xFFFFFF80, s5;
	s6 =	smul.u32 $0x6, s6  }
0xfa: {  	s3 =	ssub.s32 s8, s5  }
0xfb: {  	s8 =	ssub.s32 s24, s6;
	v34 =	vadd.s32 s3, v0  }
0xfc: {  	s5 =	sadd.s32 $0x4, s8  }
0xfd: {  	[sflag:s10] =	ssyncset.done $0x0;
	s5 =	sand.u32 $0xFF, s5  }
0xfe: {  	[sflag:s10] =	ssyncadd.s32 $0xFFFFE000;
	s5 =	sshll.u32 s5, $0xD  }
0xff: {  	v35 =	vld [tilespmem:s20+$0xFFFFFE00];
	s5 =	sor.u32 $0x100, s5  }
0x100: {  	v6 =	vld.idx.msk [tilespmem:v34+s5+$0x0], $0xffff;
	_ =	sdelay $0x2  }
0x101: {  	v36 =	vadd.s32 s3, v1;
	_ =	sdelay $0x1  }
0x102: {  	v6 =	vadd.f32 v35, v6;
	_ =	sdelay $0x1  }
0x103: {  	(v2sf) =	vpush v5, $0xA;
	[tilespmem:s21+$0xFFFFFE00] =	vst v6  }
0x104: {  	v6 =	vld.idx.msk [tilespmem:v36+s5+$0x0], $0xffff  }
0x105: {  	v37 =	vld [tilespmem:s20+$0xFFFFFE10];
	_ =	sdelay $0x2  }
0x106: {  	v38 =	vadd.s32 s3, v2;
	_ =	sdelay $0x1  }
0x107: {  	v6 =	vadd.f32 v37, v6;
	_ =	sdelay $0x1  }
0x108: {  	[tilespmem:s21+$0xFFFFFE10] =	vst v6  }
0x109: {  	v6 =	vld.idx.msk [tilespmem:v38+s5+$0x0], $0xffff  }
0x10a: {  	v39 =	vld [tilespmem:s20+$0xFFFFFE20];
	_ =	sdelay $0x2  }
0x10b: {  	v40 =	vadd.s32 s3, v3  }
0x10c: {  	s7 =	spop (v2sf)  }
0x10d: {  	s6 =	sshra.s32 s7, $0x1F;
	v6 =	vadd.f32 v39, v6  }
0x10e: {  	s3 =	sshrl.u32 s6, $0x19  }
0x10f: {  	s8 =	sadd.s32 $0x6AE, s25;
	s3 =	sadd.s32 s3, s7;
	[tilespmem:s21+$0xFFFFFE20] =	vst v6  }
0x110: {  	s6 =	sshrl.u32 s8, $0xA;
	s8 =	sand.u32 $0xFFFFFF80, s3;
	v6 =	vld.idx.msk [tilespmem:v40+s5+$0x0], $0xffff  }
0x111: {  	p1 =	slt.s32 s7, $0x1;
	p2 =	sne.s32 s7, s8;
	v41 =	vld [tilespmem:s20+$0xFFFFFE30];
	s5 =	sand.u32 $0x3F, s6  }
0x112: {  	p0 =	por !p1, !p2;
	s5 =	smul.u32 $0x6, s5  }
0x113: {  	p0 =	por !p0, !p0;
	s6 =	simm.s32 $0x1  }
0x114: {  	s3 =	sshrl.u32 s3, $0x7;
	s6 =	simm.s32 @!p0 $0x0;
	s5 =	ssub.s32 s24, s5  }
0x115: {  	s3 =	ssub.s32 s3, s6;
	s5 =	sadd.s32 $0xA, s5  }
0x116: {  	s3 =	sshll.u32 s3, $0x7;
	v6 =	vadd.f32 v41, v6;
	s5 =	sand.u32 $0xFF, s5  }
0x117: {  	s28 =	ssub.s32 s28, s29;
	s3 =	sand.u32 $0x1FFFFF80, s3;
	s5 =	sshll.u32 s5, $0xD  }
0x118: {  	v42 =	vadd.s32 s28, v0;
	s3 =	sadd.s32 s1, s3;
	[tilespmem:s21+$0xFFFFFE30] =	vst v6;
	s5 =	sor.u32 $0x100, s5  }
0x119: {  	[tilespmem:s5], [sflag:$0x1] =	stream.strided.gather [hbm4b:s3+s11], $0x2000, s12, s11, $0x38;
	[tilespmem:$0x1C100] =	vst v63  }
0x11a: {  	_ =	swait.ge [sflag:s10], $0x2000  }
0x11b: {  	[sflag:s10] =	ssyncset.done $0x0  }
0x11c: {  	[sflag:s10] =	ssyncadd.s32 $0xFFFFE000  }
0x11d: {  	v6 =	vld.idx.msk [tilespmem:v42+s26+$0x0], $0xffff  }
0x11e: {  	v43 =	vld [tilespmem:s20+$0xFFFFFE80];
	_ =	sdelay $0x2  }
0x11f: {  	v44 =	vadd.s32 s28, v1;
	_ =	sdelay $0x1  }
0x120: {  	v6 =	vadd.f32 v43, v6;
	_ =	sdelay $0x1  }
0x121: {  	(v2sf) =	vpush v5, $0xB;
	[tilespmem:s21+$0xFFFFFE80] =	vst v6  }
0x122: {  	v6 =	vld.idx.msk [tilespmem:v44+s26+$0x0], $0xffff  }
0x123: {  	v45 =	vld [tilespmem:s20+$0xFFFFFE90];
	_ =	sdelay $0x2  }
0x124: {  	v46 =	vadd.s32 s28, v2;
	_ =	sdelay $0x1  }
0x125: {  	v6 =	vadd.f32 v45, v6;
	_ =	sdelay $0x1  }
0x126: {  	[tilespmem:s21+$0xFFFFFE90] =	vst v6  }
0x127: {  	v6 =	vld.idx.msk [tilespmem:v46+s26+$0x0], $0xffff  }
0x128: {  	v47 =	vld [tilespmem:s20+$0xFFFFFEA0];
	_ =	sdelay $0x2  }
0x129: {  	v48 =	vadd.s32 s28, v3  }
0x12a: {  	s6 =	spop (v2sf)  }
0x12b: {  	s29 =	sshra.s32 s6, $0x1F;
	v6 =	vadd.f32 v47, v6  }
0x12c: {  	s3 =	sshrl.u32 s29, $0x19  }
0x12d: {  	s28 =	sadd.s32 $0x759, s25;
	s29 =	sadd.s32 s3, s6;
	[tilespmem:s21+$0xFFFFFEA0] =	vst v6  }
0x12e: {  	s28 =	sshrl.u32 s28, $0xA;
	s3 =	sand.u32 $0xFFFFFF80, s29;
	v6 =	vld.idx.msk [tilespmem:v48+s26+$0x0], $0xffff  }
0x12f: {  	p3 =	slt.s32 s6, $0x1;
	p4 =	sne.s32 s6, s3;
	v49 =	vld [tilespmem:s20+$0xFFFFFEB0];
	s26 =	sand.u32 $0x3F, s28  }
0x130: {  	p0 =	por !p3, !p4;
	s26 =	smul.u32 $0x6, s26  }
0x131: {  	p0 =	por !p0, !p0;
	s28 =	simm.s32 $0x1  }
0x132: {  	s29 =	sshrl.u32 s29, $0x7;
	s28 =	simm.s32 @!p0 $0x0;
	s26 =	ssub.s32 s24, s26  }
0x133: {  	s28 =	ssub.s32 s29, s28;
	s26 =	sadd.s32 $0xB, s26  }
0x134: {  	s28 =	sshll.u32 s28, $0x7;
	v6 =	vadd.f32 v49, v6;
	s26 =	sand.u32 $0xFF, s26  }
0x135: {  	s0 =	ssub.s32 s31, s0;
	s28 =	sand.u32 $0x1FFFFF80, s28;
	s26 =	sshll.u32 s26, $0xD  }
0x136: {  	v50 =	vadd.s32 s0, v0;
	s28 =	sadd.s32 s1, s28;
	[tilespmem:s21+$0xFFFFFEB0] =	vst v6;
	s26 =	sor.u32 $0x100, s26  }
0x137: {  	[tilespmem:s26], [sflag:$0x1] =	stream.strided.gather [hbm4b:s28+s11], $0x2000, s12, s11, $0x38;
	[tilespmem:$0x1C100] =	vst v63  }
0x138: {  	_ =	swait.ge [sflag:s10], $0x2000  }
0x139: {  	[sflag:s10] =	ssyncset.done $0x0  }
0x13a: {  	[sflag:s10] =	ssyncadd.s32 $0xFFFFE000  }
0x13b: {  	v6 =	vld.idx.msk [tilespmem:v50+s30+$0x0], $0xffff  }
0x13c: {  	v51 =	vld [tilespmem:s20+$0xFFFFFF00];
	_ =	sdelay $0x2  }
0x13d: {  	v52 =	vadd.s32 s0, v1;
	_ =	sdelay $0x1  }
0x13e: {  	v6 =	vadd.f32 v51, v6;
	_ =	sdelay $0x1  }
0x13f: {  	(v2sf) =	vpush v5, $0xC;
	[tilespmem:s21+$0xFFFFFF00] =	vst v6  }
0x140: {  	v6 =	vld.idx.msk [tilespmem:v52+s30+$0x0], $0xffff  }
0x141: {  	v53 =	vld [tilespmem:s20+$0xFFFFFF10];
	_ =	sdelay $0x2  }
0x142: {  	v54 =	vadd.s32 s0, v2;
	_ =	sdelay $0x1  }
0x143: {  	v6 =	vadd.f32 v53, v6;
	_ =	sdelay $0x1  }
0x144: {  	[tilespmem:s21+$0xFFFFFF10] =	vst v6  }
0x145: {  	v6 =	vld.idx.msk [tilespmem:v54+s30+$0x0], $0xffff  }
0x146: {  	v55 =	vld [tilespmem:s20+$0xFFFFFF20];
	_ =	sdelay $0x2  }
0x147: {  	v56 =	vadd.s32 s0, v3  }
0x148: {  	s29 =	spop (v2sf)  }
0x149: {  	s28 =	sshra.s32 s29, $0x1F;
	v6 =	vadd.f32 v55, v6  }
0x14a: {  	s0 =	sshrl.u32 s28, $0x19  }
0x14b: {  	s31 =	sadd.s32 $0x804, s25;
	s0 =	sadd.s32 s0, s29;
	[tilespmem:s21+$0xFFFFFF20] =	vst v6  }
0x14c: {  	s28 =	sshrl.u32 s31, $0xA;
	s31 =	sand.u32 $0xFFFFFF80, s0;
	v6 =	vld.idx.msk [tilespmem:v56+s30+$0x0], $0xffff  }
0x14d: {  	p5 =	slt.s32 s29, $0x1;
	s28 =	sand.u32 $0x3F, s28;
	p6 =	sne.s32 s29, s31;
	v57 =	vld [tilespmem:s20+$0xFFFFFF30]  }
0x14e: {  	s28 =	smul.u32 $0x6, s28;
	p0 =	por !p5, !p6  }
0x14f: {  	p0 =	por !p0, !p0;
	s30 =	simm.s32 $0x1  }
0x150: {  	s0 =	sshrl.u32 s0, $0x7;
	s28 =	ssub.s32 s24, s28;
	s30 =	simm.s32 @!p0 $0x0  }
0x151: {  	s28 =	sadd.s32 $0xC, s28;
	s0 =	ssub.s32 s0, s30  }
0x152: {  	s28 =	sand.u32 $0xFF, s28;
	s0 =	sshll.u32 s0, $0x7;
	v6 =	vadd.f32 v57, v6  }
0x153: {  	s9 =	ssub.s32 s9, s13;
	s30 =	sshll.u32 s28, $0xD;
	s0 =	sand.u32 $0x1FFFFF80, s0  }
0x154: {  	v58 =	vadd.s32 s9, v0;
	s13 =	sor.u32 $0x100, s30;
	s0 =	sadd.s32 s1, s0;
	[tilespmem:s21+$0xFFFFFF30] =	vst v6  }
0x155: {  	[tilespmem:s13], [sflag:$0x1] =	stream.strided.gather [hbm4b:s0+s11], $0x2000, s12, s11, $0x38;
	[tilespmem:$0x1C100] =	vst v63  }
0x156: {  	_ =	swait.ge [sflag:s10], $0x2000  }
0x157: {  	[sflag:s10] =	ssyncset.done $0x0  }
0x158: {  	[sflag:s10] =	ssyncadd.s32 $0xFFFFE000  }
0x159: {  	v6 =	vld.idx.msk [tilespmem:v58+s2+$0x0], $0xffff  }
0x15a: {  	v59 =	vld [tilespmem:s20+$0xFFFFFF80];
	_ =	sdelay $0x2  }
0x15b: {  	v60 =	vadd.s32 s9, v1;
	_ =	sdelay $0x1  }
0x15c: {  	v6 =	vadd.f32 v59, v6;
	_ =	sdelay $0x1  }
0x15d: {  	(v2sf) =	vpush v5, $0xD;
	[tilespmem:s21+$0xFFFFFF80] =	vst v6  }
0x15e: {  	v6 =	vld.idx.msk [tilespmem:v60+s2+$0x0], $0xffff  }
0x15f: {  	v61 =	vld [tilespmem:s20+$0xFFFFFF90];
	_ =	sdelay $0x2  }
0x160: {  	v62 =	vadd.s32 s9, v2;
	_ =	sdelay $0x1  }
0x161: {  	v6 =	vadd.f32 v61, v6;
	_ =	sdelay $0x1  }
0x162: {  	[tilespmem:s21+$0xFFFFFF90] =	vst v6  }
0x163: {  	v6 =	vld.idx.msk [tilespmem:v62+s2+$0x0], $0xffff  }
0x164: {  	v63 =	vld [tilespmem:s20+$0xFFFFFFA0];
	_ =	sdelay $0x2  }
0x165: {  	v12 =	vadd.s32 s9, v3  }
0x166: {  	s28 =	spop (v2sf)  }
0x167: {  	s9 =	sshra.s32 s28, $0x1F;
	v6 =	vadd.f32 v63, v6  }
0x168: {  	s0 =	sshrl.u32 s9, $0x19  }
0x169: {  	s30 =	sadd.s32 $0x8AF, s25;
	s0 =	sadd.s32 s0, s28;
	[tilespmem:s21+$0xFFFFFFA0] =	vst v6  }
0x16a: {  	s9 =	sshrl.u32 s30, $0xA;
	s30 =	sand.u32 $0xFFFFFF80, s0;
	v6 =	vld.idx.msk [tilespmem:v12+s2+$0x0], $0xffff  }
0x16b: {  	p1 =	slt.s32 s28, $0x1;
	p2 =	sne.s32 s28, s30;
	v13 =	vld [tilespmem:s20+$0xFFFFFFB0];
	s2 =	sand.u32 $0x3F, s9  }
0x16c: {  	p0 =	por !p1, !p2;
	s2 =	smul.u32 $0x6, s2  }
0x16d: {  	p0 =	por !p0, !p0;
	s9 =	simm.s32 $0x1  }
0x16e: {  	s0 =	sshrl.u32 s0, $0x7;
	s9 =	simm.s32 @!p0 $0x0;
	s2 =	ssub.s32 s24, s2  }
0x16f: {  	s0 =	ssub.s32 s0, s9;
	s2 =	sadd.s32 $0xD, s2  }
0x170: {  	s0 =	sshll.u32 s0, $0x7;
	v6 =	vadd.f32 v13, v6;
	s2 =	sand.u32 $0xFF, s2  }
0x171: {  	s9 =	ssub.s32 s15, s16;
	s16 =	sand.u32 $0x1FFFFF80, s0;
	s2 =	sshll.u32 s2, $0xD  }
0x172: {  	v14 =	vadd.s32 s9, v0;
	s16 =	sadd.s32 s1, s16;
	[tilespmem:s21+$0xFFFFFFB0] =	vst v6;
	s0 =	sor.u32 $0x100, s2  }
0x173: {  	[tilespmem:s0], [sflag:$0x1] =	stream.strided.gather [hbm4b:s16+s11], $0x2000, s12, s11, $0x38;
	[tilespmem:$0x1C100] =	vst v63  }
0x174: {  	_ =	swait.ge [sflag:s10], $0x2000  }
0x175: {  	[sflag:s10] =	ssyncset.done $0x0  }
0x176: {  	[sflag:s10] =	ssyncadd.s32 $0xFFFFE000  }
0x177: {  	v6 =	vld.idx.msk [tilespmem:v14+s14+$0x0], $0xffff  }
0x178: {  	v15 =	vld [tilespmem:s20+$0x0];
	_ =	sdelay $0x2  }
0x179: {  	v16 =	vadd.s32 s9, v1;
	_ =	sdelay $0x1  }
0x17a: {  	v6 =	vadd.f32 v15, v6;
	_ =	sdelay $0x1  }
0x17b: {  	(v2sf) =	vpush v5, $0xE;
	[tilespmem:s21+$0x0] =	vst v6  }
0x17c: {  	v6 =	vld.idx.msk [tilespmem:v16+s14+$0x0], $0xffff  }
0x17d: {  	v17 =	vld [tilespmem:s20+$0x10];
	_ =	sdelay $0x2  }
0x17e: {  	v18 =	vadd.s32 s9, v2;
	_ =	sdelay $0x1  }
0x17f: {  	v6 =	vadd.f32 v17, v6;
	_ =	sdelay $0x1  }
0x180: {  	[tilespmem:s21+$0x10] =	vst v6  }
0x181: {  	v6 =	vld.idx.msk [tilespmem:v18+s14+$0x0], $0xffff  }
0x182: {  	v19 =	vld [tilespmem:s20+$0x20];
	_ =	sdelay $0x2  }
0x183: {  	v20 =	vadd.s32 s9, v3  }
0x184: {  	s15 =	spop (v2sf)  }
0x185: {  	s9 =	sshra.s32 s15, $0x1F;
	v6 =	vadd.f32 v19, v6  }
0x186: {  	s2 =	sshrl.u32 s9, $0x19  }
0x187: {  	s16 =	sadd.s32 $0x95A, s25;
	s2 =	sadd.s32 s2, s15;
	[tilespmem:s21+$0x20] =	vst v6  }
0x188: {  	s9 =	sshrl.u32 s16, $0xA;
	s16 =	sand.u32 $0xFFFFFF80, s2;
	v6 =	vld.idx.msk [tilespmem:v20+s14+$0x0], $0xffff  }
0x189: {  	p3 =	slt.s32 s15, $0x1;
	s9 =	sand.u32 $0x3F, s9;
	p4 =	sne.s32 s15, s16;
	v21 =	vld [tilespmem:s20+$0x30]  }
0x18a: {  	s9 =	smul.u32 $0x6, s9;
	p0 =	por !p3, !p4  }
0x18b: {  	p0 =	por !p0, !p0;
	s14 =	simm.s32 $0x1  }
0x18c: {  	s2 =	sshrl.u32 s2, $0x7;
	s9 =	ssub.s32 s24, s9;
	s14 =	simm.s32 @!p0 $0x0  }
0x18d: {  	s9 =	sadd.s32 $0xE, s9;
	s2 =	ssub.s32 s2, s14  }
0x18e: {  	s9 =	sand.u32 $0xFF, s9;
	s2 =	sshll.u32 s2, $0x7;
	v6 =	vadd.f32 v21, v6  }
0x18f: {  	s4 =	ssub.s32 s18, s4;
	s9 =	sshll.u32 s9, $0xD;
	s18 =	sand.u32 $0x1FFFFF80, s2  }
0x190: {  	v22 =	vadd.s32 s4, v0;
	s2 =	sor.u32 $0x100, s9;
	s18 =	sadd.s32 s1, s18;
	[tilespmem:s21+$0x30] =	vst v6  }
0x191: {  	[tilespmem:s2], [sflag:$0x1] =	stream.strided.gather [hbm4b:s18+s11], $0x2000, s12, s11, $0x38;
	[tilespmem:$0x1C100] =	vst v63  }
0x192: {  	_ =	swait.ge [sflag:s10], $0x2000  }
0x193: {  	[sflag:s10] =	ssyncset.done $0x0  }
0x194: {  	[sflag:s10] =	ssyncadd.s32 $0xFFFFE000  }
0x195: {  	v6 =	vld.idx.msk [tilespmem:v22+s17+$0x0], $0xffff  }
0x196: {  	v23 =	vld [tilespmem:s20+$0x80];
	_ =	sdelay $0x2  }
0x197: {  	v24 =	vadd.s32 s4, v1;
	_ =	sdelay $0x1  }
0x198: {  	v6 =	vadd.f32 v23, v6;
	_ =	sdelay $0x1  }
0x199: {  	(v2sf) =	vpush v5, $0xF;
	[tilespmem:s21+$0x80] =	vst v6  }
0x19a: {  	v5 =	vld.idx.msk [tilespmem:v24+s17+$0x0], $0xffff  }
0x19b: {  	v6 =	vld [tilespmem:s20+$0x90];
	_ =	sdelay $0x2  }
0x19c: {  	v25 =	vadd.s32 s4, v2;
	_ =	sdelay $0x1  }
0x19d: {  	v5 =	vadd.f32 v6, v5;
	_ =	sdelay $0x1  }
0x19e: {  	[tilespmem:s21+$0x90] =	vst v5  }
0x19f: {  	v5 =	vld.idx.msk [tilespmem:v25+s17+$0x0], $0xffff  }
0x1a0: {  	v26 =	vld [tilespmem:s20+$0xA0];
	_ =	sdelay $0x2  }
0x1a1: {  	v27 =	vadd.s32 s4, v3  }
0x1a2: {  	s9 =	spop (v2sf)  }
0x1a3: {  	s14 =	sshra.s32 s9, $0x1F;
	v5 =	vadd.f32 v26, v5  }
0x1a4: {  	s4 =	sshrl.u32 s14, $0x19  }
0x1a5: {  	s18 =	sadd.s32 $0xA05, s25;
	s4 =	sadd.s32 s4, s9;
	[tilespmem:s21+$0xA0] =	vst v5  }
0x1a6: {  	s25 =	sshrl.u32 s18, $0xA;
	s14 =	sand.u32 $0xFFFFFF80, s4;
	v5 =	vld.idx.msk [tilespmem:v27+s17+$0x0], $0xffff  }
0x1a7: {  	p5 =	slt.s32 s9, $0x1;
	p6 =	sne.s32 s9, s14;
	v28 =	vld [tilespmem:s20+$0xB0];
	s17 =	sand.u32 $0x3F, s25  }
0x1a8: {  	p0 =	por !p5, !p6;
	s17 =	smul.u32 $0x6, s17  }
0x1a9: {  	s18 =	simm.s32 $0x1;
	p0 =	por !p0, !p0  }
0x1aa: {  	s4 =	sshrl.u32 s4, $0x7;
	s18 =	simm.s32 @!p0 $0x0;
	s17 =	ssub.s32 s24, s17  }
0x1ab: {  	s4 =	ssub.s32 s4, s18;
	s17 =	sadd.s32 $0xF, s17  }
0x1ac: {  	s4 =	sshll.u32 s4, $0x7;
	v5 =	vadd.f32 v28, v5;
	s17 =	sand.u32 $0xFF, s17  }
0x1ad: {  	s7 =	ssub.s32 s7, s8;
	s18 =	sand.u32 $0x1FFFFF80, s4;
	s17 =	sshll.u32 s17, $0xD  }
0x1ae: {  	s25 =	sadd.s32 s1, s18;
	[tilespmem:s21+$0xB0] =	vst v5;
	s4 =	sor.u32 $0x100, s17;
	v5 =	vadd.s32 s7, v0  }
0x1af: {  	[tilespmem:s4], [sflag:$0x1] =	stream.strided.gather [hbm4b:s25+s11], $0x2000, s12, s11, $0x38;
	[tilespmem:$0x1C100] =	vst v63  }
0x1b0: {  	_ =	swait.ge [sflag:s10], $0x2000  }
0x1b1: {  	[sflag:s10] =	ssyncset.done $0x0  }
0x1b2: {  	[sflag:s10] =	ssyncadd.s32 $0xFFFFE000  }
0x1b3: {  	v5 =	vld.idx.msk [tilespmem:v5+s5+$0x0], $0xffff  }
0x1b4: {  	v29 =	vld [tilespmem:s20+$0x100];
	_ =	sdelay $0x2  }
0x1b5: {  	v30 =	vadd.s32 s7, v1;
	_ =	sdelay $0x1  }
0x1b6: {  	v5 =	vadd.f32 v29, v5;
	_ =	sdelay $0x1  }
0x1b7: {  	[tilespmem:s21+$0x100] =	vst v5  }
0x1b8: {  	p0 =	seq.s32 s24, $0xF0;
	v5 =	vld.idx.msk [tilespmem:v30+s5+$0x0], $0xffff  }
0x1b9: {  	(v2sf) =	vpush @!p0 v4, $0x0;
	v31 =	vld [tilespmem:s20+$0x110];
	_ =	sdelay $0x2  }
0x1ba: {  	v32 =	vadd.s32 s7, v2;
	_ =	sdelay $0x1  }
0x1bb: {  	v5 =	vadd.f32 v31, v5;
	_ =	sdelay $0x1  }
0x1bc: {  	[tilespmem:s21+$0x110] =	vst v5  }
0x1bd: {  	v5 =	vld.idx.msk [tilespmem:v32+s5+$0x0], $0xffff  }
0x1be: {  	v33 =	vld [tilespmem:s20+$0x120];
	_ =	sdelay $0x2  }
0x1bf: {  	v34 =	vadd.s32 s7, v3;
	_ =	sdelay $0x1  }
0x1c0: {  	s7 =	sadd.s32 @!p0 $0x10, s24;
	v5 =	vadd.f32 v33, v5  }
0x1c1: {  	s8 =	sand.u32 @!p0 $0xFFFF, s7;
	s17 =	spop @!p0 (v2sf)  }
0x1c2: {  	s8 =	smul.u32 @!p0 $0xAAAB, s8;
	s18 =	sand.u32 @!p0 $0x7F, s17;
	[tilespmem:s21+$0x120] =	vst v5  }
0x1c3: {  	p1 =	slt.s32 @!p0 s17, $0x1;
	p2 =	sne.s32 @!p0 s18, $0x0;
	v5 =	vld.idx.msk [tilespmem:v34+s5+$0x0], $0xffff  }
0x1c4: {  	p1 =	por @!p0 !p1, !p2;
	v35 =	vld [tilespmem:s20+$0x130];
	s5 =	sshrl.u32 @!p0 s8, $0x12;
	s8 =	sshra.s32 @!p0 s17, $0x1F  }
0x1c5: {  	p1 =	por @!p0 !p1, !p1;
	s5 =	smul.u32 @!p0 $0x6, s5;
	s8 =	sshrl.u32 @!p0 s8, $0x19  }
0x1c6: {  	p1 =	por !p1, p0;
	s8 =	sadd.s32 @!p0 s8, s17;
	s17 =	simm.s32 @!p0 $0x1  }
0x1c7: {  	s5 =	ssub.s32 @!p0 s7, s5;
	s7 =	sshrl.u32 @!p0 s8, $0x7;
	s17 =	simm.s32 @p1 $0x0  }
0x1c8: {  	s5 =	sand.u32 @!p0 $0xFFFF, s5;
	s7 =	ssub.s32 @!p0 s7, s17  }
0x1c9: {  	v5 =	vadd.f32 v35, v5;
	s5 =	sshll.u32 @!p0 s5, $0xD;
	s7 =	sshll.u32 @!p0 s7, $0x7  }
0x1ca: {  	s6 =	ssub.s32 s6, s3;
	s8 =	sor.u32 @!p0 $0x100, s5;
	s3 =	sand.u32 @!p0 $0x1FFFFF80, s7  }
0x1cb: {  	s5 =	simm.s32 @!p0 $0x7A1400;
	[tilespmem:s21+$0x130] =	vst v5;
	s7 =	sadd.s32 @!p0 s1, s3;
	s3 =	simm.s32 @!p0 $0x400;
	v5 =	vadd.s32 s6, v0  }
0x1cc: {  	[tilespmem:s8], [sflag:$0x1] =	stream.strided.gather @!p0 [hbm4b:s7+s3], $0x2000, s5, s3, $0x38;
	[tilespmem:$0x1C100] =	vst v63  }
0x1cd: {  	_ =	swait.ge [sflag:s10], $0x2000  }
0x1ce: {  	[sflag:s10] =	ssyncset.done $0x0  }
0x1cf: {  	[sflag:s10] =	ssyncadd.s32 $0xFFFFE000  }
0x1d0: {  	v5 =	vld.idx.msk [tilespmem:v5+s26+$0x0], $0xffff  }
0x1d1: {  	v36 =	vld [tilespmem:s20+$0x180];
	_ =	sdelay $0x2  }
0x1d2: {  	v37 =	vadd.s32 s6, v1;
	_ =	sdelay $0x1  }
0x1d3: {  	v5 =	vadd.f32 v36, v5;
	_ =	sdelay $0x1  }
0x1d4: {  	[tilespmem:s21+$0x180] =	vst v5  }
0x1d5: {  	v5 =	vld.idx.msk [tilespmem:v37+s26+$0x0], $0xffff  }
0x1d6: {  	(v2sf) =	vpush @!p0 v4, $0x1;
	v38 =	vld [tilespmem:s20+$0x190];
	_ =	sdelay $0x2  }
0x1d7: {  	v39 =	vadd.s32 s6, v2;
	_ =	sdelay $0x1  }
0x1d8: {  	v5 =	vadd.f32 v38, v5;
	_ =	sdelay $0x1  }
0x1d9: {  	[tilespmem:s21+$0x190] =	vst v5  }
0x1da: {  	v5 =	vld.idx.msk [tilespmem:v39+s26+$0x0], $0xffff  }
0x1db: {  	v40 =	vld [tilespmem:s20+$0x1A0];
	_ =	sdelay $0x2  }
0x1dc: {  	v41 =	vadd.s32 s6, v3;
	_ =	sdelay $0x1  }
0x1dd: {  	s6 =	sadd.s32 @!p0 $0x11, s24;
	v5 =	vadd.f32 v40, v5  }
0x1de: {  	s7 =	sand.u32 @!p0 $0xFFFF, s6;
	s8 =	spop @!p0 (v2sf)  }
0x1df: {  	s7 =	smul.u32 @!p0 $0xAAAB, s7;
	s17 =	sand.u32 @!p0 $0x7F, s8;
	[tilespmem:s21+$0x1A0] =	vst v5  }
0x1e0: {  	p1 =	slt.s32 @!p0 s8, $0x1;
	p2 =	sne.s32 @!p0 s17, $0x0;
	v5 =	vld.idx.msk [tilespmem:v41+s26+$0x0], $0xffff  }
0x1e1: {  	s7 =	sshrl.u32 @!p0 s7, $0x12;
	s17 =	sshra.s32 @!p0 s8, $0x1F;
	p1 =	por @!p0 !p1, !p2;
	v42 =	vld [tilespmem:s20+$0x1B0]  }
0x1e2: {  	s7 =	smul.u32 @!p0 $0x6, s7;
	s17 =	sshrl.u32 @!p0 s17, $0x19;
	p1 =	por @!p0 !p1, !p1  }
0x1e3: {  	s8 =	sadd.s32 @!p0 s17, s8;
	s17 =	simm.s32 @!p0 $0x1;
	p1 =	por !p1, p0  }
0x1e4: {  	s8 =	sshrl.u32 @!p0 s8, $0x7;
	s17 =	simm.s32 @p1 $0x0  }
0x1e5: {  	s6 =	ssub.s32 @!p0 s6, s7;
	s7 =	ssub.s32 @!p0 s8, s17  }
0x1e6: {  	s6 =	sand.u32 @!p0 $0xFFFF, s6;
	s7 =	sshll.u32 @!p0 s7, $0x7;
	v5 =	vadd.f32 v42, v5  }
0x1e7: {  	s6 =	sshll.u32 @!p0 s6, $0xD;
	s7 =	sand.u32 @!p0 $0x1FFFFF80, s7;
	s26 =	ssub.s32 s29, s31  }
0x1e8: {  	s6 =	sor.u32 @!p0 $0x100, s6;
	s7 =	sadd.s32 @!p0 s1, s7;
	[tilespmem:s21+$0x1B0] =	vst v5;
	v5 =	vadd.s32 s26, v0  }
0x1e9: {  	[tilespmem:s6], [sflag:$0x1] =	stream.strided.gather @!p0 [hbm4b:s7+s3], $0x2000, s5, s3, $0x38;
	[tilespmem:$0x1C100] =	vst v63  }
0x1ea: {  	_ =	swait.ge [sflag:s10], $0x2000  }
0x1eb: {  	[sflag:s10] =	ssyncset.done $0x0  }
0x1ec: {  	[sflag:s10] =	ssyncadd.s32 $0xFFFFE000  }
0x1ed: {  	v5 =	vld.idx.msk [tilespmem:v5+s13+$0x0], $0xffff  }
0x1ee: {  	v43 =	vld [tilespmem:s20+$0x200];
	_ =	sdelay $0x2  }
0x1ef: {  	v44 =	vadd.s32 s26, v1;
	_ =	sdelay $0x1  }
0x1f0: {  	v5 =	vadd.f32 v43, v5;
	_ =	sdelay $0x1  }
0x1f1: {  	[tilespmem:s21+$0x200] =	vst v5  }
0x1f2: {  	v5 =	vld.idx.msk [tilespmem:v44+s13+$0x0], $0xffff  }
0x1f3: {  	(v2sf) =	vpush @!p0 v4, $0x2;
	v45 =	vld [tilespmem:s20+$0x210];
	_ =	sdelay $0x2  }
0x1f4: {  	v46 =	vadd.s32 s26, v2;
	_ =	sdelay $0x1  }
0x1f5: {  	v5 =	vadd.f32 v45, v5;
	_ =	sdelay $0x1  }
0x1f6: {  	[tilespmem:s21+$0x210] =	vst v5  }
0x1f7: {  	v5 =	vld.idx.msk [tilespmem:v46+s13+$0x0], $0xffff  }
0x1f8: {  	v47 =	vld [tilespmem:s20+$0x220];
	_ =	sdelay $0x2  }
0x1f9: {  	v48 =	vadd.s32 s26, v3;
	_ =	sdelay $0x1  }
0x1fa: {  	s6 =	sadd.s32 @!p0 $0x12, s24;
	v5 =	vadd.f32 v47, v5  }
0x1fb: {  	s7 =	sand.u32 @!p0 $0xFFFF, s6;
	s8 =	spop @!p0 (v2sf)  }
0x1fc: {  	s7 =	smul.u32 @!p0 $0xAAAB, s7;
	s17 =	sand.u32 @!p0 $0x7F, s8;
	[tilespmem:s21+$0x220] =	vst v5  }
0x1fd: {  	p1 =	slt.s32 @!p0 s8, $0x1;
	p2 =	sne.s32 @!p0 s17, $0x0;
	v5 =	vld.idx.msk [tilespmem:v48+s13+$0x0], $0xffff  }
0x1fe: {  	s7 =	sshrl.u32 @!p0 s7, $0x12;
	p1 =	por @!p0 !p1, !p2;
	v49 =	vld [tilespmem:s20+$0x230];
	s13 =	sshra.s32 @!p0 s8, $0x1F  }
0x1ff: {  	s7 =	smul.u32 @!p0 $0x6, s7;
	p1 =	por @!p0 !p1, !p1;
	s13 =	sshrl.u32 @!p0 s13, $0x19  }
0x200: {  	p1 =	por !p1, p0;
	s8 =	sadd.s32 @!p0 s13, s8;
	s13 =	simm.s32 @!p0 $0x1  }
0x201: {  	s8 =	sshrl.u32 @!p0 s8, $0x7;
	s13 =	simm.s32 @p1 $0x0  }
0x202: {  	s6 =	ssub.s32 @!p0 s6, s7;
	s7 =	ssub.s32 @!p0 s8, s13  }
0x203: {  	s6 =	sand.u32 @!p0 $0xFFFF, s6;
	v5 =	vadd.f32 v49, v5;
	s7 =	sshll.u32 @!p0 s7, $0x7  }
0x204: {  	s29 =	ssub.s32 s28, s30;
	s6 =	sshll.u32 @!p0 s6, $0xD;
	s7 =	sand.u32 @!p0 $0x1FFFFF80, s7  }
0x205: {  	s6 =	sor.u32 @!p0 $0x100, s6;
	[tilespmem:s21+$0x230] =	vst v5;
	s7 =	sadd.s32 @!p0 s1, s7;
	v5 =	vadd.s32 s29, v0  }
0x206: {  	[tilespmem:s6], [sflag:$0x1] =	stream.strided.gather @!p0 [hbm4b:s7+s3], $0x2000, s5, s3, $0x38;
	[tilespmem:$0x1C100] =	vst v63  }
0x207: {  	_ =	swait.ge [sflag:s10], $0x2000  }
0x208: {  	[sflag:s10] =	ssyncset.done $0x0  }
0x209: {  	[sflag:s10] =	ssyncadd.s32 $0xFFFFE000  }
0x20a: {  	v5 =	vld.idx.msk [tilespmem:v5+s0+$0x0], $0xffff  }
0x20b: {  	v50 =	vld [tilespmem:s20+$0x280];
	_ =	sdelay $0x2  }
0x20c: {  	v51 =	vadd.s32 s29, v1;
	_ =	sdelay $0x1  }
0x20d: {  	v5 =	vadd.f32 v50, v5;
	_ =	sdelay $0x1  }
0x20e: {  	[tilespmem:s21+$0x280] =	vst v5  }
0x20f: {  	(v2sf) =	vpush @!p0 v4, $0x3;
	v5 =	vld.idx.msk [tilespmem:v51+s0+$0x0], $0xffff  }
0x210: {  	v52 =	vld [tilespmem:s20+$0x290];
	_ =	sdelay $0x2  }
0x211: {  	v53 =	vadd.s32 s29, v2;
	_ =	sdelay $0x1  }
0x212: {  	v5 =	vadd.f32 v52, v5;
	_ =	sdelay $0x1  }
0x213: {  	[tilespmem:s21+$0x290] =	vst v5  }
0x214: {  	v5 =	vld.idx.msk [tilespmem:v53+s0+$0x0], $0xffff  }
0x215: {  	v54 =	vld [tilespmem:s20+$0x2A0];
	_ =	sdelay $0x2  }
0x216: {  	v55 =	vadd.s32 s29, v3;
	_ =	sdelay $0x1  }
0x217: {  	s6 =	sadd.s32 @!p0 $0x13, s24;
	s8 =	spop @!p0 (v2sf);
	v5 =	vadd.f32 v54, v5  }
0x218: {  	s7 =	sand.u32 @!p0 $0xFFFF, s6;
	s13 =	sand.u32 @!p0 $0x7F, s8  }
0x219: {  	s7 =	smul.u32 @!p0 $0xAAAB, s7;
	p1 =	slt.s32 @!p0 s8, $0x1;
	p2 =	sne.s32 @!p0 s13, $0x0;
	[tilespmem:s21+$0x2A0] =	vst v5  }
0x21a: {  	p1 =	por @!p0 !p1, !p2;
	v5 =	vld.idx.msk [tilespmem:v55+s0+$0x0], $0xffff  }
0x21b: {  	p1 =	por @!p0 !p1, !p1;
	v56 =	vld [tilespmem:s20+$0x2B0];
	s0 =	sshrl.u32 @!p0 s7, $0x12;
	s7 =	sshra.s32 @!p0 s8, $0x1F  }
0x21c: {  	p1 =	por !p1, p0;
	s7 =	sshrl.u32 @!p0 s7, $0x19  }
0x21d: {  	s0 =	smul.u32 @!p0 $0x6, s0;
	s7 =	sadd.s32 @!p0 s7, s8;
	s8 =	simm.s32 @!p0 $0x1  }
0x21e: {  	s7 =	sshrl.u32 @!p0 s7, $0x7;
	s8 =	simm.s32 @p1 $0x0  }
0x21f: {  	s0 =	ssub.s32 @!p0 s6, s0;
	s6 =	ssub.s32 @!p0 s7, s8  }
0x220: {  	s0 =	sand.u32 @!p0 $0xFFFF, s0;
	v5 =	vadd.f32 v56, v5;
	s6 =	sshll.u32 @!p0 s6, $0x7  }
0x221: {  	s30 =	ssub.s32 s15, s16;
	s0 =	sshll.u32 @!p0 s0, $0xD;
	s6 =	sand.u32 @!p0 $0x1FFFFF80, s6  }
0x222: {  	s0 =	sor.u32 @!p0 $0x100, s0;
	[tilespmem:s21+$0x2B0] =	vst v5;
	s6 =	sadd.s32 @!p0 s1, s6;
	v5 =	vadd.s32 s30, v0  }
0x223: {  	[tilespmem:s0], [sflag:$0x1] =	stream.strided.gather @!p0 [hbm4b:s6+s3], $0x2000, s5, s3, $0x38;
	[tilespmem:$0x1C100] =	vst v63  }
0x224: {  	_ =	swait.ge [sflag:s10], $0x2000  }
0x225: {  	[sflag:s10] =	ssyncset.done $0x0  }
0x226: {  	[sflag:s10] =	ssyncadd.s32 $0xFFFFE000  }
0x227: {  	v5 =	vld.idx.msk [tilespmem:v5+s2+$0x0], $0xffff  }
0x228: {  	v57 =	vld [tilespmem:s20+$0x300];
	_ =	sdelay $0x2  }
0x229: {  	v58 =	vadd.s32 s30, v1;
	_ =	sdelay $0x1  }
0x22a: {  	v5 =	vadd.f32 v57, v5;
	_ =	sdelay $0x1  }
0x22b: {  	[tilespmem:s21+$0x300] =	vst v5  }
0x22c: {  	v5 =	vld.idx.msk [tilespmem:v58+s2+$0x0], $0xffff  }
0x22d: {  	(v2sf) =	vpush @!p0 v4, $0x4;
	v59 =	vld [tilespmem:s20+$0x310];
	_ =	sdelay $0x2  }
0x22e: {  	v4 =	vadd.s32 s30, v2;
	_ =	sdelay $0x1  }
0x22f: {  	v5 =	vadd.f32 v59, v5;
	_ =	sdelay $0x1  }
0x230: {  	[tilespmem:s21+$0x310] =	vst v5  }
0x231: {  	v4 =	vld.idx.msk [tilespmem:v4+s2+$0x0], $0xffff  }
0x232: {  	v5 =	vld [tilespmem:s20+$0x320];
	_ =	sdelay $0x2  }
0x233: {  	v60 =	vadd.s32 s30, v3;
	_ =	sdelay $0x1  }
0x234: {  	v4 =	vadd.f32 v5, v4  }
0x235: {  	s0 =	sadd.s32 @!p0 $0x14, s24;
	s6 =	spop @!p0 (v2sf)  }
0x236: {  	s7 =	sand.u32 @!p0 $0xFFFF, s0;
	s8 =	sand.u32 @!p0 $0x7F, s6;
	p1 =	slt.s32 @!p0 s6, $0x1;
	[tilespmem:s21+$0x320] =	vst v4  }
0x237: {  	p2 =	sne.s32 @!p0 s8, $0x0;
	s8 =	sshra.s32 @!p0 s6, $0x1F;
	v4 =	vld.idx.msk [tilespmem:v60+s2+$0x0], $0xffff;
	s2 =	smul.u32 @!p0 $0xAAAB, s7  }
0x238: {  	p1 =	por @!p0 !p1, !p2;
	s8 =	sshrl.u32 @!p0 s8, $0x19;
	v5 =	vld [tilespmem:s20+$0x330]  }
0x239: {  	p1 =	por @!p0 !p1, !p1;
	s6 =	sadd.s32 @!p0 s8, s6;
	s2 =	sshrl.u32 @!p0 s2, $0x12  }
0x23a: {  	p1 =	por !p1, p0;
	s7 =	simm.s32 @!p0 $0x1;
	s2 =	smul.u32 @!p0 $0x6, s2  }
0x23b: {  	s6 =	sshrl.u32 @!p0 s6, $0x7;
	s7 =	simm.s32 @p1 $0x0  }
0x23c: {  	s0 =	ssub.s32 @!p0 s0, s2;
	s2 =	ssub.s32 @!p0 s6, s7  }
0x23d: {  	v4 =	vadd.f32 v5, v4;
	s0 =	sand.u32 @!p0 $0xFFFF, s0;
	s2 =	sshll.u32 @!p0 s2, $0x7  }
0x23e: {  	s31 =	ssub.s32 s9, s14;
	s0 =	sshll.u32 @!p0 s0, $0xD;
	s2 =	sand.u32 @!p0 $0x1FFFFF80, s2  }
0x23f: {  	[tilespmem:s21+$0x330] =	vst v4;
	v4 =	vadd.s32 s31, v0;
	s0 =	sor.u32 @!p0 $0x100, s0;
	s2 =	sadd.s32 @!p0 s1, s2  }
0x240: {  	[tilespmem:s0], [sflag:$0x1] =	stream.strided.gather @!p0 [hbm4b:s2+s3], $0x2000, s5, s3, $0x38;
	[tilespmem:$0x1C100] =	vst v63  }
0x241: {  	_ =	swait.ge [sflag:s10], $0x2000  }
0x242: {  	[sflag:s10] =	ssyncset.done $0x0  }
0x243: {  	[sflag:s10] =	ssyncadd.s32 $0xFFFFE000  }
0x244: {  	v4 =	vld.idx.msk [tilespmem:v4+s4+$0x0], $0xffff  }
0x245: {  	v5 =	vld [tilespmem:s20+$0x380];
	_ =	sdelay $0x2  }
0x246: {  	v61 =	vadd.s32 s31, v1;
	_ =	sdelay $0x1  }
0x247: {  	v4 =	vadd.f32 v5, v4;
	_ =	sdelay $0x1  }
0x248: {  	[tilespmem:s21+$0x380] =	vst v4  }
0x249: {  	v4 =	vld.idx.msk [tilespmem:v61+s4+$0x0], $0xffff  }
0x24a: {  	v5 =	vld [tilespmem:s20+$0x390];
	_ =	sdelay $0x2  }
0x24b: {  	v62 =	vadd.s32 s31, v2;
	_ =	sdelay $0x1  }
0x24c: {  	v4 =	vadd.f32 v5, v4;
	_ =	sdelay $0x1  }
0x24d: {  	[tilespmem:s21+$0x390] =	vst v4  }
0x24e: {  	v4 =	vld.idx.msk [tilespmem:v62+s4+$0x0], $0xffff  }
0x24f: {  	v5 =	vld [tilespmem:s20+$0x3A0];
	_ =	sdelay $0x2  }
0x250: {  	v63 =	vadd.s32 s31, v3;
	_ =	sdelay $0x1  }
0x251: {  	v4 =	vadd.f32 v5, v4;
	_ =	sdelay $0x1  }
0x252: {  	[tilespmem:s21+$0x3A0] =	vst v4  }
0x253: {  	v4 =	vld.idx.msk [tilespmem:v63+s4+$0x0], $0xffff  }
0x254: {  	v5 =	vld [tilespmem:s20+$0x3B0]  }
0x255: {  	s24 =	sadd.s32 $0x10, s24  }
0x256: {  	p0 =	sne.s32 s24, $0x100  }
.Ltmp0:
0x257: {  	_ = 	snop;
	(pc) =	sbr.rel @p0 .LBB2_2-.Ltmp0, $4  }
0x258: {  	_ = 	snop  }
0x259: {  	v4 =	vadd.f32 v5, v4  }
0x25a: {  	s23 =	sadd.s32 $0x10, s23  }
0x25b: {  	s22 =	sadd.s32 $0x1, s22;
	s20 =	sadd.s32 $0x800, s20;
	[tilespmem:s21+$0x3B0] =	vst v4;
	s21 =	sadd.s32 $0x800, s21  }
0x25c: {  	s7 =	simm.s32 $0x0;
	s0 =	rddreg [dreg:$0x6];
	s2 =	simm.s32 $0xC100  }
0x25d: {  	[hbm4b:s0+s7] =	stream.linear.scatter [tilespmem:s2], [sflag:$0x2], $0x8000, $0x38;
	[tilespmem:$0x1C100] =	vst v63  }
0x25e: {  	s2 =	simm.s32 $0x2  }
0x25f: {  	_ =	swait.ge [sflag:s2], $0x8000  }
0x260: {  	s19 =	sadd.s32 $0x1, s19;
	s31 =	rddreg [dreg:$0x7]  }
0x261: {  	p0 =	sne.s32 s19, s31  }
.Ltmp1:
0x262: {  	_ = 	snop;
	(pc) =	sbr.rel @p0 .LBB2_1-.Ltmp1, $3  }
0x263: {  	_ =	sdelay $0x1  }
0x264: {  	[sflag:s2] =	ssyncset.done $0x0  }
0x265: {  	[sflag:s2] =	ssyncadd.s32 $0xFFFF8000  }
0x266: {  	_ =	sfence.sel $0x180000  }
0x267: {  	[bflag:$0x0] =	sbarrier.arrive $0xFFFF  }
0x268: {  	_ =	strace $0x90000047  }
0x269: {  	s0 =	stileid.u32;
	[bflag:$0x2] =	sbarrier.arrive $0xFFFF  }
0x26a: {  	p0 =	sne.s32 s0, $0x0;
	s0 =	rddreg [dreg:$0x3]  }
0x26b: {  	s0 =	sadd.s32 @!p0 $0x100000, s0  }
0x26c: {  	[sflag:s0] =	ssyncadd.tile.s32 @!p0 $0x1;
	_ =	shalt  }
.Lfunc_end2:
_tile_overlayer_lowered:
.L_overlay_start_2:
0x26d: {  	(tag) =	ssettag $0x2  }
0x26e: {  	s0 =	rddreg [dreg:$0x0];
	s2 =	stileid.u32  }
0x26f: {  	s1 =	rddreg [dreg:$0x1];
	p0 =	sne.s32 s2, $0x0  }
0x270: {  	s3 =	rddreg [dreg:$0x2];
	[bflag:$0x3] =	sbarrier.arrive $0xFFFF;
	s2 =	simm.s32 @!p0 $0x1C02  }
0x271: {  	[timem:s3], [sflag:s2] =	dma.local @!p0 [hbm:s0], s1  }
0x272: {  	s0 =	simm.s32 @!p0 $0x2  }
0x273: {  	_ =	swait.ge @!p0 [sflag:s0], s1  }
0x274: {  	s1 =	ssub.s32 @!p0 $0x0, s1;
	[sflag:s0] =	ssyncset.done @!p0 $0x0  }
0x275: {  	[sflag:s0] =	ssyncadd.s32 @!p0 s1  }
0x276: {  	[bflag:$0x3] =	sbarrier.arrive $0xFFFF  }
0x277: {  	_ =	shalt  }

</sc_bundles>
